<compile_context>
chip_gen: v7x
topology: tpu7x:2x2x1
jax: 0.10.2.dev20260603
libtpu: 0.0.44.dev20260713+nightly
codegen_flags: <defaults>
</compile_context>

<pallas_src>
import functools

import jax
import jax.numpy as jnp
from jax import lax
from jax.experimental import pallas as pl
from jax.experimental.pallas import tpu as pltpu
from jax.experimental.pallas import tpu_sc as plsc

N = 10000
E = 320000
D = 128
DH = D // 2

NC = 2
NS = 16
NW = NC * NS
EPS = E // NS
EPH = EPS // NC
CH = 128
NFULL = EPS // CH
TAIL = EPS - NFULL * CH
LANES = 16
N_PAD = 10240
RPT = N_PAD // NS
RSTG = RPT // 8


def _sc_aggregate(src, dst, feat_a, feat_b, zeros_agg, zeros_hist):
    mesh = plsc.VectorSubcoreMesh(core_axis_name="c", subcore_axis_name="s")

    @functools.partial(
        pl.kernel,
        mesh=mesh,
        compiler_params=pltpu.CompilerParams(use_tc_tiling_on_sc=False,
                                             needs_layout_passes=False),
        out_type=[
            jax.ShapeDtypeStruct((NC, N_PAD, DH), jnp.float32),
            jax.ShapeDtypeStruct((NW, N_PAD), jnp.float32),
        ],
        scratch_types=[
            pltpu.VMEM((EPS,), jnp.int32),
            pltpu.VMEM((EPS,), jnp.int32),
            pltpu.VMEM((CH, DH), jnp.float32),
            pltpu.VMEM((CH, DH), jnp.float32),
            pltpu.VMEM((CH, DH), jnp.float32),
            pltpu.VMEM((CH, DH), jnp.float32),
            pltpu.VMEM((N_PAD,), jnp.float32),
            pltpu.VMEM((RSTG, DH), jnp.float32),
            pltpu.VMEM_SHARED((N_PAD, DH), jnp.float32),
            pltpu.SemaphoreType.DMA,
            pltpu.SemaphoreType.DMA,
            pltpu.SemaphoreType.DMA,
            pltpu.SemaphoreType.DMA,
            pltpu.SemaphoreType.DMA,
            pltpu.SemaphoreType.DMA,
            pltpu.SemaphoreType.DMA,
            pltpu.SemaphoreType.DMA,
        ],
    )
    def agg_kernel(src_hbm, dst_hbm, fa_hbm, fb_hbm, zagg_hbm, zhist_hbm,
                   agg_out, cnt_out,
                   sidx, didx, rows0, rows1, rows2, rows3, hist, zbuf,
                   agg_sh, gs0, gs1, gs2, gs3, ss0, ss1, ss2, ss3):
        cid = lax.axis_index("c")
        sid = lax.axis_index("s")
        wid = sid * NC + cid
        row0 = sid * RPT
        base = sid * EPS

        pltpu.sync_copy(src_hbm.at[pl.ds(base, EPS)], sidx)
        pltpu.sync_copy(dst_hbm.at[pl.ds(base, EPS)], didx)

        bufs = (rows0, rows1, rows2, rows3)
        gsems = (gs0, gs1, gs2, gs3)
        ssems = (ss0, ss1, ss2, ss3)

        def sl(i):
            return pl.ds(i * CH, CH)

        def one_pass(fsrc, hbase):
            pltpu.sync_copy(zhist_hbm, hist)
            ones_vec = jnp.ones((LANES,), jnp.float32)

            @pl.loop(0, EPH // LANES)
            def _(k):
                iv = didx[pl.ds(hbase + k * LANES, LANES)]
                plsc.addupdate_scatter(hist, [iv], ones_vec)

            pltpu.sync_copy(hist, cnt_out.at[wid])

            pltpu.sync_copy(zagg_hbm, zbuf)
            for k in range(RPT // RSTG):
                pltpu.sync_copy(zbuf,
                                agg_sh.at[pl.ds(row0 + k * RSTG, RSTG)])
            plsc.subcore_barrier()

            def g_start(i, b):
                pltpu.async_copy(fsrc.at[sidx.at[sl(i)]], bufs[b], gsems[b])

            def g_wait(i, b):
                pltpu.make_async_copy(fsrc.at[sidx.at[sl(i)]], bufs[b],
                                      gsems[b]).wait()

            def s_start(i, b):
                pltpu.async_copy(bufs[b], agg_sh.at[didx.at[sl(i)]],
                                 ssems[b], add=True)

            def s_wait(i, b):
                pltpu.make_async_copy(bufs[b], agg_sh.at[didx.at[sl(i)]],
                                      ssems[b]).wait()

            def body(j, b, do_swait, do_gstart):
                g_wait(j, b)
                s_start(j, b)
                if do_swait:
                    s_wait(j - 1, (b - 1) % 4)
                if do_gstart:
                    g_start(j + 3, (b + 3) % 4)

            for i in range(3):
                g_start(i, i)
            for j in range(4):
                body(j, j, j >= 1, True)

            @pl.loop(1, NFULL // 4 - 1)
            def _(g):
                for p in range(4):
                    body(4 * g + p, p, True, True)

            for j in range(4 * (NFULL // 4 - 1), NFULL):
                body(j, j % 4, True, j + 3 < NFULL)
            s_wait(NFULL - 1, (NFULL - 1) % 4)

            if TAIL:
                toff = pl.ds(NFULL * CH, TAIL)
                tbuf = rows0.at[pl.ds(0, TAIL)]
                pltpu.sync_copy(fsrc.at[sidx.at[toff]], tbuf)
                pltpu.sync_copy(tbuf, agg_sh.at[didx.at[toff]], add=True)

            plsc.subcore_barrier()
            for k in range(RPT // RSTG):
                r0 = row0 + k * RSTG
                pltpu.sync_copy(agg_sh.at[pl.ds(r0, RSTG)], zbuf)
                pltpu.sync_copy(zbuf, agg_out.at[cid, pl.ds(r0, RSTG)])
            plsc.subcore_barrier()

        @pl.when(cid == 0)
        def _():
            one_pass(fa_hbm, 0)

        @pl.when(cid == 1)
        def _():
            one_pass(fb_hbm, EPH)

    return agg_kernel(src, dst, feat_a, feat_b, zeros_agg, zeros_hist)


def _combine_body(agg_ref, cnt_ref, feat_ref, wl_ref, bl_ref, wr_ref,
                  out_ref):
    cnt = jnp.sum(cnt_ref[...], axis=0)
    inv = (1.0 / jnp.maximum(cnt, 1.0))[:, None]
    mean_a = agg_ref[0] * inv
    mean_b = agg_ref[1] * inv
    wl = wl_ref[...]
    out_ref[...] = (
        lax.dot_general(mean_a, wl[:, :DH], (((1,), (1,)), ((), ())),
                        preferred_element_type=jnp.float32)
        + lax.dot_general(mean_b, wl[:, DH:], (((1,), (1,)), ((), ())),
                          preferred_element_type=jnp.float32)
        + lax.dot_general(feat_ref[...], wr_ref[...], (((1,), (1,)), ((), ())),
                          preferred_element_type=jnp.float32)
        + bl_ref[...]
    )


def _tc_combine(agg, cnt_parts, feat_pad, W_l, b_l2d, W_r):
    BN = 1024
    return pl.pallas_call(
        _combine_body,
        grid=(N_PAD // BN,),
        in_specs=[
            pl.BlockSpec((NC, BN, DH), lambda i: (0, i, 0)),
            pl.BlockSpec((NW, BN), lambda i: (0, i)),
            pl.BlockSpec((BN, D), lambda i: (i, 0)),
            pl.BlockSpec((D, D), lambda i: (0, 0)),
            pl.BlockSpec((1, D), lambda i: (0, 0)),
            pl.BlockSpec((D, D), lambda i: (0, 0)),
        ],
        out_specs=pl.BlockSpec((BN, D), lambda i: (i, 0)),
        out_shape=jax.ShapeDtypeStruct((N_PAD, D), jnp.float32),
    )(agg, cnt_parts, feat_pad, W_l, b_l2d, W_r)


def kernel(feature, edge_index, W_l, b_l, W_r):
    src = edge_index[0].astype(jnp.int32)
    dst = edge_index[1].astype(jnp.int32)
    feat_pad = jnp.pad(feature, ((0, N_PAD - N), (0, 0)))
    feat_a = feature[:, :DH]
    feat_b = feature[:, DH:]
    zeros_agg = jnp.zeros((RSTG, DH), jnp.float32)
    zeros_hist = jnp.zeros((N_PAD,), jnp.float32)
    agg, cnt_parts = _sc_aggregate(src, dst, feat_a, feat_b,
                                   zeros_agg, zeros_hist)
    out_pad = _tc_combine(agg, cnt_parts, feat_pad, W_l,
                          b_l.reshape(1, D), W_r)
    return out_pad[:N]

# --- scband reference (transcript-rebuilt; emitter-appended) ---
"""Pipeline reference for scband-emily-sage-angle-87703232184758 (READ-ONLY COPY).

The authoritative reference and input builder live on the scoring server;
editing this copy changes nothing except your own understanding.
"""

import jax, jax.numpy as jnp
import numpy as np

N = 10000
E = 320000
D = 128


def setup_inputs(seed: int = 0) -> dict:
    key = jax.random.key(seed)
    k1, k2, k3, k4 = jax.random.split(key, 4)
    feature = jax.random.normal(k1, (N, D), dtype=jnp.float32)
    edge_index = jax.random.randint(k2, (2, E), 0, N, dtype=jnp.int64)
    # SAGEConv parameters: lin_l (applied to aggregated neighbors, has bias)
    # and lin_r (applied to root/self features, no bias), both D -> D.
    scale = 1.0 / np.sqrt(D)
    W_l = jax.random.uniform(k3, (D, D), dtype=jnp.float32, minval=-scale, maxval=scale)
    b_l = jnp.zeros((D,), dtype=jnp.float32)
    W_r = jax.random.uniform(k4, (D, D), dtype=jnp.float32, minval=-scale, maxval=scale)
    return {"feature": feature, "edge_index": edge_index, "W_l": W_l, "b_l": b_l, "W_r": W_r}


def reference(feature, edge_index, W_l, b_l, W_r):
    # SAGEConv with mean aggregation:
    # out_i = W_l @ mean_{j in N(i)} x_j + b_l + W_r @ x_i
    src = edge_index[0]
    dst = edge_index[1]
    msgs = jnp.take(feature, src, axis=0)                      # gather  [E, D]
    summed = jax.ops.segment_sum(msgs, dst, num_segments=N)    # scatter-add [N, D]
    cnt = jax.ops.segment_sum(jnp.ones((E,), dtype=feature.dtype), dst, num_segments=N)
    mean_agg = summed / jnp.clip(cnt, 1.0, None)[:, None]
    out = mean_agg @ W_l.T + b_l + feature @ W_r.T
    return out

if __name__ == "__main__":
    import jax
    _d = setup_inputs()
    print(jax.jit(kernel)(*tuple(_d.values())))

</pallas_src>

<mosaic_0001>
#map = affine_map<(d0, d1) -> (0)>
#map1 = affine_map<(d0, d1) -> (0, 0)>
#map2 = affine_map<(d0, d1) -> (0, 0, 0)>
module attributes {stable_mosaic.version = 14 : i64} {
  func.func @agg_kernel(%arg0: i32, %arg1: i32, %arg2: memref<320000xi32, #tpu.memory_space<hbm>>, %arg3: memref<320000xi32, #tpu.memory_space<hbm>>, %arg4: memref<10000x64xf32, #tpu.memory_space<hbm>>, %arg5: memref<10000x64xf32, #tpu.memory_space<hbm>>, %arg6: memref<80x64xf32, #tpu.memory_space<hbm>>, %arg7: memref<10240xf32, #tpu.memory_space<hbm>>, %arg8: memref<2x10240x64xf32, #tpu.memory_space<hbm>>, %arg9: memref<32x10240xf32, #tpu.memory_space<hbm>>, %arg10: memref<20000xi32, #tpu.memory_space<vmem>>, %arg11: memref<20000xi32, #tpu.memory_space<vmem>>, %arg12: memref<128x64xf32, #tpu.memory_space<vmem>>, %arg13: memref<128x64xf32, #tpu.memory_space<vmem>>, %arg14: memref<128x64xf32, #tpu.memory_space<vmem>>, %arg15: memref<128x64xf32, #tpu.memory_space<vmem>>, %arg16: memref<10240xf32, #tpu.memory_space<vmem>>, %arg17: memref<80x64xf32, #tpu.memory_space<vmem>>, %arg18: memref<10240x64xf32, #tpu.memory_space<vmem_shared>>, %arg19: memref<!tpu.dma_semaphore, #tpu.memory_space<semaphore_mem>>, %arg20: memref<!tpu.dma_semaphore, #tpu.memory_space<semaphore_mem>>, %arg21: memref<!tpu.dma_semaphore, #tpu.memory_space<semaphore_mem>>, %arg22: memref<!tpu.dma_semaphore, #tpu.memory_space<semaphore_mem>>, %arg23: memref<!tpu.dma_semaphore, #tpu.memory_space<semaphore_mem>>, %arg24: memref<!tpu.dma_semaphore, #tpu.memory_space<semaphore_mem>>, %arg25: memref<!tpu.dma_semaphore, #tpu.memory_space<semaphore_mem>>, %arg26: memref<!tpu.dma_semaphore, #tpu.memory_space<semaphore_mem>>) attributes {dimension_semantics = [#tpu.dimension_semantics<core_parallel>, #tpu.dimension_semantics<subcore_parallel>], iteration_bounds = array<i64: 2, 16>, scalar_prefetch = 0 : i64, scratch_operands = 17 : i64, tpu.core_type = #tpu.core_type<sc_vector_subcore>, window_params = [{transform_indices = #map}, {transform_indices = #map}, {transform_indices = #map1}, {transform_indices = #map1}, {transform_indices = #map1}, {transform_indices = #map}, {transform_indices = #map2}, {transform_indices = #map1}]} {
    %mul3A = arith.constant 2 : i32
    %mul3A_0 = arith.muli %arg1, %mul3A : i32
    %add3A = arith.addi %mul3A_0, %arg0 : i32
    %mul3A_1 = arith.constant 640 : i32
    %mul3A_2 = arith.muli %arg1, %mul3A_1 : i32
    %mul3A_3 = arith.constant 20000 : i32
    %mul3A_4 = arith.muli %arg1, %mul3A_3 : i32
    "tpu.region"() ({
      %run_scoped3A = tpu.sem_alloc : memref<!tpu.dma_semaphore, #tpu.memory_space<semaphore_mem>>
      %dma_start3A = tpu.memref_slice %arg2[%mul3A_4] : memref<320000xi32, #tpu.memory_space<hbm>> -> memref<20000xi32, #tpu.memory_space<hbm>>
      %dma_start3A_12 = tpu.memref_slice %arg2[%mul3A_4] : memref<320000xi32, #tpu.memory_space<hbm>> -> memref<20000xi32, #tpu.memory_space<hbm>>
      tpu.enqueue_dma source(%dma_start3A_12 : memref<20000xi32, #tpu.memory_space<hbm>>) target(%arg10 : memref<20000xi32, #tpu.memory_space<vmem>>) target_semaphore(%run_scoped3A : memref<!tpu.dma_semaphore, #tpu.memory_space<semaphore_mem>>)
      %dma_wait3A = tpu.memref_slice %arg2[%mul3A_4] : memref<320000xi32, #tpu.memory_space<hbm>> -> memref<20000xi32, #tpu.memory_space<hbm>>
      %dma_wait3A_13 = tpu.memref_slice %arg2[%mul3A_4] : memref<320000xi32, #tpu.memory_space<hbm>> -> memref<20000xi32, #tpu.memory_space<hbm>>
      tpu.wait_dma2 semaphore(%run_scoped3A : memref<!tpu.dma_semaphore, #tpu.memory_space<semaphore_mem>>) src(%dma_wait3A_13 : memref<20000xi32, #tpu.memory_space<hbm>>) dst(%arg10 : memref<20000xi32, #tpu.memory_space<vmem>>)
      tpu.yield
    }) : () -> ()
    "tpu.region"() ({
      %run_scoped3A = tpu.sem_alloc : memref<!tpu.dma_semaphore, #tpu.memory_space<semaphore_mem>>
      %dma_start3A = tpu.memref_slice %arg3[%mul3A_4] : memref<320000xi32, #tpu.memory_space<hbm>> -> memref<20000xi32, #tpu.memory_space<hbm>>
      %dma_start3A_12 = tpu.memref_slice %arg3[%mul3A_4] : memref<320000xi32, #tpu.memory_space<hbm>> -> memref<20000xi32, #tpu.memory_space<hbm>>
      tpu.enqueue_dma source(%dma_start3A_12 : memref<20000xi32, #tpu.memory_space<hbm>>) target(%arg11 : memref<20000xi32, #tpu.memory_space<vmem>>) target_semaphore(%run_scoped3A : memref<!tpu.dma_semaphore, #tpu.memory_space<semaphore_mem>>)
      %dma_wait3A = tpu.memref_slice %arg3[%mul3A_4] : memref<320000xi32, #tpu.memory_space<hbm>> -> memref<20000xi32, #tpu.memory_space<hbm>>
      %dma_wait3A_13 = tpu.memref_slice %arg3[%mul3A_4] : memref<320000xi32, #tpu.memory_space<hbm>> -> memref<20000xi32, #tpu.memory_space<hbm>>
      tpu.wait_dma2 semaphore(%run_scoped3A : memref<!tpu.dma_semaphore, #tpu.memory_space<semaphore_mem>>) src(%dma_wait3A_13 : memref<20000xi32, #tpu.memory_space<hbm>>) dst(%arg11 : memref<20000xi32, #tpu.memory_space<vmem>>)
      tpu.yield
    }) : () -> ()
    %eq3A = arith.constant 0 : i32
    %eq3A_5 = arith.cmpi eq, %arg0, %eq3A : i32
    %convert_element_type3A = arith.extui %eq3A_5 : i1 to i32
    %cond3A = arith.constant 0 : i32
    %cond3A_6 = arith.cmpi ne, %convert_element_type3A, %cond3A : i32
    scf.if %cond3A_6 {
      "tpu.region"() ({
        %run_scoped3A = tpu.sem_alloc : memref<!tpu.dma_semaphore, #tpu.memory_space<semaphore_mem>>
        tpu.enqueue_dma source(%arg7 : memref<10240xf32, #tpu.memory_space<hbm>>) target(%arg16 : memref<10240xf32, #tpu.memory_space<vmem>>) target_semaphore(%run_scoped3A : memref<!tpu.dma_semaphore, #tpu.memory_space<semaphore_mem>>)
        tpu.wait_dma2 semaphore(%run_scoped3A : memref<!tpu.dma_semaphore, #tpu.memory_space<semaphore_mem>>) src(%arg7 : memref<10240xf32, #tpu.memory_space<hbm>>) dst(%arg16 : memref<10240xf32, #tpu.memory_space<vmem>>)
        tpu.yield
      }) : () -> ()
      %broadcast_in_dim3A = arith.constant 1.000000e+00 : f32
      %broadcast_in_dim3A_12 = vector.broadcast %broadcast_in_dim3A : f32 to vector<16xf32>
      %scan3A = arith.constant 0 : i32
      %scan3A_13 = arith.constant 625 : i32
      %scan3A_14 = arith.addi %scan3A, %scan3A_13 : i32
      %scan3A_15 = arith.constant 1 : i32
      scf.for %scan3A_214 = %scan3A to %scan3A_14 step %scan3A_15  : i32 {
        %mul3A_215 = arith.constant 1 : i32
        %mul3A_216 = arith.muli %scan3A_214, %mul3A_215 : i32
        %add3A_217 = arith.constant 0 : i32
        %add3A_218 = arith.addi %add3A_217, %mul3A_216 : i32
        %mul3A_219 = arith.constant 16 : i32
        %mul3A_220 = arith.muli %add3A_218, %mul3A_219 : i32
        %add3A_221 = arith.constant 0 : i32
        %add3A_222 = arith.addi %add3A_221, %mul3A_220 : i32
        %get3A = arith.index_cast %add3A_222 : i32 to index
        %get3A_223 = tpu.vector_load %arg11[%get3A] {strides = array<i32>} : memref<20000xi32, #tpu.memory_space<vmem>>, vector<16xi32>,
        tpu.vector_store_idx %arg16[%get3A_223], %broadcast_in_dim3A_12 {add = true} : memref<10240xf32, #tpu.memory_space<vmem>>[vector<16xi32>], vector<16xf32>,
      }
      %scan3A_16 = arith.constant 625 : i32
      "tpu.region"() ({
        %run_scoped3A = tpu.sem_alloc : memref<!tpu.dma_semaphore, #tpu.memory_space<semaphore_mem>>
        %dma_start3A_214 = arith.constant 0 : i32
        %dma_start3A_215 = tpu.memref_slice %arg9[%add3A, %dma_start3A_214] : memref<32x10240xf32, #tpu.memory_space<hbm>> -> memref<1x10240xf32, #tpu.memory_space<hbm>>
        %dma_start3A_216 = tpu.memref_squeeze %dma_start3A_215 : memref<1x10240xf32, #tpu.memory_space<hbm>> -> memref<10240xf32, #tpu.memory_space<hbm>>
        %dma_start3A_217 = arith.constant 0 : i32
        %dma_start3A_218 = tpu.memref_slice %arg9[%add3A, %dma_start3A_217] : memref<32x10240xf32, #tpu.memory_space<hbm>> -> memref<1x10240xf32, #tpu.memory_space<hbm>>
        %dma_start3A_219 = tpu.memref_squeeze %dma_start3A_218 : memref<1x10240xf32, #tpu.memory_space<hbm>> -> memref<10240xf32, #tpu.memory_space<hbm>>
        tpu.enqueue_dma source(%arg16 : memref<10240xf32, #tpu.memory_space<vmem>>) target(%dma_start3A_219 : memref<10240xf32, #tpu.memory_space<hbm>>) target_semaphore(%run_scoped3A : memref<!tpu.dma_semaphore, #tpu.memory_space<semaphore_mem>>)
        %dma_wait3A_220 = arith.constant 0 : i32
        %dma_wait3A_221 = tpu.memref_slice %arg9[%add3A, %dma_wait3A_220] : memref<32x10240xf32, #tpu.memory_space<hbm>> -> memref<1x10240xf32, #tpu.memory_space<hbm>>
        %dma_wait3A_222 = tpu.memref_squeeze %dma_wait3A_221 : memref<1x10240xf32, #tpu.memory_space<hbm>> -> memref<10240xf32, #tpu.memory_space<hbm>>
        %dma_wait3A_223 = arith.constant 0 : i32
        %dma_wait3A_224 = tpu.memref_slice %arg9[%add3A, %dma_wait3A_223] : memref<32x10240xf32, #tpu.memory_space<hbm>> -> memref<1x10240xf32, #tpu.memory_space<hbm>>
        %dma_wait3A_225 = tpu.memref_squeeze %dma_wait3A_224 : memref<1x10240xf32, #tpu.memory_space<hbm>> -> memref<10240xf32, #tpu.memory_space<hbm>>
        tpu.wait_dma2 semaphore(%run_scoped3A : memref<!tpu.dma_semaphore, #tpu.memory_space<semaphore_mem>>) src(%arg16 : memref<10240xf32, #tpu.memory_space<vmem>>) dst(%dma_wait3A_225 : memref<10240xf32, #tpu.memory_space<hbm>>)
        tpu.yield
      }) : () -> ()
      "tpu.region"() ({
        %run_scoped3A = tpu.sem_alloc : memref<!tpu.dma_semaphore, #tpu.memory_space<semaphore_mem>>
        tpu.enqueue_dma source(%arg6 : memref<80x64xf32, #tpu.memory_space<hbm>>) target(%arg17 : memref<80x64xf32, #tpu.memory_space<vmem>>) target_semaphore(%run_scoped3A : memref<!tpu.dma_semaphore, #tpu.memory_space<semaphore_mem>>)
        tpu.wait_dma2 semaphore(%run_scoped3A : memref<!tpu.dma_semaphore, #tpu.memory_space<semaphore_mem>>) src(%arg6 : memref<80x64xf32, #tpu.memory_space<hbm>>) dst(%arg17 : memref<80x64xf32, #tpu.memory_space<vmem>>)
        tpu.yield
      }) : () -> ()
      %add3A_17 = arith.constant 0 : i32
      %add3A_18 = arith.addi %mul3A_2, %add3A_17 : i32
      "tpu.region"() ({
        %run_scoped3A = tpu.sem_alloc : memref<!tpu.dma_semaphore, #tpu.memory_space<semaphore_mem>>
        %dma_start3A_214 = arith.constant 0 : i32
        %dma_start3A_215 = tpu.memref_slice %arg18[%add3A_18, %dma_start3A_214] : memref<10240x64xf32, #tpu.memory_space<vmem_shared>> -> memref<80x64xf32, #tpu.memory_space<vmem_shared>>
        %dma_start3A_216 = arith.constant 0 : i32
        %dma_start3A_217 = tpu.memref_slice %arg18[%add3A_18, %dma_start3A_216] : memref<10240x64xf32, #tpu.memory_space<vmem_shared>> -> memref<80x64xf32, #tpu.memory_space<vmem_shared>>
        tpu.enqueue_dma source(%arg17 : memref<80x64xf32, #tpu.memory_space<vmem>>) target(%dma_start3A_217 : memref<80x64xf32, #tpu.memory_space<vmem_shared>>) target_semaphore(%run_scoped3A : memref<!tpu.dma_semaphore, #tpu.memory_space<semaphore_mem>>)
        %dma_wait3A_218 = arith.constant 0 : i32
        %dma_wait3A_219 = tpu.memref_slice %arg18[%add3A_18, %dma_wait3A_218] : memref<10240x64xf32, #tpu.memory_space<vmem_shared>> -> memref<80x64xf32, #tpu.memory_space<vmem_shared>>
        %dma_wait3A_220 = arith.constant 0 : i32
        %dma_wait3A_221 = tpu.memref_slice %arg18[%add3A_18, %dma_wait3A_220] : memref<10240x64xf32, #tpu.memory_space<vmem_shared>> -> memref<80x64xf32, #tpu.memory_space<vmem_shared>>
        tpu.wait_dma2 semaphore(%run_scoped3A : memref<!tpu.dma_semaphore, #tpu.memory_space<semaphore_mem>>) src(%arg17 : memref<80x64xf32, #tpu.memory_space<vmem>>) dst(%dma_wait3A_221 : memref<80x64xf32, #tpu.memory_space<vmem_shared>>)
        tpu.yield
      }) : () -> ()
      %add3A_19 = arith.constant 80 : i32
      %add3A_20 = arith.addi %mul3A_2, %add3A_19 : i32
      "tpu.region"() ({
        %run_scoped3A = tpu.sem_alloc : memref<!tpu.dma_semaphore, #tpu.memory_space<semaphore_mem>>
        %dma_start3A_214 = arith.constant 0 : i32
        %dma_start3A_215 = tpu.memref_slice %arg18[%add3A_20, %dma_start3A_214] : memref<10240x64xf32, #tpu.memory_space<vmem_shared>> -> memref<80x64xf32, #tpu.memory_space<vmem_shared>>
        %dma_start3A_216 = arith.constant 0 : i32
        %dma_start3A_217 = tpu.memref_slice %arg18[%add3A_20, %dma_start3A_216] : memref<10240x64xf32, #tpu.memory_space<vmem_shared>> -> memref<80x64xf32, #tpu.memory_space<vmem_shared>>
        tpu.enqueue_dma source(%arg17 : memref<80x64xf32, #tpu.memory_space<vmem>>) target(%dma_start3A_217 : memref<80x64xf32, #tpu.memory_space<vmem_shared>>) target_semaphore(%run_scoped3A : memref<!tpu.dma_semaphore, #tpu.memory_space<semaphore_mem>>)
        %dma_wait3A_218 = arith.constant 0 : i32
        %dma_wait3A_219 = tpu.memref_slice %arg18[%add3A_20, %dma_wait3A_218] : memref<10240x64xf32, #tpu.memory_space<vmem_shared>> -> memref<80x64xf32, #tpu.memory_space<vmem_shared>>
        %dma_wait3A_220 = arith.constant 0 : i32
        %dma_wait3A_221 = tpu.memref_slice %arg18[%add3A_20, %dma_wait3A_220] : memref<10240x64xf32, #tpu.memory_space<vmem_shared>> -> memref<80x64xf32, #tpu.memory_space<vmem_shared>>
        tpu.wait_dma2 semaphore(%run_scoped3A : memref<!tpu.dma_semaphore, #tpu.memory_space<semaphore_mem>>) src(%arg17 : memref<80x64xf32, #tpu.memory_space<vmem>>) dst(%dma_wait3A_221 : memref<80x64xf32, #tpu.memory_space<vmem_shared>>)
        tpu.yield
      }) : () -> ()
      %add3A_21 = arith.constant 160 : i32
      %add3A_22 = arith.addi %mul3A_2, %add3A_21 : i32
      "tpu.region"() ({
        %run_scoped3A = tpu.sem_alloc : memref<!tpu.dma_semaphore, #tpu.memory_space<semaphore_mem>>
        %dma_start3A_214 = arith.constant 0 : i32
        %dma_start3A_215 = tpu.memref_slice %arg18[%add3A_22, %dma_start3A_214] : memref<10240x64xf32, #tpu.memory_space<vmem_shared>> -> memref<80x64xf32, #tpu.memory_space<vmem_shared>>
        %dma_start3A_216 = arith.constant 0 : i32
        %dma_start3A_217 = tpu.memref_slice %arg18[%add3A_22, %dma_start3A_216] : memref<10240x64xf32, #tpu.memory_space<vmem_shared>> -> memref<80x64xf32, #tpu.memory_space<vmem_shared>>
        tpu.enqueue_dma source(%arg17 : memref<80x64xf32, #tpu.memory_space<vmem>>) target(%dma_start3A_217 : memref<80x64xf32, #tpu.memory_space<vmem_shared>>) target_semaphore(%run_scoped3A : memref<!tpu.dma_semaphore, #tpu.memory_space<semaphore_mem>>)
        %dma_wait3A_218 = arith.constant 0 : i32
        %dma_wait3A_219 = tpu.memref_slice %arg18[%add3A_22, %dma_wait3A_218] : memref<10240x64xf32, #tpu.memory_space<vmem_shared>> -> memref<80x64xf32, #tpu.memory_space<vmem_shared>>
        %dma_wait3A_220 = arith.constant 0 : i32
        %dma_wait3A_221 = tpu.memref_slice %arg18[%add3A_22, %dma_wait3A_220] : memref<10240x64xf32, #tpu.memory_space<vmem_shared>> -> memref<80x64xf32, #tpu.memory_space<vmem_shared>>
        tpu.wait_dma2 semaphore(%run_scoped3A : memref<!tpu.dma_semaphore, #tpu.memory_space<semaphore_mem>>) src(%arg17 : memref<80x64xf32, #tpu.memory_space<vmem>>) dst(%dma_wait3A_221 : memref<80x64xf32, #tpu.memory_space<vmem_shared>>)
        tpu.yield
      }) : () -> ()
      %add3A_23 = arith.constant 240 : i32
      %add3A_24 = arith.addi %mul3A_2, %add3A_23 : i32
      "tpu.region"() ({
        %run_scoped3A = tpu.sem_alloc : memref<!tpu.dma_semaphore, #tpu.memory_space<semaphore_mem>>
        %dma_start3A_214 = arith.constant 0 : i32
        %dma_start3A_215 = tpu.memref_slice %arg18[%add3A_24, %dma_start3A_214] : memref<10240x64xf32, #tpu.memory_space<vmem_shared>> -> memref<80x64xf32, #tpu.memory_space<vmem_shared>>
        %dma_start3A_216 = arith.constant 0 : i32
        %dma_start3A_217 = tpu.memref_slice %arg18[%add3A_24, %dma_start3A_216] : memref<10240x64xf32, #tpu.memory_space<vmem_shared>> -> memref<80x64xf32, #tpu.memory_space<vmem_shared>>
        tpu.enqueue_dma source(%arg17 : memref<80x64xf32, #tpu.memory_space<vmem>>) target(%dma_start3A_217 : memref<80x64xf32, #tpu.memory_space<vmem_shared>>) target_semaphore(%run_scoped3A : memref<!tpu.dma_semaphore, #tpu.memory_space<semaphore_mem>>)
        %dma_wait3A_218 = arith.constant 0 : i32
        %dma_wait3A_219 = tpu.memref_slice %arg18[%add3A_24, %dma_wait3A_218] : memref<10240x64xf32, #tpu.memory_space<vmem_shared>> -> memref<80x64xf32, #tpu.memory_space<vmem_shared>>
        %dma_wait3A_220 = arith.constant 0 : i32
        %dma_wait3A_221 = tpu.memref_slice %arg18[%add3A_24, %dma_wait3A_220] : memref<10240x64xf32, #tpu.memory_space<vmem_shared>> -> memref<80x64xf32, #tpu.memory_space<vmem_shared>>
        tpu.wait_dma2 semaphore(%run_scoped3A : memref<!tpu.dma_semaphore, #tpu.memory_space<semaphore_mem>>) src(%arg17 : memref<80x64xf32, #tpu.memory_space<vmem>>) dst(%dma_wait3A_221 : memref<80x64xf32, #tpu.memory_space<vmem_shared>>)
        tpu.yield
      }) : () -> ()
      %add3A_25 = arith.constant 320 : i32
      %add3A_26 = arith.addi %mul3A_2, %add3A_25 : i32
      "tpu.region"() ({
        %run_scoped3A = tpu.sem_alloc : memref<!tpu.dma_semaphore, #tpu.memory_space<semaphore_mem>>
        %dma_start3A_214 = arith.constant 0 : i32
        %dma_start3A_215 = tpu.memref_slice %arg18[%add3A_26, %dma_start3A_214] : memref<10240x64xf32, #tpu.memory_space<vmem_shared>> -> memref<80x64xf32, #tpu.memory_space<vmem_shared>>
        %dma_start3A_216 = arith.constant 0 : i32
        %dma_start3A_217 = tpu.memref_slice %arg18[%add3A_26, %dma_start3A_216] : memref<10240x64xf32, #tpu.memory_space<vmem_shared>> -> memref<80x64xf32, #tpu.memory_space<vmem_shared>>
        tpu.enqueue_dma source(%arg17 : memref<80x64xf32, #tpu.memory_space<vmem>>) target(%dma_start3A_217 : memref<80x64xf32, #tpu.memory_space<vmem_shared>>) target_semaphore(%run_scoped3A : memref<!tpu.dma_semaphore, #tpu.memory_space<semaphore_mem>>)
        %dma_wait3A_218 = arith.constant 0 : i32
        %dma_wait3A_219 = tpu.memref_slice %arg18[%add3A_26, %dma_wait3A_218] : memref<10240x64xf32, #tpu.memory_space<vmem_shared>> -> memref<80x64xf32, #tpu.memory_space<vmem_shared>>
        %dma_wait3A_220 = arith.constant 0 : i32
        %dma_wait3A_221 = tpu.memref_slice %arg18[%add3A_26, %dma_wait3A_220] : memref<10240x64xf32, #tpu.memory_space<vmem_shared>> -> memref<80x64xf32, #tpu.memory_space<vmem_shared>>
        tpu.wait_dma2 semaphore(%run_scoped3A : memref<!tpu.dma_semaphore, #tpu.memory_space<semaphore_mem>>) src(%arg17 : memref<80x64xf32, #tpu.memory_space<vmem>>) dst(%dma_wait3A_221 : memref<80x64xf32, #tpu.memory_space<vmem_shared>>)
        tpu.yield
      }) : () -> ()
      %add3A_27 = arith.constant 400 : i32
      %add3A_28 = arith.addi %mul3A_2, %add3A_27 : i32
      "tpu.region"() ({
        %run_scoped3A = tpu.sem_alloc : memref<!tpu.dma_semaphore, #tpu.memory_space<semaphore_mem>>
        %dma_start3A_214 = arith.constant 0 : i32
        %dma_start3A_215 = tpu.memref_slice %arg18[%add3A_28, %dma_start3A_214] : memref<10240x64xf32, #tpu.memory_space<vmem_shared>> -> memref<80x64xf32, #tpu.memory_space<vmem_shared>>
        %dma_start3A_216 = arith.constant 0 : i32
        %dma_start3A_217 = tpu.memref_slice %arg18[%add3A_28, %dma_start3A_216] : memref<10240x64xf32, #tpu.memory_space<vmem_shared>> -> memref<80x64xf32, #tpu.memory_space<vmem_shared>>
        tpu.enqueue_dma source(%arg17 : memref<80x64xf32, #tpu.memory_space<vmem>>) target(%dma_start3A_217 : memref<80x64xf32, #tpu.memory_space<vmem_shared>>) target_semaphore(%run_scoped3A : memref<!tpu.dma_semaphore, #tpu.memory_space<semaphore_mem>>)
        %dma_wait3A_218 = arith.constant 0 : i32
        %dma_wait3A_219 = tpu.memref_slice %arg18[%add3A_28, %dma_wait3A_218] : memref<10240x64xf32, #tpu.memory_space<vmem_shared>> -> memref<80x64xf32, #tpu.memory_space<vmem_shared>>
        %dma_wait3A_220 = arith.constant 0 : i32
        %dma_wait3A_221 = tpu.memref_slice %arg18[%add3A_28, %dma_wait3A_220] : memref<10240x64xf32, #tpu.memory_space<vmem_shared>> -> memref<80x64xf32, #tpu.memory_space<vmem_shared>>
        tpu.wait_dma2 semaphore(%run_scoped3A : memref<!tpu.dma_semaphore, #tpu.memory_space<semaphore_mem>>) src(%arg17 : memref<80x64xf32, #tpu.memory_space<vmem>>) dst(%dma_wait3A_221 : memref<80x64xf32, #tpu.memory_space<vmem_shared>>)
        tpu.yield
      }) : () -> ()
      %add3A_29 = arith.constant 480 : i32
      %add3A_30 = arith.addi %mul3A_2, %add3A_29 : i32
      "tpu.region"() ({
        %run_scoped3A = tpu.sem_alloc : memref<!tpu.dma_semaphore, #tpu.memory_space<semaphore_mem>>
        %dma_start3A_214 = arith.constant 0 : i32
        %dma_start3A_215 = tpu.memref_slice %arg18[%add3A_30, %dma_start3A_214] : memref<10240x64xf32, #tpu.memory_space<vmem_shared>> -> memref<80x64xf32, #tpu.memory_space<vmem_shared>>
        %dma_start3A_216 = arith.constant 0 : i32
        %dma_start3A_217 = tpu.memref_slice %arg18[%add3A_30, %dma_start3A_216] : memref<10240x64xf32, #tpu.memory_space<vmem_shared>> -> memref<80x64xf32, #tpu.memory_space<vmem_shared>>
        tpu.enqueue_dma source(%arg17 : memref<80x64xf32, #tpu.memory_space<vmem>>) target(%dma_start3A_217 : memref<80x64xf32, #tpu.memory_space<vmem_shared>>) target_semaphore(%run_scoped3A : memref<!tpu.dma_semaphore, #tpu.memory_space<semaphore_mem>>)
        %dma_wait3A_218 = arith.constant 0 : i32
        %dma_wait3A_219 = tpu.memref_slice %arg18[%add3A_30, %dma_wait3A_218] : memref<10240x64xf32, #tpu.memory_space<vmem_shared>> -> memref<80x64xf32, #tpu.memory_space<vmem_shared>>
        %dma_wait3A_220 = arith.constant 0 : i32
        %dma_wait3A_221 = tpu.memref_slice %arg18[%add3A_30, %dma_wait3A_220] : memref<10240x64xf32, #tpu.memory_space<vmem_shared>> -> memref<80x64xf32, #tpu.memory_space<vmem_shared>>
        tpu.wait_dma2 semaphore(%run_scoped3A : memref<!tpu.dma_semaphore, #tpu.memory_space<semaphore_mem>>) src(%arg17 : memref<80x64xf32, #tpu.memory_space<vmem>>) dst(%dma_wait3A_221 : memref<80x64xf32, #tpu.memory_space<vmem_shared>>)
        tpu.yield
      }) : () -> ()
      %add3A_31 = arith.constant 560 : i32
      %add3A_32 = arith.addi %mul3A_2, %add3A_31 : i32
      "tpu.region"() ({
        %run_scoped3A = tpu.sem_alloc : memref<!tpu.dma_semaphore, #tpu.memory_space<semaphore_mem>>
        %dma_start3A_214 = arith.constant 0 : i32
        %dma_start3A_215 = tpu.memref_slice %arg18[%add3A_32, %dma_start3A_214] : memref<10240x64xf32, #tpu.memory_space<vmem_shared>> -> memref<80x64xf32, #tpu.memory_space<vmem_shared>>
        %dma_start3A_216 = arith.constant 0 : i32
        %dma_start3A_217 = tpu.memref_slice %arg18[%add3A_32, %dma_start3A_216] : memref<10240x64xf32, #tpu.memory_space<vmem_shared>> -> memref<80x64xf32, #tpu.memory_space<vmem_shared>>
        tpu.enqueue_dma source(%arg17 : memref<80x64xf32, #tpu.memory_space<vmem>>) target(%dma_start3A_217 : memref<80x64xf32, #tpu.memory_space<vmem_shared>>) target_semaphore(%run_scoped3A : memref<!tpu.dma_semaphore, #tpu.memory_space<semaphore_mem>>)
        %dma_wait3A_218 = arith.constant 0 : i32
        %dma_wait3A_219 = tpu.memref_slice %arg18[%add3A_32, %dma_wait3A_218] : memref<10240x64xf32, #tpu.memory_space<vmem_shared>> -> memref<80x64xf32, #tpu.memory_space<vmem_shared>>
        %dma_wait3A_220 = arith.constant 0 : i32
        %dma_wait3A_221 = tpu.memref_slice %arg18[%add3A_32, %dma_wait3A_220] : memref<10240x64xf32, #tpu.memory_space<vmem_shared>> -> memref<80x64xf32, #tpu.memory_space<vmem_shared>>
        tpu.wait_dma2 semaphore(%run_scoped3A : memref<!tpu.dma_semaphore, #tpu.memory_space<semaphore_mem>>) src(%arg17 : memref<80x64xf32, #tpu.memory_space<vmem>>) dst(%dma_wait3A_221 : memref<80x64xf32, #tpu.memory_space<vmem_shared>>)
        tpu.yield
      }) : () -> ()
      %barrier3A = arith.constant 0 : index
      tpu.barrier barrier_id(%barrier3A)
      %dma_start3A = arith.constant 0 : i32
      %dma_start3A_33 = tpu.memref_slice %arg10[%dma_start3A] : memref<20000xi32, #tpu.memory_space<vmem>> -> memref<128xi32, #tpu.memory_space<vmem>>
      %dma_start3A_34 = arith.constant 0 : i32
      %dma_start3A_35 = arith.constant 0 : i32
      %dma_start3A_36 = tpu.memref_slice %arg4[%dma_start3A_34, %dma_start3A_35] : memref<10000x64xf32, #tpu.memory_space<hbm>> -> memref<10000x64xf32, #tpu.memory_space<hbm>>
      tpu.enqueue_indirect_dma source(%dma_start3A_36 : memref<10000x64xf32, #tpu.memory_space<hbm>>) target(%arg12 : memref<128x64xf32, #tpu.memory_space<vmem>>) offsets(%dma_start3A_33 : memref<128xi32, #tpu.memory_space<vmem>>) semaphore(%arg19 : memref<!tpu.dma_semaphore, #tpu.memory_space<semaphore_mem>>)
      %dma_start3A_37 = arith.constant 128 : i32
      %dma_start3A_38 = tpu.memref_slice %arg10[%dma_start3A_37] : memref<20000xi32, #tpu.memory_space<vmem>> -> memref<128xi32, #tpu.memory_space<vmem>>
      %dma_start3A_39 = arith.constant 0 : i32
      %dma_start3A_40 = arith.constant 0 : i32
      %dma_start3A_41 = tpu.memref_slice %arg4[%dma_start3A_39, %dma_start3A_40] : memref<10000x64xf32, #tpu.memory_space<hbm>> -> memref<10000x64xf32, #tpu.memory_space<hbm>>
      tpu.enqueue_indirect_dma source(%dma_start3A_41 : memref<10000x64xf32, #tpu.memory_space<hbm>>) target(%arg13 : memref<128x64xf32, #tpu.memory_space<vmem>>) offsets(%dma_start3A_38 : memref<128xi32, #tpu.memory_space<vmem>>) semaphore(%arg20 : memref<!tpu.dma_semaphore, #tpu.memory_space<semaphore_mem>>)
      %dma_start3A_42 = arith.constant 256 : i32
      %dma_start3A_43 = tpu.memref_slice %arg10[%dma_start3A_42] : memref<20000xi32, #tpu.memory_space<vmem>> -> memref<128xi32, #tpu.memory_space<vmem>>
      %dma_start3A_44 = arith.constant 0 : i32
      %dma_start3A_45 = arith.constant 0 : i32
      %dma_start3A_46 = tpu.memref_slice %arg4[%dma_start3A_44, %dma_start3A_45] : memref<10000x64xf32, #tpu.memory_space<hbm>> -> memref<10000x64xf32, #tpu.memory_space<hbm>>
      tpu.enqueue_indirect_dma source(%dma_start3A_46 : memref<10000x64xf32, #tpu.memory_space<hbm>>) target(%arg14 : memref<128x64xf32, #tpu.memory_space<vmem>>) offsets(%dma_start3A_43 : memref<128xi32, #tpu.memory_space<vmem>>) semaphore(%arg21 : memref<!tpu.dma_semaphore, #tpu.memory_space<semaphore_mem>>)
      %dma_wait3A = arith.constant 0 : i32
      %dma_wait3A_47 = tpu.memref_slice %arg10[%dma_wait3A] : memref<20000xi32, #tpu.memory_space<vmem>> -> memref<128xi32, #tpu.memory_space<vmem>>
      %dma_wait3A_48 = arith.constant 0 : i32
      %dma_wait3A_49 = arith.constant 0 : i32
      %dma_wait3A_50 = tpu.memref_slice %arg4[%dma_wait3A_48, %dma_wait3A_49] : memref<10000x64xf32, #tpu.memory_space<hbm>> -> memref<10000x64xf32, #tpu.memory_space<hbm>>
      tpu.wait_indirect_dma semaphore(%arg19 : memref<!tpu.dma_semaphore, #tpu.memory_space<semaphore_mem>>) src(%dma_wait3A_50 : memref<10000x64xf32, #tpu.memory_space<hbm>>) dst(%arg12 : memref<128x64xf32, #tpu.memory_space<vmem>>)
      %dma_start3A_51 = arith.constant 0 : i32
      %dma_start3A_52 = tpu.memref_slice %arg11[%dma_start3A_51] : memref<20000xi32, #tpu.memory_space<vmem>> -> memref<128xi32, #tpu.memory_space<vmem>>
      %dma_start3A_53 = arith.constant 0 : i32
      %dma_start3A_54 = arith.constant 0 : i32
      %dma_start3A_55 = tpu.memref_slice %arg18[%dma_start3A_53, %dma_start3A_54] : memref<10240x64xf32, #tpu.memory_space<vmem_shared>> -> memref<10240x64xf32, #tpu.memory_space<vmem_shared>>
      tpu.enqueue_indirect_dma source(%arg12 : memref<128x64xf32, #tpu.memory_space<vmem>>) target(%dma_start3A_55 : memref<10240x64xf32, #tpu.memory_space<vmem_shared>>) offsets(%dma_start3A_52 : memref<128xi32, #tpu.memory_space<vmem>>) semaphore(%arg23 : memref<!tpu.dma_semaphore, #tpu.memory_space<semaphore_mem>>) {add = true}
      %dma_start3A_56 = arith.constant 384 : i32
      %dma_start3A_57 = tpu.memref_slice %arg10[%dma_start3A_56] : memref<20000xi32, #tpu.memory_space<vmem>> -> memref<128xi32, #tpu.memory_space<vmem>>
      %dma_start3A_58 = arith.constant 0 : i32
      %dma_start3A_59 = arith.constant 0 : i32
      %dma_start3A_60 = tpu.memref_slice %arg4[%dma_start3A_58, %dma_start3A_59] : memref<10000x64xf32, #tpu.memory_space<hbm>> -> memref<10000x64xf32, #tpu.memory_space<hbm>>
      tpu.enqueue_indirect_dma source(%dma_start3A_60 : memref<10000x64xf32, #tpu.memory_space<hbm>>) target(%arg15 : memref<128x64xf32, #tpu.memory_space<vmem>>) offsets(%dma_start3A_57 : memref<128xi32, #tpu.memory_space<vmem>>) semaphore(%arg22 : memref<!tpu.dma_semaphore, #tpu.memory_space<semaphore_mem>>)
      %dma_wait3A_61 = arith.constant 128 : i32
      %dma_wait3A_62 = tpu.memref_slice %arg10[%dma_wait3A_61] : memref<20000xi32, #tpu.memory_space<vmem>> -> memref<128xi32, #tpu.memory_space<vmem>>
      %dma_wait3A_63 = arith.constant 0 : i32
      %dma_wait3A_64 = arith.constant 0 : i32
      %dma_wait3A_65 = tpu.memref_slice %arg4[%dma_wait3A_63, %dma_wait3A_64] : memref<10000x64xf32, #tpu.memory_space<hbm>> -> memref<10000x64xf32, #tpu.memory_space<hbm>>
      tpu.wait_indirect_dma semaphore(%arg20 : memref<!tpu.dma_semaphore, #tpu.memory_space<semaphore_mem>>) src(%dma_wait3A_65 : memref<10000x64xf32, #tpu.memory_space<hbm>>) dst(%arg13 : memref<128x64xf32, #tpu.memory_space<vmem>>)
      %dma_start3A_66 = arith.constant 128 : i32
      %dma_start3A_67 = tpu.memref_slice %arg11[%dma_start3A_66] : memref<20000xi32, #tpu.memory_space<vmem>> -> memref<128xi32, #tpu.memory_space<vmem>>
      %dma_start3A_68 = arith.constant 0 : i32
      %dma_start3A_69 = arith.constant 0 : i32
      %dma_start3A_70 = tpu.memref_slice %arg18[%dma_start3A_68, %dma_start3A_69] : memref<10240x64xf32, #tpu.memory_space<vmem_shared>> -> memref<10240x64xf32, #tpu.memory_space<vmem_shared>>
      tpu.enqueue_indirect_dma source(%arg13 : memref<128x64xf32, #tpu.memory_space<vmem>>) target(%dma_start3A_70 : memref<10240x64xf32, #tpu.memory_space<vmem_shared>>) offsets(%dma_start3A_67 : memref<128xi32, #tpu.memory_space<vmem>>) semaphore(%arg24 : memref<!tpu.dma_semaphore, #tpu.memory_space<semaphore_mem>>) {add = true}
      %dma_wait3A_71 = arith.constant 0 : i32
      %dma_wait3A_72 = tpu.memref_slice %arg11[%dma_wait3A_71] : memref<20000xi32, #tpu.memory_space<vmem>> -> memref<128xi32, #tpu.memory_space<vmem>>
      %dma_wait3A_73 = arith.constant 0 : i32
      %dma_wait3A_74 = arith.constant 0 : i32
      %dma_wait3A_75 = tpu.memref_slice %arg18[%dma_wait3A_73, %dma_wait3A_74] : memref<10240x64xf32, #tpu.memory_space<vmem_shared>> -> memref<10240x64xf32, #tpu.memory_space<vmem_shared>>
      tpu.wait_indirect_dma semaphore(%arg23 : memref<!tpu.dma_semaphore, #tpu.memory_space<semaphore_mem>>) src(%arg12 : memref<128x64xf32, #tpu.memory_space<vmem>>) dst(%dma_wait3A_75 : memref<10240x64xf32, #tpu.memory_space<vmem_shared>>)
      %dma_start3A_76 = arith.constant 512 : i32
      %dma_start3A_77 = tpu.memref_slice %arg10[%dma_start3A_76] : memref<20000xi32, #tpu.memory_space<vmem>> -> memref<128xi32, #tpu.memory_space<vmem>>
      %dma_start3A_78 = arith.constant 0 : i32
      %dma_start3A_79 = arith.constant 0 : i32
      %dma_start3A_80 = tpu.memref_slice %arg4[%dma_start3A_78, %dma_start3A_79] : memref<10000x64xf32, #tpu.memory_space<hbm>> -> memref<10000x64xf32, #tpu.memory_space<hbm>>
      tpu.enqueue_indirect_dma source(%dma_start3A_80 : memref<10000x64xf32, #tpu.memory_space<hbm>>) target(%arg12 : memref<128x64xf32, #tpu.memory_space<vmem>>) offsets(%dma_start3A_77 : memref<128xi32, #tpu.memory_space<vmem>>) semaphore(%arg19 : memref<!tpu.dma_semaphore, #tpu.memory_space<semaphore_mem>>)
      %dma_wait3A_81 = arith.constant 256 : i32
      %dma_wait3A_82 = tpu.memref_slice %arg10[%dma_wait3A_81] : memref<20000xi32, #tpu.memory_space<vmem>> -> memref<128xi32, #tpu.memory_space<vmem>>
      %dma_wait3A_83 = arith.constant 0 : i32
      %dma_wait3A_84 = arith.constant 0 : i32
      %dma_wait3A_85 = tpu.memref_slice %arg4[%dma_wait3A_83, %dma_wait3A_84] : memref<10000x64xf32, #tpu.memory_space<hbm>> -> memref<10000x64xf32, #tpu.memory_space<hbm>>
      tpu.wait_indirect_dma semaphore(%arg21 : memref<!tpu.dma_semaphore, #tpu.memory_space<semaphore_mem>>) src(%dma_wait3A_85 : memref<10000x64xf32, #tpu.memory_space<hbm>>) dst(%arg14 : memref<128x64xf32, #tpu.memory_space<vmem>>)
      %dma_start3A_86 = arith.constant 256 : i32
      %dma_start3A_87 = tpu.memref_slice %arg11[%dma_start3A_86] : memref<20000xi32, #tpu.memory_space<vmem>> -> memref<128xi32, #tpu.memory_space<vmem>>
      %dma_start3A_88 = arith.constant 0 : i32
      %dma_start3A_89 = arith.constant 0 : i32
      %dma_start3A_90 = tpu.memref_slice %arg18[%dma_start3A_88, %dma_start3A_89] : memref<10240x64xf32, #tpu.memory_space<vmem_shared>> -> memref<10240x64xf32, #tpu.memory_space<vmem_shared>>
      tpu.enqueue_indirect_dma source(%arg14 : memref<128x64xf32, #tpu.memory_space<vmem>>) target(%dma_start3A_90 : memref<10240x64xf32, #tpu.memory_space<vmem_shared>>) offsets(%dma_start3A_87 : memref<128xi32, #tpu.memory_space<vmem>>) semaphore(%arg25 : memref<!tpu.dma_semaphore, #tpu.memory_space<semaphore_mem>>) {add = true}
      %dma_wait3A_91 = arith.constant 128 : i32
      %dma_wait3A_92 = tpu.memref_slice %arg11[%dma_wait3A_91] : memref<20000xi32, #tpu.memory_space<vmem>> -> memref<128xi32, #tpu.memory_space<vmem>>
      %dma_wait3A_93 = arith.constant 0 : i32
      %dma_wait3A_94 = arith.constant 0 : i32
      %dma_wait3A_95 = tpu.memref_slice %arg18[%dma_wait3A_93, %dma_wait3A_94] : memref<10240x64xf32, #tpu.memory_space<vmem_shared>> -> memref<10240x64xf32, #tpu.memory_space<vmem_shared>>
      tpu.wait_indirect_dma semaphore(%arg24 : memref<!tpu.dma_semaphore, #tpu.memory_space<semaphore_mem>>) src(%arg13 : memref<128x64xf32, #tpu.memory_space<vmem>>) dst(%dma_wait3A_95 : memref<10240x64xf32, #tpu.memory_space<vmem_shared>>)
      %dma_start3A_96 = arith.constant 640 : i32
      %dma_start3A_97 = tpu.memref_slice %arg10[%dma_start3A_96] : memref<20000xi32, #tpu.memory_space<vmem>> -> memref<128xi32, #tpu.memory_space<vmem>>
      %dma_start3A_98 = arith.constant 0 : i32
      %dma_start3A_99 = arith.constant 0 : i32
      %dma_start3A_100 = tpu.memref_slice %arg4[%dma_start3A_98, %dma_start3A_99] : memref<10000x64xf32, #tpu.memory_space<hbm>> -> memref<10000x64xf32, #tpu.memory_space<hbm>>
      tpu.enqueue_indirect_dma source(%dma_start3A_100 : memref<10000x64xf32, #tpu.memory_space<hbm>>) target(%arg13 : memref<128x64xf32, #tpu.memory_space<vmem>>) offsets(%dma_start3A_97 : memref<128xi32, #tpu.memory_space<vmem>>) semaphore(%arg20 : memref<!tpu.dma_semaphore, #tpu.memory_space<semaphore_mem>>)
      %dma_wait3A_101 = arith.constant 384 : i32
      %dma_wait3A_102 = tpu.memref_slice %arg10[%dma_wait3A_101] : memref<20000xi32, #tpu.memory_space<vmem>> -> memref<128xi32, #tpu.memory_space<vmem>>
      %dma_wait3A_103 = arith.constant 0 : i32
      %dma_wait3A_104 = arith.constant 0 : i32
      %dma_wait3A_105 = tpu.memref_slice %arg4[%dma_wait3A_103, %dma_wait3A_104] : memref<10000x64xf32, #tpu.memory_space<hbm>> -> memref<10000x64xf32, #tpu.memory_space<hbm>>
      tpu.wait_indirect_dma semaphore(%arg22 : memref<!tpu.dma_semaphore, #tpu.memory_space<semaphore_mem>>) src(%dma_wait3A_105 : memref<10000x64xf32, #tpu.memory_space<hbm>>) dst(%arg15 : memref<128x64xf32, #tpu.memory_space<vmem>>)
      %dma_start3A_106 = arith.constant 384 : i32
      %dma_start3A_107 = tpu.memref_slice %arg11[%dma_start3A_106] : memref<20000xi32, #tpu.memory_space<vmem>> -> memref<128xi32, #tpu.memory_space<vmem>>
      %dma_start3A_108 = arith.constant 0 : i32
      %dma_start3A_109 = arith.constant 0 : i32
      %dma_start3A_110 = tpu.memref_slice %arg18[%dma_start3A_108, %dma_start3A_109] : memref<10240x64xf32, #tpu.memory_space<vmem_shared>> -> memref<10240x64xf32, #tpu.memory_space<vmem_shared>>
      tpu.enqueue_indirect_dma source(%arg15 : memref<128x64xf32, #tpu.memory_space<vmem>>) target(%dma_start3A_110 : memref<10240x64xf32, #tpu.memory_space<vmem_shared>>) offsets(%dma_start3A_107 : memref<128xi32, #tpu.memory_space<vmem>>) semaphore(%arg26 : memref<!tpu.dma_semaphore, #tpu.memory_space<semaphore_mem>>) {add = true}
      %dma_wait3A_111 = arith.constant 256 : i32
      %dma_wait3A_112 = tpu.memref_slice %arg11[%dma_wait3A_111] : memref<20000xi32, #tpu.memory_space<vmem>> -> memref<128xi32, #tpu.memory_space<vmem>>
      %dma_wait3A_113 = arith.constant 0 : i32
      %dma_wait3A_114 = arith.constant 0 : i32
      %dma_wait3A_115 = tpu.memref_slice %arg18[%dma_wait3A_113, %dma_wait3A_114] : memref<10240x64xf32, #tpu.memory_space<vmem_shared>> -> memref<10240x64xf32, #tpu.memory_space<vmem_shared>>
      tpu.wait_indirect_dma semaphore(%arg25 : memref<!tpu.dma_semaphore, #tpu.memory_space<semaphore_mem>>) src(%arg14 : memref<128x64xf32, #tpu.memory_space<vmem>>) dst(%dma_wait3A_115 : memref<10240x64xf32, #tpu.memory_space<vmem_shared>>)
      %dma_start3A_116 = arith.constant 768 : i32
      %dma_start3A_117 = tpu.memref_slice %arg10[%dma_start3A_116] : memref<20000xi32, #tpu.memory_space<vmem>> -> memref<128xi32, #tpu.memory_space<vmem>>
      %dma_start3A_118 = arith.constant 0 : i32
      %dma_start3A_119 = arith.constant 0 : i32
      %dma_start3A_120 = tpu.memref_slice %arg4[%dma_start3A_118, %dma_start3A_119] : memref<10000x64xf32, #tpu.memory_space<hbm>> -> memref<10000x64xf32, #tpu.memory_space<hbm>>
      tpu.enqueue_indirect_dma source(%dma_start3A_120 : memref<10000x64xf32, #tpu.memory_space<hbm>>) target(%arg14 : memref<128x64xf32, #tpu.memory_space<vmem>>) offsets(%dma_start3A_117 : memref<128xi32, #tpu.memory_space<vmem>>) semaphore(%arg21 : memref<!tpu.dma_semaphore, #tpu.memory_space<semaphore_mem>>)
      %scan3A_121 = arith.constant 0 : i32
      %scan3A_122 = arith.constant 37 : i32
      %scan3A_123 = arith.addi %scan3A_121, %scan3A_122 : i32
      %scan3A_124 = arith.constant 1 : i32
      scf.for %scan3A_214 = %scan3A_121 to %scan3A_123 step %scan3A_124  : i32 {
        %mul3A_215 = arith.constant 1 : i32
        %mul3A_216 = arith.muli %scan3A_214, %mul3A_215 : i32
        %add3A_217 = arith.constant 1 : i32
        %add3A_218 = arith.addi %add3A_217, %mul3A_216 : i32
        %mul3A_219 = arith.constant 4 : i32
        %mul3A_220 = arith.muli %mul3A_219, %add3A_218 : i32
        %add3A_221 = arith.constant 0 : i32
        %add3A_222 = arith.addi %mul3A_220, %add3A_221 : i32
        %mul3A_223 = arith.constant 128 : i32
        %mul3A_224 = arith.muli %add3A_222, %mul3A_223 : i32
        %dma_wait3A_225 = tpu.memref_slice %arg10[%mul3A_224] : memref<20000xi32, #tpu.memory_space<vmem>> -> memref<128xi32, #tpu.memory_space<vmem>>
        %dma_wait3A_226 = arith.constant 0 : i32
        %dma_wait3A_227 = arith.constant 0 : i32
        %dma_wait3A_228 = tpu.memref_slice %arg4[%dma_wait3A_226, %dma_wait3A_227] : memref<10000x64xf32, #tpu.memory_space<hbm>> -> memref<10000x64xf32, #tpu.memory_space<hbm>>
        tpu.wait_indirect_dma semaphore(%arg19 : memref<!tpu.dma_semaphore, #tpu.memory_space<semaphore_mem>>) src(%dma_wait3A_228 : memref<10000x64xf32, #tpu.memory_space<hbm>>) dst(%arg12 : memref<128x64xf32, #tpu.memory_space<vmem>>)
        %mul3A_229 = arith.constant 128 : i32
        %mul3A_230 = arith.muli %add3A_222, %mul3A_229 : i32
        %dma_start3A_231 = tpu.memref_slice %arg11[%mul3A_230] : memref<20000xi32, #tpu.memory_space<vmem>> -> memref<128xi32, #tpu.memory_space<vmem>>
        %dma_start3A_232 = arith.constant 0 : i32
        %dma_start3A_233 = arith.constant 0 : i32
        %dma_start3A_234 = tpu.memref_slice %arg18[%dma_start3A_232, %dma_start3A_233] : memref<10240x64xf32, #tpu.memory_space<vmem_shared>> -> memref<10240x64xf32, #tpu.memory_space<vmem_shared>>
        tpu.enqueue_indirect_dma source(%arg12 : memref<128x64xf32, #tpu.memory_space<vmem>>) target(%dma_start3A_234 : memref<10240x64xf32, #tpu.memory_space<vmem_shared>>) offsets(%dma_start3A_231 : memref<128xi32, #tpu.memory_space<vmem>>) semaphore(%arg23 : memref<!tpu.dma_semaphore, #tpu.memory_space<semaphore_mem>>) {add = true}
        %sub3A = arith.constant 1 : i32
        %sub3A_235 = arith.subi %add3A_222, %sub3A : i32
        %mul3A_236 = arith.constant 128 : i32
        %mul3A_237 = arith.muli %sub3A_235, %mul3A_236 : i32
        %dma_wait3A_238 = tpu.memref_slice %arg11[%mul3A_237] : memref<20000xi32, #tpu.memory_space<vmem>> -> memref<128xi32, #tpu.memory_space<vmem>>
        %dma_wait3A_239 = arith.constant 0 : i32
        %dma_wait3A_240 = arith.constant 0 : i32
        %dma_wait3A_241 = tpu.memref_slice %arg18[%dma_wait3A_239, %dma_wait3A_240] : memref<10240x64xf32, #tpu.memory_space<vmem_shared>> -> memref<10240x64xf32, #tpu.memory_space<vmem_shared>>
        tpu.wait_indirect_dma semaphore(%arg26 : memref<!tpu.dma_semaphore, #tpu.memory_space<semaphore_mem>>) src(%arg15 : memref<128x64xf32, #tpu.memory_space<vmem>>) dst(%dma_wait3A_241 : memref<10240x64xf32, #tpu.memory_space<vmem_shared>>)
        %add3A_242 = arith.constant 3 : i32
        %add3A_243 = arith.addi %add3A_222, %add3A_242 : i32
        %mul3A_244 = arith.constant 128 : i32
        %mul3A_245 = arith.muli %add3A_243, %mul3A_244 : i32
        %dma_start3A_246 = tpu.memref_slice %arg10[%mul3A_245] : memref<20000xi32, #tpu.memory_space<vmem>> -> memref<128xi32, #tpu.memory_space<vmem>>
        %dma_start3A_247 = arith.constant 0 : i32
        %dma_start3A_248 = arith.constant 0 : i32
        %dma_start3A_249 = tpu.memref_slice %arg4[%dma_start3A_247, %dma_start3A_248] : memref<10000x64xf32, #tpu.memory_space<hbm>> -> memref<10000x64xf32, #tpu.memory_space<hbm>>
        tpu.enqueue_indirect_dma source(%dma_start3A_249 : memref<10000x64xf32, #tpu.memory_space<hbm>>) target(%arg15 : memref<128x64xf32, #tpu.memory_space<vmem>>) offsets(%dma_start3A_246 : memref<128xi32, #tpu.memory_space<vmem>>) semaphore(%arg22 : memref<!tpu.dma_semaphore, #tpu.memory_space<semaphore_mem>>)
        %mul3A_250 = arith.constant 4 : i32
        %mul3A_251 = arith.muli %mul3A_250, %add3A_218 : i32
        %add3A_252 = arith.constant 1 : i32
        %add3A_253 = arith.addi %mul3A_251, %add3A_252 : i32
        %mul3A_254 = arith.constant 128 : i32
        %mul3A_255 = arith.muli %add3A_253, %mul3A_254 : i32
        %dma_wait3A_256 = tpu.memref_slice %arg10[%mul3A_255] : memref<20000xi32, #tpu.memory_space<vmem>> -> memref<128xi32, #tpu.memory_space<vmem>>
        %dma_wait3A_257 = arith.constant 0 : i32
        %dma_wait3A_258 = arith.constant 0 : i32
        %dma_wait3A_259 = tpu.memref_slice %arg4[%dma_wait3A_257, %dma_wait3A_258] : memref<10000x64xf32, #tpu.memory_space<hbm>> -> memref<10000x64xf32, #tpu.memory_space<hbm>>
        tpu.wait_indirect_dma semaphore(%arg20 : memref<!tpu.dma_semaphore, #tpu.memory_space<semaphore_mem>>) src(%dma_wait3A_259 : memref<10000x64xf32, #tpu.memory_space<hbm>>) dst(%arg13 : memref<128x64xf32, #tpu.memory_space<vmem>>)
        %mul3A_260 = arith.constant 128 : i32
        %mul3A_261 = arith.muli %add3A_253, %mul3A_260 : i32
        %dma_start3A_262 = tpu.memref_slice %arg11[%mul3A_261] : memref<20000xi32, #tpu.memory_space<vmem>> -> memref<128xi32, #tpu.memory_space<vmem>>
        %dma_start3A_263 = arith.constant 0 : i32
        %dma_start3A_264 = arith.constant 0 : i32
        %dma_start3A_265 = tpu.memref_slice %arg18[%dma_start3A_263, %dma_start3A_264] : memref<10240x64xf32, #tpu.memory_space<vmem_shared>> -> memref<10240x64xf32, #tpu.memory_space<vmem_shared>>
        tpu.enqueue_indirect_dma source(%arg13 : memref<128x64xf32, #tpu.memory_space<vmem>>) target(%dma_start3A_265 : memref<10240x64xf32, #tpu.memory_space<vmem_shared>>) offsets(%dma_start3A_262 : memref<128xi32, #tpu.memory_space<vmem>>) semaphore(%arg24 : memref<!tpu.dma_semaphore, #tpu.memory_space<semaphore_mem>>) {add = true}
        %sub3A_266 = arith.constant 1 : i32
        %sub3A_267 = arith.subi %add3A_253, %sub3A_266 : i32
        %mul3A_268 = arith.constant 128 : i32
        %mul3A_269 = arith.muli %sub3A_267, %mul3A_268 : i32
        %dma_wait3A_270 = tpu.memref_slice %arg11[%mul3A_269] : memref<20000xi32, #tpu.memory_space<vmem>> -> memref<128xi32, #tpu.memory_space<vmem>>
        %dma_wait3A_271 = arith.constant 0 : i32
        %dma_wait3A_272 = arith.constant 0 : i32
        %dma_wait3A_273 = tpu.memref_slice %arg18[%dma_wait3A_271, %dma_wait3A_272] : memref<10240x64xf32, #tpu.memory_space<vmem_shared>> -> memref<10240x64xf32, #tpu.memory_space<vmem_shared>>
        tpu.wait_indirect_dma semaphore(%arg23 : memref<!tpu.dma_semaphore, #tpu.memory_space<semaphore_mem>>) src(%arg12 : memref<128x64xf32, #tpu.memory_space<vmem>>) dst(%dma_wait3A_273 : memref<10240x64xf32, #tpu.memory_space<vmem_shared>>)
        %add3A_274 = arith.constant 3 : i32
        %add3A_275 = arith.addi %add3A_253, %add3A_274 : i32
        %mul3A_276 = arith.constant 128 : i32
        %mul3A_277 = arith.muli %add3A_275, %mul3A_276 : i32
        %dma_start3A_278 = tpu.memref_slice %arg10[%mul3A_277] : memref<20000xi32, #tpu.memory_space<vmem>> -> memref<128xi32, #tpu.memory_space<vmem>>
        %dma_start3A_279 = arith.constant 0 : i32
        %dma_start3A_280 = arith.constant 0 : i32
        %dma_start3A_281 = tpu.memref_slice %arg4[%dma_start3A_279, %dma_start3A_280] : memref<10000x64xf32, #tpu.memory_space<hbm>> -> memref<10000x64xf32, #tpu.memory_space<hbm>>
        tpu.enqueue_indirect_dma source(%dma_start3A_281 : memref<10000x64xf32, #tpu.memory_space<hbm>>) target(%arg12 : memref<128x64xf32, #tpu.memory_space<vmem>>) offsets(%dma_start3A_278 : memref<128xi32, #tpu.memory_space<vmem>>) semaphore(%arg19 : memref<!tpu.dma_semaphore, #tpu.memory_space<semaphore_mem>>)
        %mul3A_282 = arith.constant 4 : i32
        %mul3A_283 = arith.muli %mul3A_282, %add3A_218 : i32
        %add3A_284 = arith.constant 2 : i32
        %add3A_285 = arith.addi %mul3A_283, %add3A_284 : i32
        %mul3A_286 = arith.constant 128 : i32
        %mul3A_287 = arith.muli %add3A_285, %mul3A_286 : i32
        %dma_wait3A_288 = tpu.memref_slice %arg10[%mul3A_287] : memref<20000xi32, #tpu.memory_space<vmem>> -> memref<128xi32, #tpu.memory_space<vmem>>
        %dma_wait3A_289 = arith.constant 0 : i32
        %dma_wait3A_290 = arith.constant 0 : i32
        %dma_wait3A_291 = tpu.memref_slice %arg4[%dma_wait3A_289, %dma_wait3A_290] : memref<10000x64xf32, #tpu.memory_space<hbm>> -> memref<10000x64xf32, #tpu.memory_space<hbm>>
        tpu.wait_indirect_dma semaphore(%arg21 : memref<!tpu.dma_semaphore, #tpu.memory_space<semaphore_mem>>) src(%dma_wait3A_291 : memref<10000x64xf32, #tpu.memory_space<hbm>>) dst(%arg14 : memref<128x64xf32, #tpu.memory_space<vmem>>)
        %mul3A_292 = arith.constant 128 : i32
        %mul3A_293 = arith.muli %add3A_285, %mul3A_292 : i32
        %dma_start3A_294 = tpu.memref_slice %arg11[%mul3A_293] : memref<20000xi32, #tpu.memory_space<vmem>> -> memref<128xi32, #tpu.memory_space<vmem>>
        %dma_start3A_295 = arith.constant 0 : i32
        %dma_start3A_296 = arith.constant 0 : i32
        %dma_start3A_297 = tpu.memref_slice %arg18[%dma_start3A_295, %dma_start3A_296] : memref<10240x64xf32, #tpu.memory_space<vmem_shared>> -> memref<10240x64xf32, #tpu.memory_space<vmem_shared>>
        tpu.enqueue_indirect_dma source(%arg14 : memref<128x64xf32, #tpu.memory_space<vmem>>) target(%dma_start3A_297 : memref<10240x64xf32, #tpu.memory_space<vmem_shared>>) offsets(%dma_start3A_294 : memref<128xi32, #tpu.memory_space<vmem>>) semaphore(%arg25 : memref<!tpu.dma_semaphore, #tpu.memory_space<semaphore_mem>>) {add = true}
        %sub3A_298 = arith.constant 1 : i32
        %sub3A_299 = arith.subi %add3A_285, %sub3A_298 : i32
        %mul3A_300 = arith.constant 128 : i32
        %mul3A_301 = arith.muli %sub3A_299, %mul3A_300 : i32
        %dma_wait3A_302 = tpu.memref_slice %arg11[%mul3A_301] : memref<20000xi32, #tpu.memory_space<vmem>> -> memref<128xi32, #tpu.memory_space<vmem>>
        %dma_wait3A_303 = arith.constant 0 : i32
        %dma_wait3A_304 = arith.constant 0 : i32
        %dma_wait3A_305 = tpu.memref_slice %arg18[%dma_wait3A_303, %dma_wait3A_304] : memref<10240x64xf32, #tpu.memory_space<vmem_shared>> -> memref<10240x64xf32, #tpu.memory_space<vmem_shared>>
        tpu.wait_indirect_dma semaphore(%arg24 : memref<!tpu.dma_semaphore, #tpu.memory_space<semaphore_mem>>) src(%arg13 : memref<128x64xf32, #tpu.memory_space<vmem>>) dst(%dma_wait3A_305 : memref<10240x64xf32, #tpu.memory_space<vmem_shared>>)
        %add3A_306 = arith.constant 3 : i32
        %add3A_307 = arith.addi %add3A_285, %add3A_306 : i32
        %mul3A_308 = arith.constant 128 : i32
        %mul3A_309 = arith.muli %add3A_307, %mul3A_308 : i32
        %dma_start3A_310 = tpu.memref_slice %arg10[%mul3A_309] : memref<20000xi32, #tpu.memory_space<vmem>> -> memref<128xi32, #tpu.memory_space<vmem>>
        %dma_start3A_311 = arith.constant 0 : i32
        %dma_start3A_312 = arith.constant 0 : i32
        %dma_start3A_313 = tpu.memref_slice %arg4[%dma_start3A_311, %dma_start3A_312] : memref<10000x64xf32, #tpu.memory_space<hbm>> -> memref<10000x64xf32, #tpu.memory_space<hbm>>
        tpu.enqueue_indirect_dma source(%dma_start3A_313 : memref<10000x64xf32, #tpu.memory_space<hbm>>) target(%arg13 : memref<128x64xf32, #tpu.memory_space<vmem>>) offsets(%dma_start3A_310 : memref<128xi32, #tpu.memory_space<vmem>>) semaphore(%arg20 : memref<!tpu.dma_semaphore, #tpu.memory_space<semaphore_mem>>)
        %mul3A_314 = arith.constant 4 : i32
        %mul3A_315 = arith.muli %mul3A_314, %add3A_218 : i32
        %add3A_316 = arith.constant 3 : i32
        %add3A_317 = arith.addi %mul3A_315, %add3A_316 : i32
        %mul3A_318 = arith.constant 128 : i32
        %mul3A_319 = arith.muli %add3A_317, %mul3A_318 : i32
        %dma_wait3A_320 = tpu.memref_slice %arg10[%mul3A_319] : memref<20000xi32, #tpu.memory_space<vmem>> -> memref<128xi32, #tpu.memory_space<vmem>>
        %dma_wait3A_321 = arith.constant 0 : i32
        %dma_wait3A_322 = arith.constant 0 : i32
        %dma_wait3A_323 = tpu.memref_slice %arg4[%dma_wait3A_321, %dma_wait3A_322] : memref<10000x64xf32, #tpu.memory_space<hbm>> -> memref<10000x64xf32, #tpu.memory_space<hbm>>
        tpu.wait_indirect_dma semaphore(%arg22 : memref<!tpu.dma_semaphore, #tpu.memory_space<semaphore_mem>>) src(%dma_wait3A_323 : memref<10000x64xf32, #tpu.memory_space<hbm>>) dst(%arg15 : memref<128x64xf32, #tpu.memory_space<vmem>>)
        %mul3A_324 = arith.constant 128 : i32
        %mul3A_325 = arith.muli %add3A_317, %mul3A_324 : i32
        %dma_start3A_326 = tpu.memref_slice %arg11[%mul3A_325] : memref<20000xi32, #tpu.memory_space<vmem>> -> memref<128xi32, #tpu.memory_space<vmem>>
        %dma_start3A_327 = arith.constant 0 : i32
        %dma_start3A_328 = arith.constant 0 : i32
        %dma_start3A_329 = tpu.memref_slice %arg18[%dma_start3A_327, %dma_start3A_328] : memref<10240x64xf32, #tpu.memory_space<vmem_shared>> -> memref<10240x64xf32, #tpu.memory_space<vmem_shared>>
        tpu.enqueue_indirect_dma source(%arg15 : memref<128x64xf32, #tpu.memory_space<vmem>>) target(%dma_start3A_329 : memref<10240x64xf32, #tpu.memory_space<vmem_shared>>) offsets(%dma_start3A_326 : memref<128xi32, #tpu.memory_space<vmem>>) semaphore(%arg26 : memref<!tpu.dma_semaphore, #tpu.memory_space<semaphore_mem>>) {add = true}
        %sub3A_330 = arith.constant 1 : i32
        %sub3A_331 = arith.subi %add3A_317, %sub3A_330 : i32
        %mul3A_332 = arith.constant 128 : i32
        %mul3A_333 = arith.muli %sub3A_331, %mul3A_332 : i32
        %dma_wait3A_334 = tpu.memref_slice %arg11[%mul3A_333] : memref<20000xi32, #tpu.memory_space<vmem>> -> memref<128xi32, #tpu.memory_space<vmem>>
        %dma_wait3A_335 = arith.constant 0 : i32
        %dma_wait3A_336 = arith.constant 0 : i32
        %dma_wait3A_337 = tpu.memref_slice %arg18[%dma_wait3A_335, %dma_wait3A_336] : memref<10240x64xf32, #tpu.memory_space<vmem_shared>> -> memref<10240x64xf32, #tpu.memory_space<vmem_shared>>
        tpu.wait_indirect_dma semaphore(%arg25 : memref<!tpu.dma_semaphore, #tpu.memory_space<semaphore_mem>>) src(%arg14 : memref<128x64xf32, #tpu.memory_space<vmem>>) dst(%dma_wait3A_337 : memref<10240x64xf32, #tpu.memory_space<vmem_shared>>)
        %add3A_338 = arith.constant 3 : i32
        %add3A_339 = arith.addi %add3A_317, %add3A_338 : i32
        %mul3A_340 = arith.constant 128 : i32
        %mul3A_341 = arith.muli %add3A_339, %mul3A_340 : i32
        %dma_start3A_342 = tpu.memref_slice %arg10[%mul3A_341] : memref<20000xi32, #tpu.memory_space<vmem>> -> memref<128xi32, #tpu.memory_space<vmem>>
        %dma_start3A_343 = arith.constant 0 : i32
        %dma_start3A_344 = arith.constant 0 : i32
        %dma_start3A_345 = tpu.memref_slice %arg4[%dma_start3A_343, %dma_start3A_344] : memref<10000x64xf32, #tpu.memory_space<hbm>> -> memref<10000x64xf32, #tpu.memory_space<hbm>>
        tpu.enqueue_indirect_dma source(%dma_start3A_345 : memref<10000x64xf32, #tpu.memory_space<hbm>>) target(%arg14 : memref<128x64xf32, #tpu.memory_space<vmem>>) offsets(%dma_start3A_342 : memref<128xi32, #tpu.memory_space<vmem>>) semaphore(%arg21 : memref<!tpu.dma_semaphore, #tpu.memory_space<semaphore_mem>>)
      }
      %scan3A_125 = arith.constant 37 : i32
      %dma_wait3A_126 = arith.constant 19456 : i32
      %dma_wait3A_127 = tpu.memref_slice %arg10[%dma_wait3A_126] : memref<20000xi32, #tpu.memory_space<vmem>> -> memref<128xi32, #tpu.memory_space<vmem>>
      %dma_wait3A_128 = arith.constant 0 : i32
      %dma_wait3A_129 = arith.constant 0 : i32
      %dma_wait3A_130 = tpu.memref_slice %arg4[%dma_wait3A_128, %dma_wait3A_129] : memref<10000x64xf32, #tpu.memory_space<hbm>> -> memref<10000x64xf32, #tpu.memory_space<hbm>>
      tpu.wait_indirect_dma semaphore(%arg19 : memref<!tpu.dma_semaphore, #tpu.memory_space<semaphore_mem>>) src(%dma_wait3A_130 : memref<10000x64xf32, #tpu.memory_space<hbm>>) dst(%arg12 : memref<128x64xf32, #tpu.memory_space<vmem>>)
      %dma_start3A_131 = arith.constant 19456 : i32
      %dma_start3A_132 = tpu.memref_slice %arg11[%dma_start3A_131] : memref<20000xi32, #tpu.memory_space<vmem>> -> memref<128xi32, #tpu.memory_space<vmem>>
      %dma_start3A_133 = arith.constant 0 : i32
      %dma_start3A_134 = arith.constant 0 : i32
      %dma_start3A_135 = tpu.memref_slice %arg18[%dma_start3A_133, %dma_start3A_134] : memref<10240x64xf32, #tpu.memory_space<vmem_shared>> -> memref<10240x64xf32, #tpu.memory_space<vmem_shared>>
      tpu.enqueue_indirect_dma source(%arg12 : memref<128x64xf32, #tpu.memory_space<vmem>>) target(%dma_start3A_135 : memref<10240x64xf32, #tpu.memory_space<vmem_shared>>) offsets(%dma_start3A_132 : memref<128xi32, #tpu.memory_space<vmem>>) semaphore(%arg23 : memref<!tpu.dma_semaphore, #tpu.memory_space<semaphore_mem>>) {add = true}
      %dma_wait3A_136 = arith.constant 19328 : i32
      %dma_wait3A_137 = tpu.memref_slice %arg11[%dma_wait3A_136] : memref<20000xi32, #tpu.memory_space<vmem>> -> memref<128xi32, #tpu.memory_space<vmem>>
      %dma_wait3A_138 = arith.constant 0 : i32
      %dma_wait3A_139 = arith.constant 0 : i32
      %dma_wait3A_140 = tpu.memref_slice %arg18[%dma_wait3A_138, %dma_wait3A_139] : memref<10240x64xf32, #tpu.memory_space<vmem_shared>> -> memref<10240x64xf32, #tpu.memory_space<vmem_shared>>
      tpu.wait_indirect_dma semaphore(%arg26 : memref<!tpu.dma_semaphore, #tpu.memory_space<semaphore_mem>>) src(%arg15 : memref<128x64xf32, #tpu.memory_space<vmem>>) dst(%dma_wait3A_140 : memref<10240x64xf32, #tpu.memory_space<vmem_shared>>)
      %dma_start3A_141 = arith.constant 19840 : i32
      %dma_start3A_142 = tpu.memref_slice %arg10[%dma_start3A_141] : memref<20000xi32, #tpu.memory_space<vmem>> -> memref<128xi32, #tpu.memory_space<vmem>>
      %dma_start3A_143 = arith.constant 0 : i32
      %dma_start3A_144 = arith.constant 0 : i32
      %dma_start3A_145 = tpu.memref_slice %arg4[%dma_start3A_143, %dma_start3A_144] : memref<10000x64xf32, #tpu.memory_space<hbm>> -> memref<10000x64xf32, #tpu.memory_space<hbm>>
      tpu.enqueue_indirect_dma source(%dma_start3A_145 : memref<10000x64xf32, #tpu.memory_space<hbm>>) target(%arg15 : memref<128x64xf32, #tpu.memory_space<vmem>>) offsets(%dma_start3A_142 : memref<128xi32, #tpu.memory_space<vmem>>) semaphore(%arg22 : memref<!tpu.dma_semaphore, #tpu.memory_space<semaphore_mem>>)
      %dma_wait3A_146 = arith.constant 19584 : i32
      %dma_wait3A_147 = tpu.memref_slice %arg10[%dma_wait3A_146] : memref<20000xi32, #tpu.memory_space<vmem>> -> memref<128xi32, #tpu.memory_space<vmem>>
      %dma_wait3A_148 = arith.constant 0 : i32
      %dma_wait3A_149 = arith.constant 0 : i32
      %dma_wait3A_150 = tpu.memref_slice %arg4[%dma_wait3A_148, %dma_wait3A_149] : memref<10000x64xf32, #tpu.memory_space<hbm>> -> memref<10000x64xf32, #tpu.memory_space<hbm>>
      tpu.wait_indirect_dma semaphore(%arg20 : memref<!tpu.dma_semaphore, #tpu.memory_space<semaphore_mem>>) src(%dma_wait3A_150 : memref<10000x64xf32, #tpu.memory_space<hbm>>) dst(%arg13 : memref<128x64xf32, #tpu.memory_space<vmem>>)
      %dma_start3A_151 = arith.constant 19584 : i32
      %dma_start3A_152 = tpu.memref_slice %arg11[%dma_start3A_151] : memref<20000xi32, #tpu.memory_space<vmem>> -> memref<128xi32, #tpu.memory_space<vmem>>
      %dma_start3A_153 = arith.constant 0 : i32
      %dma_start3A_154 = arith.constant 0 : i32
      %dma_start3A_155 = tpu.memref_slice %arg18[%dma_start3A_153, %dma_start3A_154] : memref<10240x64xf32, #tpu.memory_space<vmem_shared>> -> memref<10240x64xf32, #tpu.memory_space<vmem_shared>>
      tpu.enqueue_indirect_dma source(%arg13 : memref<128x64xf32, #tpu.memory_space<vmem>>) target(%dma_start3A_155 : memref<10240x64xf32, #tpu.memory_space<vmem_shared>>) offsets(%dma_start3A_152 : memref<128xi32, #tpu.memory_space<vmem>>) semaphore(%arg24 : memref<!tpu.dma_semaphore, #tpu.memory_space<semaphore_mem>>) {add = true}
      %dma_wait3A_156 = arith.constant 19456 : i32
      %dma_wait3A_157 = tpu.memref_slice %arg11[%dma_wait3A_156] : memref<20000xi32, #tpu.memory_space<vmem>> -> memref<128xi32, #tpu.memory_space<vmem>>
      %dma_wait3A_158 = arith.constant 0 : i32
      %dma_wait3A_159 = arith.constant 0 : i32
      %dma_wait3A_160 = tpu.memref_slice %arg18[%dma_wait3A_158, %dma_wait3A_159] : memref<10240x64xf32, #tpu.memory_space<vmem_shared>> -> memref<10240x64xf32, #tpu.memory_space<vmem_shared>>
      tpu.wait_indirect_dma semaphore(%arg23 : memref<!tpu.dma_semaphore, #tpu.memory_space<semaphore_mem>>) src(%arg12 : memref<128x64xf32, #tpu.memory_space<vmem>>) dst(%dma_wait3A_160 : memref<10240x64xf32, #tpu.memory_space<vmem_shared>>)
      %dma_wait3A_161 = arith.constant 19712 : i32
      %dma_wait3A_162 = tpu.memref_slice %arg10[%dma_wait3A_161] : memref<20000xi32, #tpu.memory_space<vmem>> -> memref<128xi32, #tpu.memory_space<vmem>>
      %dma_wait3A_163 = arith.constant 0 : i32
      %dma_wait3A_164 = arith.constant 0 : i32
      %dma_wait3A_165 = tpu.memref_slice %arg4[%dma_wait3A_163, %dma_wait3A_164] : memref<10000x64xf32, #tpu.memory_space<hbm>> -> memref<10000x64xf32, #tpu.memory_space<hbm>>
      tpu.wait_indirect_dma semaphore(%arg21 : memref<!tpu.dma_semaphore, #tpu.memory_space<semaphore_mem>>) src(%dma_wait3A_165 : memref<10000x64xf32, #tpu.memory_space<hbm>>) dst(%arg14 : memref<128x64xf32, #tpu.memory_space<vmem>>)
      %dma_start3A_166 = arith.constant 19712 : i32
      %dma_start3A_167 = tpu.memref_slice %arg11[%dma_start3A_166] : memref<20000xi32, #tpu.memory_space<vmem>> -> memref<128xi32, #tpu.memory_space<vmem>>
      %dma_start3A_168 = arith.constant 0 : i32
      %dma_start3A_169 = arith.constant 0 : i32
      %dma_start3A_170 = tpu.memref_slice %arg18[%dma_start3A_168, %dma_start3A_169] : memref<10240x64xf32, #tpu.memory_space<vmem_shared>> -> memref<10240x64xf32, #tpu.memory_space<vmem_shared>>
      tpu.enqueue_indirect_dma source(%arg14 : memref<128x64xf32, #tpu.memory_space<vmem>>) target(%dma_start3A_170 : memref<10240x64xf32, #tpu.memory_space<vmem_shared>>) offsets(%dma_start3A_167 : memref<128xi32, #tpu.memory_space<vmem>>) semaphore(%arg25 : memref<!tpu.dma_semaphore, #tpu.memory_space<semaphore_mem>>) {add = true}
      %dma_wait3A_171 = arith.constant 19584 : i32
      %dma_wait3A_172 = tpu.memref_slice %arg11[%dma_wait3A_171] : memref<20000xi32, #tpu.memory_space<vmem>> -> memref<128xi32, #tpu.memory_space<vmem>>
      %dma_wait3A_173 = arith.constant 0 : i32
      %dma_wait3A_174 = arith.constant 0 : i32
      %dma_wait3A_175 = tpu.memref_slice %arg18[%dma_wait3A_173, %dma_wait3A_174] : memref<10240x64xf32, #tpu.memory_space<vmem_shared>> -> memref<10240x64xf32, #tpu.memory_space<vmem_shared>>
      tpu.wait_indirect_dma semaphore(%arg24 : memref<!tpu.dma_semaphore, #tpu.memory_space<semaphore_mem>>) src(%arg13 : memref<128x64xf32, #tpu.memory_space<vmem>>) dst(%dma_wait3A_175 : memref<10240x64xf32, #tpu.memory_space<vmem_shared>>)
      %dma_wait3A_176 = arith.constant 19840 : i32
      %dma_wait3A_177 = tpu.memref_slice %arg10[%dma_wait3A_176] : memref<20000xi32, #tpu.memory_space<vmem>> -> memref<128xi32, #tpu.memory_space<vmem>>
      %dma_wait3A_178 = arith.constant 0 : i32
      %dma_wait3A_179 = arith.constant 0 : i32
      %dma_wait3A_180 = tpu.memref_slice %arg4[%dma_wait3A_178, %dma_wait3A_179] : memref<10000x64xf32, #tpu.memory_space<hbm>> -> memref<10000x64xf32, #tpu.memory_space<hbm>>
      tpu.wait_indirect_dma semaphore(%arg22 : memref<!tpu.dma_semaphore, #tpu.memory_space<semaphore_mem>>) src(%dma_wait3A_180 : memref<10000x64xf32, #tpu.memory_space<hbm>>) dst(%arg15 : memref<128x64xf32, #tpu.memory_space<vmem>>)
      %dma_start3A_181 = arith.constant 19840 : i32
      %dma_start3A_182 = tpu.memref_slice %arg11[%dma_start3A_181] : memref<20000xi32, #tpu.memory_space<vmem>> -> memref<128xi32, #tpu.memory_space<vmem>>
      %dma_start3A_183 = arith.constant 0 : i32
      %dma_start3A_184 = arith.constant 0 : i32
      %dma_start3A_185 = tpu.memref_slice %arg18[%dma_start3A_183, %dma_start3A_184] : memref<10240x64xf32, #tpu.memory_space<vmem_shared>> -> memref<10240x64xf32, #tpu.memory_space<vmem_shared>>
      tpu.enqueue_indirect_dma source(%arg15 : memref<128x64xf32, #tpu.memory_space<vmem>>) target(%dma_start3A_185 : memref<10240x64xf32, #tpu.memory_space<vmem_shared>>) offsets(%dma_start3A_182 : memref<128xi32, #tpu.memory_space<vmem>>) semaphore(%arg26 : memref<!tpu.dma_semaphore, #tpu.memory_space<semaphore_mem>>) {add = true}
      %dma_wait3A_186 = arith.constant 19712 : i32
      %dma_wait3A_187 = tpu.memref_slice %arg11[%dma_wait3A_186] : memref<20000xi32, #tpu.memory_space<vmem>> -> memref<128xi32, #tpu.memory_space<vmem>>
      %dma_wait3A_188 = arith.constant 0 : i32
      %dma_wait3A_189 = arith.constant 0 : i32
      %dma_wait3A_190 = tpu.memref_slice %arg18[%dma_wait3A_188, %dma_wait3A_189] : memref<10240x64xf32, #tpu.memory_space<vmem_shared>> -> memref<10240x64xf32, #tpu.memory_space<vmem_shared>>
      tpu.wait_indirect_dma semaphore(%arg25 : memref<!tpu.dma_semaphore, #tpu.memory_space<semaphore_mem>>) src(%arg14 : memref<128x64xf32, #tpu.memory_space<vmem>>) dst(%dma_wait3A_190 : memref<10240x64xf32, #tpu.memory_space<vmem_shared>>)
      %dma_wait3A_191 = arith.constant 19840 : i32
      %dma_wait3A_192 = tpu.memref_slice %arg11[%dma_wait3A_191] : memref<20000xi32, #tpu.memory_space<vmem>> -> memref<128xi32, #tpu.memory_space<vmem>>
      %dma_wait3A_193 = arith.constant 0 : i32
      %dma_wait3A_194 = arith.constant 0 : i32
      %dma_wait3A_195 = tpu.memref_slice %arg18[%dma_wait3A_193, %dma_wait3A_194] : memref<10240x64xf32, #tpu.memory_space<vmem_shared>> -> memref<10240x64xf32, #tpu.memory_space<vmem_shared>>
      tpu.wait_indirect_dma semaphore(%arg26 : memref<!tpu.dma_semaphore, #tpu.memory_space<semaphore_mem>>) src(%arg15 : memref<128x64xf32, #tpu.memory_space<vmem>>) dst(%dma_wait3A_195 : memref<10240x64xf32, #tpu.memory_space<vmem_shared>>)
      "tpu.region"() ({
        %run_scoped3A = tpu.sem_alloc : memref<!tpu.dma_semaphore, #tpu.memory_space<semaphore_mem>>
        %dma_start3A_214 = arith.constant 0 : i32
        %dma_start3A_215 = arith.constant 0 : i32
        %dma_start3A_216 = tpu.memref_slice %arg12[%dma_start3A_214, %dma_start3A_215] : memref<128x64xf32, #tpu.memory_space<vmem>> -> memref<32x64xf32, #tpu.memory_space<vmem>>
        %dma_start3A_217 = arith.constant 19968 : i32
        %dma_start3A_218 = tpu.memref_slice %arg10[%dma_start3A_217] : memref<20000xi32, #tpu.memory_space<vmem>> -> memref<32xi32, #tpu.memory_space<vmem>>
        %dma_start3A_219 = arith.constant 0 : i32
        %dma_start3A_220 = arith.constant 0 : i32
        %dma_start3A_221 = tpu.memref_slice %arg4[%dma_start3A_219, %dma_start3A_220] : memref<10000x64xf32, #tpu.memory_space<hbm>> -> memref<10000x64xf32, #tpu.memory_space<hbm>>
        tpu.enqueue_indirect_dma source(%dma_start3A_221 : memref<10000x64xf32, #tpu.memory_space<hbm>>) target(%dma_start3A_216 : memref<32x64xf32, #tpu.memory_space<vmem>>) offsets(%dma_start3A_218 : memref<32xi32, #tpu.memory_space<vmem>>) semaphore(%run_scoped3A : memref<!tpu.dma_semaphore, #tpu.memory_space<semaphore_mem>>)
        %dma_wait3A_222 = arith.constant 0 : i32
        %dma_wait3A_223 = arith.constant 0 : i32
        %dma_wait3A_224 = tpu.memref_slice %arg12[%dma_wait3A_222, %dma_wait3A_223] : memref<128x64xf32, #tpu.memory_space<vmem>> -> memref<32x64xf32, #tpu.memory_space<vmem>>
        %dma_wait3A_225 = arith.constant 19968 : i32
        %dma_wait3A_226 = tpu.memref_slice %arg10[%dma_wait3A_225] : memref<20000xi32, #tpu.memory_space<vmem>> -> memref<32xi32, #tpu.memory_space<vmem>>
        %dma_wait3A_227 = arith.constant 0 : i32
        %dma_wait3A_228 = arith.constant 0 : i32
        %dma_wait3A_229 = tpu.memref_slice %arg4[%dma_wait3A_227, %dma_wait3A_228] : memref<10000x64xf32, #tpu.memory_space<hbm>> -> memref<10000x64xf32, #tpu.memory_space<hbm>>
        tpu.wait_indirect_dma semaphore(%run_scoped3A : memref<!tpu.dma_semaphore, #tpu.memory_space<semaphore_mem>>) src(%dma_wait3A_229 : memref<10000x64xf32, #tpu.memory_space<hbm>>) dst(%dma_wait3A_224 : memref<32x64xf32, #tpu.memory_space<vmem>>)
        tpu.yield
      }) : () -> ()
      "tpu.region"() ({
        %run_scoped3A = tpu.sem_alloc : memref<!tpu.dma_semaphore, #tpu.memory_space<semaphore_mem>>
        %dma_start3A_214 = arith.constant 0 : i32
        %dma_start3A_215 = arith.constant 0 : i32
        %dma_start3A_216 = tpu.memref_slice %arg12[%dma_start3A_214, %dma_start3A_215] : memref<128x64xf32, #tpu.memory_space<vmem>> -> memref<32x64xf32, #tpu.memory_space<vmem>>
        %dma_start3A_217 = arith.constant 19968 : i32
        %dma_start3A_218 = tpu.memref_slice %arg11[%dma_start3A_217] : memref<20000xi32, #tpu.memory_space<vmem>> -> memref<32xi32, #tpu.memory_space<vmem>>
        %dma_start3A_219 = arith.constant 0 : i32
        %dma_start3A_220 = arith.constant 0 : i32
        %dma_start3A_221 = tpu.memref_slice %arg18[%dma_start3A_219, %dma_start3A_220] : memref<10240x64xf32, #tpu.memory_space<vmem_shared>> -> memref<10240x64xf32, #tpu.memory_space<vmem_shared>>
        tpu.enqueue_indirect_dma source(%dma_start3A_216 : memref<32x64xf32, #tpu.memory_space<vmem>>) target(%dma_start3A_221 : memref<10240x64xf32, #tpu.memory_space<vmem_shared>>) offsets(%dma_start3A_218 : memref<32xi32, #tpu.memory_space<vmem>>) semaphore(%run_scoped3A : memref<!tpu.dma_semaphore, #tpu.memory_space<semaphore_mem>>) {add = true}
        %dma_wait3A_222 = arith.constant 0 : i32
        %dma_wait3A_223 = arith.constant 0 : i32
        %dma_wait3A_224 = tpu.memref_slice %arg12[%dma_wait3A_222, %dma_wait3A_223] : memref<128x64xf32, #tpu.memory_space<vmem>> -> memref<32x64xf32, #tpu.memory_space<vmem>>
        %dma_wait3A_225 = arith.constant 19968 : i32
        %dma_wait3A_226 = tpu.memref_slice %arg11[%dma_wait3A_225] : memref<20000xi32, #tpu.memory_space<vmem>> -> memref<32xi32, #tpu.memory_space<vmem>>
        %dma_wait3A_227 = arith.constant 0 : i32
        %dma_wait3A_228 = arith.constant 0 : i32
        %dma_wait3A_229 = tpu.memref_slice %arg18[%dma_wait3A_227, %dma_wait3A_228] : memref<10240x64xf32, #tpu.memory_space<vmem_shared>> -> memref<10240x64xf32, #tpu.memory_space<vmem_shared>>
        tpu.wait_indirect_dma semaphore(%run_scoped3A : memref<!tpu.dma_semaphore, #tpu.memory_space<semaphore_mem>>) src(%dma_wait3A_224 : memref<32x64xf32, #tpu.memory_space<vmem>>) dst(%dma_wait3A_229 : memref<10240x64xf32, #tpu.memory_space<vmem_shared>>)
        tpu.yield
      }) : () -> ()
      %barrier3A_196 = arith.constant 0 : index
      tpu.barrier barrier_id(%barrier3A_196)
      %add3A_197 = arith.constant 0 : i32
      %add3A_198 = arith.addi %mul3A_2, %add3A_197 : i32
      "tpu.region"() ({
        %run_scoped3A = tpu.sem_alloc : memref<!tpu.dma_semaphore, #tpu.memory_space<semaphore_mem>>
        %dma_start3A_214 = arith.constant 0 : i32
        %dma_start3A_215 = tpu.memref_slice %arg18[%add3A_198, %dma_start3A_214] : memref<10240x64xf32, #tpu.memory_space<vmem_shared>> -> memref<80x64xf32, #tpu.memory_space<vmem_shared>>
        %dma_start3A_216 = arith.constant 0 : i32
        %dma_start3A_217 = tpu.memref_slice %arg18[%add3A_198, %dma_start3A_216] : memref<10240x64xf32, #tpu.memory_space<vmem_shared>> -> memref<80x64xf32, #tpu.memory_space<vmem_shared>>
        tpu.enqueue_dma source(%dma_start3A_217 : memref<80x64xf32, #tpu.memory_space<vmem_shared>>) target(%arg17 : memref<80x64xf32, #tpu.memory_space<vmem>>) target_semaphore(%run_scoped3A : memref<!tpu.dma_semaphore, #tpu.memory_space<semaphore_mem>>)
        %dma_wait3A_218 = arith.constant 0 : i32
        %dma_wait3A_219 = tpu.memref_slice %arg18[%add3A_198, %dma_wait3A_218] : memref<10240x64xf32, #tpu.memory_space<vmem_shared>> -> memref<80x64xf32, #tpu.memory_space<vmem_shared>>
        %dma_wait3A_220 = arith.constant 0 : i32
        %dma_wait3A_221 = tpu.memref_slice %arg18[%add3A_198, %dma_wait3A_220] : memref<10240x64xf32, #tpu.memory_space<vmem_shared>> -> memref<80x64xf32, #tpu.memory_space<vmem_shared>>
        tpu.wait_dma2 semaphore(%run_scoped3A : memref<!tpu.dma_semaphore, #tpu.memory_space<semaphore_mem>>) src(%dma_wait3A_221 : memref<80x64xf32, #tpu.memory_space<vmem_shared>>) dst(%arg17 : memref<80x64xf32, #tpu.memory_space<vmem>>)
        tpu.yield
      }) : () -> ()
      "tpu.region"() ({
        %run_scoped3A = tpu.sem_alloc : memref<!tpu.dma_semaphore, #tpu.memory_space<semaphore_mem>>
        %dma_start3A_214 = arith.constant 0 : i32
        %dma_start3A_215 = tpu.memref_slice %arg8[%arg0, %add3A_198, %dma_start3A_214] : memref<2x10240x64xf32, #tpu.memory_space<hbm>> -> memref<1x80x64xf32, #tpu.memory_space<hbm>>
        %dma_start3A_216 = tpu.memref_squeeze %dma_start3A_215 : memref<1x80x64xf32, #tpu.memory_space<hbm>> -> memref<80x64xf32, #tpu.memory_space<hbm>>
        %dma_start3A_217 = arith.constant 0 : i32
        %dma_start3A_218 = tpu.memref_slice %arg8[%arg0, %add3A_198, %dma_start3A_217] : memref<2x10240x64xf32, #tpu.memory_space<hbm>> -> memref<1x80x64xf32, #tpu.memory_space<hbm>>
        %dma_start3A_219 = tpu.memref_squeeze %dma_start3A_218 : memref<1x80x64xf32, #tpu.memory_space<hbm>> -> memref<80x64xf32, #tpu.memory_space<hbm>>
        tpu.enqueue_dma source(%arg17 : memref<80x64xf32, #tpu.memory_space<vmem>>) target(%dma_start3A_219 : memref<80x64xf32, #tpu.memory_space<hbm>>) target_semaphore(%run_scoped3A : memref<!tpu.dma_semaphore, #tpu.memory_space<semaphore_mem>>)
        %dma_wait3A_220 = arith.constant 0 : i32
        %dma_wait3A_221 = tpu.memref_slice %arg8[%arg0, %add3A_198, %dma_wait3A_220] : memref<2x10240x64xf32, #tpu.memory_space<hbm>> -> memref<1x80x64xf32, #tpu.memory_space<hbm>>
        %dma_wait3A_222 = tpu.memref_squeeze %dma_wait3A_221 : memref<1x80x64xf32, #tpu.memory_space<hbm>> -> memref<80x64xf32, #tpu.memory_space<hbm>>
        %dma_wait3A_223 = arith.constant 0 : i32
        %dma_wait3A_224 = tpu.memref_slice %arg8[%arg0, %add3A_198, %dma_wait3A_223] : memref<2x10240x64xf32, #tpu.memory_space<hbm>> -> memref<1x80x64xf32, #tpu.memory_space<hbm>>
        %dma_wait3A_225 = tpu.memref_squeeze %dma_wait3A_224 : memref<1x80x64xf32, #tpu.memory_space<hbm>> -> memref<80x64xf32, #tpu.memory_space<hbm>>
        tpu.wait_dma2 semaphore(%run_scoped3A : memref<!tpu.dma_semaphore, #tpu.memory_space<semaphore_mem>>) src(%arg17 : memref<80x64xf32, #tpu.memory_space<vmem>>) dst(%dma_wait3A_225 : memref<80x64xf32, #tpu.memory_space<hbm>>)
        tpu.yield
      }) : () -> ()
      %add3A_199 = arith.constant 80 : i32
      %add3A_200 = arith.addi %mul3A_2, %add3A_199 : i32
      "tpu.region"() ({
        %run_scoped3A = tpu.sem_alloc : memref<!tpu.dma_semaphore, #tpu.memory_space<semaphore_mem>>
        %dma_start3A_214 = arith.constant 0 : i32
        %dma_start3A_215 = tpu.memref_slice %arg18[%add3A_200, %dma_start3A_214] : memref<10240x64xf32, #tpu.memory_space<vmem_shared>> -> memref<80x64xf32, #tpu.memory_space<vmem_shared>>
        %dma_start3A_216 = arith.constant 0 : i32
        %dma_start3A_217 = tpu.memref_slice %arg18[%add3A_200, %dma_start3A_216] : memref<10240x64xf32, #tpu.memory_space<vmem_shared>> -> memref<80x64xf32, #tpu.memory_space<vmem_shared>>
        tpu.enqueue_dma source(%dma_start3A_217 : memref<80x64xf32, #tpu.memory_space<vmem_shared>>) target(%arg17 : memref<80x64xf32, #tpu.memory_space<vmem>>) target_semaphore(%run_scoped3A : memref<!tpu.dma_semaphore, #tpu.memory_space<semaphore_mem>>)
        %dma_wait3A_218 = arith.constant 0 : i32
        %dma_wait3A_219 = tpu.memref_slice %arg18[%add3A_200, %dma_wait3A_218] : memref<10240x64xf32, #tpu.memory_space<vmem_shared>> -> memref<80x64xf32, #tpu.memory_space<vmem_shared>>
        %dma_wait3A_220 = arith.constant 0 : i32
        %dma_wait3A_221 = tpu.memref_slice %arg18[%add3A_200, %dma_wait3A_220] : memref<10240x64xf32, #tpu.memory_space<vmem_shared>> -> memref<80x64xf32, #tpu.memory_space<vmem_shared>>
        tpu.wait_dma2 semaphore(%run_scoped3A : memref<!tpu.dma_semaphore, #tpu.memory_space<semaphore_mem>>) src(%dma_wait3A_221 : memref<80x64xf32, #tpu.memory_space<vmem_shared>>) dst(%arg17 : memref<80x64xf32, #tpu.memory_space<vmem>>)
        tpu.yield
      }) : () -> ()
      "tpu.region"() ({
        %run_scoped3A = tpu.sem_alloc : memref<!tpu.dma_semaphore, #tpu.memory_space<semaphore_mem>>
        %dma_start3A_214 = arith.constant 0 : i32
        %dma_start3A_215 = tpu.memref_slice %arg8[%arg0, %add3A_200, %dma_start3A_214] : memref<2x10240x64xf32, #tpu.memory_space<hbm>> -> memref<1x80x64xf32, #tpu.memory_space<hbm>>
        %dma_start3A_216 = tpu.memref_squeeze %dma_start3A_215 : memref<1x80x64xf32, #tpu.memory_space<hbm>> -> memref<80x64xf32, #tpu.memory_space<hbm>>
        %dma_start3A_217 = arith.constant 0 : i32
        %dma_start3A_218 = tpu.memref_slice %arg8[%arg0, %add3A_200, %dma_start3A_217] : memref<2x10240x64xf32, #tpu.memory_space<hbm>> -> memref<1x80x64xf32, #tpu.memory_space<hbm>>
        %dma_start3A_219 = tpu.memref_squeeze %dma_start3A_218 : memref<1x80x64xf32, #tpu.memory_space<hbm>> -> memref<80x64xf32, #tpu.memory_space<hbm>>
        tpu.enqueue_dma source(%arg17 : memref<80x64xf32, #tpu.memory_space<vmem>>) target(%dma_start3A_219 : memref<80x64xf32, #tpu.memory_space<hbm>>) target_semaphore(%run_scoped3A : memref<!tpu.dma_semaphore, #tpu.memory_space<semaphore_mem>>)
        %dma_wait3A_220 = arith.constant 0 : i32
        %dma_wait3A_221 = tpu.memref_slice %arg8[%arg0, %add3A_200, %dma_wait3A_220] : memref<2x10240x64xf32, #tpu.memory_space<hbm>> -> memref<1x80x64xf32, #tpu.memory_space<hbm>>
        %dma_wait3A_222 = tpu.memref_squeeze %dma_wait3A_221 : memref<1x80x64xf32, #tpu.memory_space<hbm>> -> memref<80x64xf32, #tpu.memory_space<hbm>>
        %dma_wait3A_223 = arith.constant 0 : i32
        %dma_wait3A_224 = tpu.memref_slice %arg8[%arg0, %add3A_200, %dma_wait3A_223] : memref<2x10240x64xf32, #tpu.memory_space<hbm>> -> memref<1x80x64xf32, #tpu.memory_space<hbm>>
        %dma_wait3A_225 = tpu.memref_squeeze %dma_wait3A_224 : memref<1x80x64xf32, #tpu.memory_space<hbm>> -> memref<80x64xf32, #tpu.memory_space<hbm>>
        tpu.wait_dma2 semaphore(%run_scoped3A : memref<!tpu.dma_semaphore, #tpu.memory_space<semaphore_mem>>) src(%arg17 : memref<80x64xf32, #tpu.memory_space<vmem>>) dst(%dma_wait3A_225 : memref<80x64xf32, #tpu.memory_space<hbm>>)
        tpu.yield
      }) : () -> ()
      %add3A_201 = arith.constant 160 : i32
      %add3A_202 = arith.addi %mul3A_2, %add3A_201 : i32
      "tpu.region"() ({
        %run_scoped3A = tpu.sem_alloc : memref<!tpu.dma_semaphore, #tpu.memory_space<semaphore_mem>>
        %dma_start3A_214 = arith.constant 0 : i32
        %dma_start3A_215 = tpu.memref_slice %arg18[%add3A_202, %dma_start3A_214] : memref<10240x64xf32, #tpu.memory_space<vmem_shared>> -> memref<80x64xf32, #tpu.memory_space<vmem_shared>>
        %dma_start3A_216 = arith.constant 0 : i32
        %dma_start3A_217 = tpu.memref_slice %arg18[%add3A_202, %dma_start3A_216] : memref<10240x64xf32, #tpu.memory_space<vmem_shared>> -> memref<80x64xf32, #tpu.memory_space<vmem_shared>>
        tpu.enqueue_dma source(%dma_start3A_217 : memref<80x64xf32, #tpu.memory_space<vmem_shared>>) target(%arg17 : memref<80x64xf32, #tpu.memory_space<vmem>>) target_semaphore(%run_scoped3A : memref<!tpu.dma_semaphore, #tpu.memory_space<semaphore_mem>>)
        %dma_wait3A_218 = arith.constant 0 : i32
        %dma_wait3A_219 = tpu.memref_slice %arg18[%add3A_202, %dma_wait3A_218] : memref<10240x64xf32, #tpu.memory_space<vmem_shared>> -> memref<80x64xf32, #tpu.memory_space<vmem_shared>>
        %dma_wait3A_220 = arith.constant 0 : i32
        %dma_wait3A_221 = tpu.memref_slice %arg18[%add3A_202, %dma_wait3A_220] : memref<10240x64xf32, #tpu.memory_space<vmem_shared>> -> memref<80x64xf32, #tpu.memory_space<vmem_shared>>
        tpu.wait_dma2 semaphore(%run_scoped3A : memref<!tpu.dma_semaphore, #tpu.memory_space<semaphore_mem>>) src(%dma_wait3A_221 : memref<80x64xf32, #tpu.memory_space<vmem_shared>>) dst(%arg17 : memref<80x64xf32, #tpu.memory_space<vmem>>)
        tpu.yield
      }) : () -> ()
      "tpu.region"() ({
        %run_scoped3A = tpu.sem_alloc : memref<!tpu.dma_semaphore, #tpu.memory_space<semaphore_mem>>
        %dma_start3A_214 = arith.constant 0 : i32
        %dma_start3A_215 = tpu.memref_slice %arg8[%arg0, %add3A_202, %dma_start3A_214] : memref<2x10240x64xf32, #tpu.memory_space<hbm>> -> memref<1x80x64xf32, #tpu.memory_space<hbm>>
        %dma_start3A_216 = tpu.memref_squeeze %dma_start3A_215 : memref<1x80x64xf32, #tpu.memory_space<hbm>> -> memref<80x64xf32, #tpu.memory_space<hbm>>
        %dma_start3A_217 = arith.constant 0 : i32
        %dma_start3A_218 = tpu.memref_slice %arg8[%arg0, %add3A_202, %dma_start3A_217] : memref<2x10240x64xf32, #tpu.memory_space<hbm>> -> memref<1x80x64xf32, #tpu.memory_space<hbm>>
        %dma_start3A_219 = tpu.memref_squeeze %dma_start3A_218 : memref<1x80x64xf32, #tpu.memory_space<hbm>> -> memref<80x64xf32, #tpu.memory_space<hbm>>
        tpu.enqueue_dma source(%arg17 : memref<80x64xf32, #tpu.memory_space<vmem>>) target(%dma_start3A_219 : memref<80x64xf32, #tpu.memory_space<hbm>>) target_semaphore(%run_scoped3A : memref<!tpu.dma_semaphore, #tpu.memory_space<semaphore_mem>>)
        %dma_wait3A_220 = arith.constant 0 : i32
        %dma_wait3A_221 = tpu.memref_slice %arg8[%arg0, %add3A_202, %dma_wait3A_220] : memref<2x10240x64xf32, #tpu.memory_space<hbm>> -> memref<1x80x64xf32, #tpu.memory_space<hbm>>
        %dma_wait3A_222 = tpu.memref_squeeze %dma_wait3A_221 : memref<1x80x64xf32, #tpu.memory_space<hbm>> -> memref<80x64xf32, #tpu.memory_space<hbm>>
        %dma_wait3A_223 = arith.constant 0 : i32
        %dma_wait3A_224 = tpu.memref_slice %arg8[%arg0, %add3A_202, %dma_wait3A_223] : memref<2x10240x64xf32, #tpu.memory_space<hbm>> -> memref<1x80x64xf32, #tpu.memory_space<hbm>>
        %dma_wait3A_225 = tpu.memref_squeeze %dma_wait3A_224 : memref<1x80x64xf32, #tpu.memory_space<hbm>> -> memref<80x64xf32, #tpu.memory_space<hbm>>
        tpu.wait_dma2 semaphore(%run_scoped3A : memref<!tpu.dma_semaphore, #tpu.memory_space<semaphore_mem>>) src(%arg17 : memref<80x64xf32, #tpu.memory_space<vmem>>) dst(%dma_wait3A_225 : memref<80x64xf32, #tpu.memory_space<hbm>>)
        tpu.yield
      }) : () -> ()
      %add3A_203 = arith.constant 240 : i32
      %add3A_204 = arith.addi %mul3A_2, %add3A_203 : i32
      "tpu.region"() ({
        %run_scoped3A = tpu.sem_alloc : memref<!tpu.dma_semaphore, #tpu.memory_space<semaphore_mem>>
        %dma_start3A_214 = arith.constant 0 : i32
        %dma_start3A_215 = tpu.memref_slice %arg18[%add3A_204, %dma_start3A_214] : memref<10240x64xf32, #tpu.memory_space<vmem_shared>> -> memref<80x64xf32, #tpu.memory_space<vmem_shared>>
        %dma_start3A_216 = arith.constant 0 : i32
        %dma_start3A_217 = tpu.memref_slice %arg18[%add3A_204, %dma_start3A_216] : memref<10240x64xf32, #tpu.memory_space<vmem_shared>> -> memref<80x64xf32, #tpu.memory_space<vmem_shared>>
        tpu.enqueue_dma source(%dma_start3A_217 : memref<80x64xf32, #tpu.memory_space<vmem_shared>>) target(%arg17 : memref<80x64xf32, #tpu.memory_space<vmem>>) target_semaphore(%run_scoped3A : memref<!tpu.dma_semaphore, #tpu.memory_space<semaphore_mem>>)
        %dma_wait3A_218 = arith.constant 0 : i32
        %dma_wait3A_219 = tpu.memref_slice %arg18[%add3A_204, %dma_wait3A_218] : memref<10240x64xf32, #tpu.memory_space<vmem_shared>> -> memref<80x64xf32, #tpu.memory_space<vmem_shared>>
        %dma_wait3A_220 = arith.constant 0 : i32
        %dma_wait3A_221 = tpu.memref_slice %arg18[%add3A_204, %dma_wait3A_220] : memref<10240x64xf32, #tpu.memory_space<vmem_shared>> -> memref<80x64xf32, #tpu.memory_space<vmem_shared>>
        tpu.wait_dma2 semaphore(%run_scoped3A : memref<!tpu.dma_semaphore, #tpu.memory_space<semaphore_mem>>) src(%dma_wait3A_221 : memref<80x64xf32, #tpu.memory_space<vmem_shared>>) dst(%arg17 : memref<80x64xf32, #tpu.memory_space<vmem>>)
        tpu.yield
      }) : () -> ()
      "tpu.region"() ({
        %run_scoped3A = tpu.sem_alloc : memref<!tpu.dma_semaphore, #tpu.memory_space<semaphore_mem>>
        %dma_start3A_214 = arith.constant 0 : i32
        %dma_start3A_215 = tpu.memref_slice %arg8[%arg0, %add3A_204, %dma_start3A_214] : memref<2x10240x64xf32, #tpu.memory_space<hbm>> -> memref<1x80x64xf32, #tpu.memory_space<hbm>>
        %dma_start3A_216 = tpu.memref_squeeze %dma_start3A_215 : memref<1x80x64xf32, #tpu.memory_space<hbm>> -> memref<80x64xf32, #tpu.memory_space<hbm>>
        %dma_start3A_217 = arith.constant 0 : i32
        %dma_start3A_218 = tpu.memref_slice %arg8[%arg0, %add3A_204, %dma_start3A_217] : memref<2x10240x64xf32, #tpu.memory_space<hbm>> -> memref<1x80x64xf32, #tpu.memory_space<hbm>>
        %dma_start3A_219 = tpu.memref_squeeze %dma_start3A_218 : memref<1x80x64xf32, #tpu.memory_space<hbm>> -> memref<80x64xf32, #tpu.memory_space<hbm>>
        tpu.enqueue_dma source(%arg17 : memref<80x64xf32, #tpu.memory_space<vmem>>) target(%dma_start3A_219 : memref<80x64xf32, #tpu.memory_space<hbm>>) target_semaphore(%run_scoped3A : memref<!tpu.dma_semaphore, #tpu.memory_space<semaphore_mem>>)
        %dma_wait3A_220 = arith.constant 0 : i32
        %dma_wait3A_221 = tpu.memref_slice %arg8[%arg0, %add3A_204, %dma_wait3A_220] : memref<2x10240x64xf32, #tpu.memory_space<hbm>> -> memref<1x80x64xf32, #tpu.memory_space<hbm>>
        %dma_wait3A_222 = tpu.memref_squeeze %dma_wait3A_221 : memref<1x80x64xf32, #tpu.memory_space<hbm>> -> memref<80x64xf32, #tpu.memory_space<hbm>>
        %dma_wait3A_223 = arith.constant 0 : i32
        %dma_wait3A_224 = tpu.memref_slice %arg8[%arg0, %add3A_204, %dma_wait3A_223] : memref<2x10240x64xf32, #tpu.memory_space<hbm>> -> memref<1x80x64xf32, #tpu.memory_space<hbm>>
        %dma_wait3A_225 = tpu.memref_squeeze %dma_wait3A_224 : memref<1x80x64xf32, #tpu.memory_space<hbm>> -> memref<80x64xf32, #tpu.memory_space<hbm>>
        tpu.wait_dma2 semaphore(%run_scoped3A : memref<!tpu.dma_semaphore, #tpu.memory_space<semaphore_mem>>) src(%arg17 : memref<80x64xf32, #tpu.memory_space<vmem>>) dst(%dma_wait3A_225 : memref<80x64xf32, #tpu.memory_space<hbm>>)
        tpu.yield
      }) : () -> ()
      %add3A_205 = arith.constant 320 : i32
      %add3A_206 = arith.addi %mul3A_2, %add3A_205 : i32
      "tpu.region"() ({
        %run_scoped3A = tpu.sem_alloc : memref<!tpu.dma_semaphore, #tpu.memory_space<semaphore_mem>>
        %dma_start3A_214 = arith.constant 0 : i32
        %dma_start3A_215 = tpu.memref_slice %arg18[%add3A_206, %dma_start3A_214] : memref<10240x64xf32, #tpu.memory_space<vmem_shared>> -> memref<80x64xf32, #tpu.memory_space<vmem_shared>>
        %dma_start3A_216 = arith.constant 0 : i32
        %dma_start3A_217 = tpu.memref_slice %arg18[%add3A_206, %dma_start3A_216] : memref<10240x64xf32, #tpu.memory_space<vmem_shared>> -> memref<80x64xf32, #tpu.memory_space<vmem_shared>>
        tpu.enqueue_dma source(%dma_start3A_217 : memref<80x64xf32, #tpu.memory_space<vmem_shared>>) target(%arg17 : memref<80x64xf32, #tpu.memory_space<vmem>>) target_semaphore(%run_scoped3A : memref<!tpu.dma_semaphore, #tpu.memory_space<semaphore_mem>>)
        %dma_wait3A_218 = arith.constant 0 : i32
        %dma_wait3A_219 = tpu.memref_slice %arg18[%add3A_206, %dma_wait3A_218] : memref<10240x64xf32, #tpu.memory_space<vmem_shared>> -> memref<80x64xf32, #tpu.memory_space<vmem_shared>>
        %dma_wait3A_220 = arith.constant 0 : i32
        %dma_wait3A_221 = tpu.memref_slice %arg18[%add3A_206, %dma_wait3A_220] : memref<10240x64xf32, #tpu.memory_space<vmem_shared>> -> memref<80x64xf32, #tpu.memory_space<vmem_shared>>
        tpu.wait_dma2 semaphore(%run_scoped3A : memref<!tpu.dma_semaphore, #tpu.memory_space<semaphore_mem>>) src(%dma_wait3A_221 : memref<80x64xf32, #tpu.memory_space<vmem_shared>>) dst(%arg17 : memref<80x64xf32, #tpu.memory_space<vmem>>)
        tpu.yield
      }) : () -> ()
      "tpu.region"() ({
        %run_scoped3A = tpu.sem_alloc : memref<!tpu.dma_semaphore, #tpu.memory_space<semaphore_mem>>
        %dma_start3A_214 = arith.constant 0 : i32
        %dma_start3A_215 = tpu.memref_slice %arg8[%arg0, %add3A_206, %dma_start3A_214] : memref<2x10240x64xf32, #tpu.memory_space<hbm>> -> memref<1x80x64xf32, #tpu.memory_space<hbm>>
        %dma_start3A_216 = tpu.memref_squeeze %dma_start3A_215 : memref<1x80x64xf32, #tpu.memory_space<hbm>> -> memref<80x64xf32, #tpu.memory_space<hbm>>
        %dma_start3A_217 = arith.constant 0 : i32
        %dma_start3A_218 = tpu.memref_slice %arg8[%arg0, %add3A_206, %dma_start3A_217] : memref<2x10240x64xf32, #tpu.memory_space<hbm>> -> memref<1x80x64xf32, #tpu.memory_space<hbm>>
        %dma_start3A_219 = tpu.memref_squeeze %dma_start3A_218 : memref<1x80x64xf32, #tpu.memory_space<hbm>> -> memref<80x64xf32, #tpu.memory_space<hbm>>
        tpu.enqueue_dma source(%arg17 : memref<80x64xf32, #tpu.memory_space<vmem>>) target(%dma_start3A_219 : memref<80x64xf32, #tpu.memory_space<hbm>>) target_semaphore(%run_scoped3A : memref<!tpu.dma_semaphore, #tpu.memory_space<semaphore_mem>>)
        %dma_wait3A_220 = arith.constant 0 : i32
        %dma_wait3A_221 = tpu.memref_slice %arg8[%arg0, %add3A_206, %dma_wait3A_220] : memref<2x10240x64xf32, #tpu.memory_space<hbm>> -> memref<1x80x64xf32, #tpu.memory_space<hbm>>
        %dma_wait3A_222 = tpu.memref_squeeze %dma_wait3A_221 : memref<1x80x64xf32, #tpu.memory_space<hbm>> -> memref<80x64xf32, #tpu.memory_space<hbm>>
        %dma_wait3A_223 = arith.constant 0 : i32
        %dma_wait3A_224 = tpu.memref_slice %arg8[%arg0, %add3A_206, %dma_wait3A_223] : memref<2x10240x64xf32, #tpu.memory_space<hbm>> -> memref<1x80x64xf32, #tpu.memory_space<hbm>>
        %dma_wait3A_225 = tpu.memref_squeeze %dma_wait3A_224 : memref<1x80x64xf32, #tpu.memory_space<hbm>> -> memref<80x64xf32, #tpu.memory_space<hbm>>
        tpu.wait_dma2 semaphore(%run_scoped3A : memref<!tpu.dma_semaphore, #tpu.memory_space<semaphore_mem>>) src(%arg17 : memref<80x64xf32, #tpu.memory_space<vmem>>) dst(%dma_wait3A_225 : memref<80x64xf32, #tpu.memory_space<hbm>>)
        tpu.yield
      }) : () -> ()
      %add3A_207 = arith.constant 400 : i32
      %add3A_208 = arith.addi %mul3A_2, %add3A_207 : i32
      "tpu.region"() ({
        %run_scoped3A = tpu.sem_alloc : memref<!tpu.dma_semaphore, #tpu.memory_space<semaphore_mem>>
        %dma_start3A_214 = arith.constant 0 : i32
        %dma_start3A_215 = tpu.memref_slice %arg18[%add3A_208, %dma_start3A_214] : memref<10240x64xf32, #tpu.memory_space<vmem_shared>> -> memref<80x64xf32, #tpu.memory_space<vmem_shared>>
        %dma_start3A_216 = arith.constant 0 : i32
        %dma_start3A_217 = tpu.memref_slice %arg18[%add3A_208, %dma_start3A_216] : memref<10240x64xf32, #tpu.memory_space<vmem_shared>> -> memref<80x64xf32, #tpu.memory_space<vmem_shared>>
        tpu.enqueue_dma source(%dma_start3A_217 : memref<80x64xf32, #tpu.memory_space<vmem_shared>>) target(%arg17 : memref<80x64xf32, #tpu.memory_space<vmem>>) target_semaphore(%run_scoped3A : memref<!tpu.dma_semaphore, #tpu.memory_space<semaphore_mem>>)
        %dma_wait3A_218 = arith.constant 0 : i32
        %dma_wait3A_219 = tpu.memref_slice %arg18[%add3A_208, %dma_wait3A_218] : memref<10240x64xf32, #tpu.memory_space<vmem_shared>> -> memref<80x64xf32, #tpu.memory_space<vmem_shared>>
        %dma_wait3A_220 = arith.constant 0 : i32
        %dma_wait3A_221 = tpu.memref_slice %arg18[%add3A_208, %dma_wait3A_220] : memref<10240x64xf32, #tpu.memory_space<vmem_shared>> -> memref<80x64xf32, #tpu.memory_space<vmem_shared>>
        tpu.wait_dma2 semaphore(%run_scoped3A : memref<!tpu.dma_semaphore, #tpu.memory_space<semaphore_mem>>) src(%dma_wait3A_221 : memref<80x64xf32, #tpu.memory_space<vmem_shared>>) dst(%arg17 : memref<80x64xf32, #tpu.memory_space<vmem>>)
        tpu.yield
      }) : () -> ()
      "tpu.region"() ({
        %run_scoped3A = tpu.sem_alloc : memref<!tpu.dma_semaphore, #tpu.memory_space<semaphore_mem>>
        %dma_start3A_214 = arith.constant 0 : i32
        %dma_start3A_215 = tpu.memref_slice %arg8[%arg0, %add3A_208, %dma_start3A_214] : memref<2x10240x64xf32, #tpu.memory_space<hbm>> -> memref<1x80x64xf32, #tpu.memory_space<hbm>>
        %dma_start3A_216 = tpu.memref_squeeze %dma_start3A_215 : memref<1x80x64xf32, #tpu.memory_space<hbm>> -> memref<80x64xf32, #tpu.memory_space<hbm>>
        %dma_start3A_217 = arith.constant 0 : i32
        %dma_start3A_218 = tpu.memref_slice %arg8[%arg0, %add3A_208, %dma_start3A_217] : memref<2x10240x64xf32, #tpu.memory_space<hbm>> -> memref<1x80x64xf32, #tpu.memory_space<hbm>>
        %dma_start3A_219 = tpu.memref_squeeze %dma_start3A_218 : memref<1x80x64xf32, #tpu.memory_space<hbm>> -> memref<80x64xf32, #tpu.memory_space<hbm>>
        tpu.enqueue_dma source(%arg17 : memref<80x64xf32, #tpu.memory_space<vmem>>) target(%dma_start3A_219 : memref<80x64xf32, #tpu.memory_space<hbm>>) target_semaphore(%run_scoped3A : memref<!tpu.dma_semaphore, #tpu.memory_space<semaphore_mem>>)
        %dma_wait3A_220 = arith.constant 0 : i32
        %dma_wait3A_221 = tpu.memref_slice %arg8[%arg0, %add3A_208, %dma_wait3A_220] : memref<2x10240x64xf32, #tpu.memory_space<hbm>> -> memref<1x80x64xf32, #tpu.memory_space<hbm>>
        %dma_wait3A_222 = tpu.memref_squeeze %dma_wait3A_221 : memref<1x80x64xf32, #tpu.memory_space<hbm>> -> memref<80x64xf32, #tpu.memory_space<hbm>>
        %dma_wait3A_223 = arith.constant 0 : i32
        %dma_wait3A_224 = tpu.memref_slice %arg8[%arg0, %add3A_208, %dma_wait3A_223] : memref<2x10240x64xf32, #tpu.memory_space<hbm>> -> memref<1x80x64xf32, #tpu.memory_space<hbm>>
        %dma_wait3A_225 = tpu.memref_squeeze %dma_wait3A_224 : memref<1x80x64xf32, #tpu.memory_space<hbm>> -> memref<80x64xf32, #tpu.memory_space<hbm>>
        tpu.wait_dma2 semaphore(%run_scoped3A : memref<!tpu.dma_semaphore, #tpu.memory_space<semaphore_mem>>) src(%arg17 : memref<80x64xf32, #tpu.memory_space<vmem>>) dst(%dma_wait3A_225 : memref<80x64xf32, #tpu.memory_space<hbm>>)
        tpu.yield
      }) : () -> ()
      %add3A_209 = arith.constant 480 : i32
      %add3A_210 = arith.addi %mul3A_2, %add3A_209 : i32
      "tpu.region"() ({
        %run_scoped3A = tpu.sem_alloc : memref<!tpu.dma_semaphore, #tpu.memory_space<semaphore_mem>>
        %dma_start3A_214 = arith.constant 0 : i32
        %dma_start3A_215 = tpu.memref_slice %arg18[%add3A_210, %dma_start3A_214] : memref<10240x64xf32, #tpu.memory_space<vmem_shared>> -> memref<80x64xf32, #tpu.memory_space<vmem_shared>>
        %dma_start3A_216 = arith.constant 0 : i32
        %dma_start3A_217 = tpu.memref_slice %arg18[%add3A_210, %dma_start3A_216] : memref<10240x64xf32, #tpu.memory_space<vmem_shared>> -> memref<80x64xf32, #tpu.memory_space<vmem_shared>>
        tpu.enqueue_dma source(%dma_start3A_217 : memref<80x64xf32, #tpu.memory_space<vmem_shared>>) target(%arg17 : memref<80x64xf32, #tpu.memory_space<vmem>>) target_semaphore(%run_scoped3A : memref<!tpu.dma_semaphore, #tpu.memory_space<semaphore_mem>>)
        %dma_wait3A_218 = arith.constant 0 : i32
        %dma_wait3A_219 = tpu.memref_slice %arg18[%add3A_210, %dma_wait3A_218] : memref<10240x64xf32, #tpu.memory_space<vmem_shared>> -> memref<80x64xf32, #tpu.memory_space<vmem_shared>>
        %dma_wait3A_220 = arith.constant 0 : i32
        %dma_wait3A_221 = tpu.memref_slice %arg18[%add3A_210, %dma_wait3A_220] : memref<10240x64xf32, #tpu.memory_space<vmem_shared>> -> memref<80x64xf32, #tpu.memory_space<vmem_shared>>
        tpu.wait_dma2 semaphore(%run_scoped3A : memref<!tpu.dma_semaphore, #tpu.memory_space<semaphore_mem>>) src(%dma_wait3A_221 : memref<80x64xf32, #tpu.memory_space<vmem_shared>>) dst(%arg17 : memref<80x64xf32, #tpu.memory_space<vmem>>)
        tpu.yield
      }) : () -> ()
      "tpu.region"() ({
        %run_scoped3A = tpu.sem_alloc : memref<!tpu.dma_semaphore, #tpu.memory_space<semaphore_mem>>
        %dma_start3A_214 = arith.constant 0 : i32
        %dma_start3A_215 = tpu.memref_slice %arg8[%arg0, %add3A_210, %dma_start3A_214] : memref<2x10240x64xf32, #tpu.memory_space<hbm>> -> memref<1x80x64xf32, #tpu.memory_space<hbm>>
        %dma_start3A_216 = tpu.memref_squeeze %dma_start3A_215 : memref<1x80x64xf32, #tpu.memory_space<hbm>> -> memref<80x64xf32, #tpu.memory_space<hbm>>
        %dma_start3A_217 = arith.constant 0 : i32
        %dma_start3A_218 = tpu.memref_slice %arg8[%arg0, %add3A_210, %dma_start3A_217] : memref<2x10240x64xf32, #tpu.memory_space<hbm>> -> memref<1x80x64xf32, #tpu.memory_space<hbm>>
        %dma_start3A_219 = tpu.memref_squeeze %dma_start3A_218 : memref<1x80x64xf32, #tpu.memory_space<hbm>> -> memref<80x64xf32, #tpu.memory_space<hbm>>
        tpu.enqueue_dma source(%arg17 : memref<80x64xf32, #tpu.memory_space<vmem>>) target(%dma_start3A_219 : memref<80x64xf32, #tpu.memory_space<hbm>>) target_semaphore(%run_scoped3A : memref<!tpu.dma_semaphore, #tpu.memory_space<semaphore_mem>>)
        %dma_wait3A_220 = arith.constant 0 : i32
        %dma_wait3A_221 = tpu.memref_slice %arg8[%arg0, %add3A_210, %dma_wait3A_220] : memref<2x10240x64xf32, #tpu.memory_space<hbm>> -> memref<1x80x64xf32, #tpu.memory_space<hbm>>
        %dma_wait3A_222 = tpu.memref_squeeze %dma_wait3A_221 : memref<1x80x64xf32, #tpu.memory_space<hbm>> -> memref<80x64xf32, #tpu.memory_space<hbm>>
        %dma_wait3A_223 = arith.constant 0 : i32
        %dma_wait3A_224 = tpu.memref_slice %arg8[%arg0, %add3A_210, %dma_wait3A_223] : memref<2x10240x64xf32, #tpu.memory_space<hbm>> -> memref<1x80x64xf32, #tpu.memory_space<hbm>>
        %dma_wait3A_225 = tpu.memref_squeeze %dma_wait3A_224 : memref<1x80x64xf32, #tpu.memory_space<hbm>> -> memref<80x64xf32, #tpu.memory_space<hbm>>
        tpu.wait_dma2 semaphore(%run_scoped3A : memref<!tpu.dma_semaphore, #tpu.memory_space<semaphore_mem>>) src(%arg17 : memref<80x64xf32, #tpu.memory_space<vmem>>) dst(%dma_wait3A_225 : memref<80x64xf32, #tpu.memory_space<hbm>>)
        tpu.yield
      }) : () -> ()
      %add3A_211 = arith.constant 560 : i32
      %add3A_212 = arith.addi %mul3A_2, %add3A_211 : i32
      "tpu.region"() ({
        %run_scoped3A = tpu.sem_alloc : memref<!tpu.dma_semaphore, #tpu.memory_space<semaphore_mem>>
        %dma_start3A_214 = arith.constant 0 : i32
        %dma_start3A_215 = tpu.memref_slice %arg18[%add3A_212, %dma_start3A_214] : memref<10240x64xf32, #tpu.memory_space<vmem_shared>> -> memref<80x64xf32, #tpu.memory_space<vmem_shared>>
        %dma_start3A_216 = arith.constant 0 : i32
        %dma_start3A_217 = tpu.memref_slice %arg18[%add3A_212, %dma_start3A_216] : memref<10240x64xf32, #tpu.memory_space<vmem_shared>> -> memref<80x64xf32, #tpu.memory_space<vmem_shared>>
        tpu.enqueue_dma source(%dma_start3A_217 : memref<80x64xf32, #tpu.memory_space<vmem_shared>>) target(%arg17 : memref<80x64xf32, #tpu.memory_space<vmem>>) target_semaphore(%run_scoped3A : memref<!tpu.dma_semaphore, #tpu.memory_space<semaphore_mem>>)
        %dma_wait3A_218 = arith.constant 0 : i32
        %dma_wait3A_219 = tpu.memref_slice %arg18[%add3A_212, %dma_wait3A_218] : memref<10240x64xf32, #tpu.memory_space<vmem_shared>> -> memref<80x64xf32, #tpu.memory_space<vmem_shared>>
        %dma_wait3A_220 = arith.constant 0 : i32
        %dma_wait3A_221 = tpu.memref_slice %arg18[%add3A_212, %dma_wait3A_220] : memref<10240x64xf32, #tpu.memory_space<vmem_shared>> -> memref<80x64xf32, #tpu.memory_space<vmem_shared>>
        tpu.wait_dma2 semaphore(%run_scoped3A : memref<!tpu.dma_semaphore, #tpu.memory_space<semaphore_mem>>) src(%dma_wait3A_221 : memref<80x64xf32, #tpu.memory_space<vmem_shared>>) dst(%arg17 : memref<80x64xf32, #tpu.memory_space<vmem>>)
        tpu.yield
      }) : () -> ()
      "tpu.region"() ({
        %run_scoped3A = tpu.sem_alloc : memref<!tpu.dma_semaphore, #tpu.memory_space<semaphore_mem>>
        %dma_start3A_214 = arith.constant 0 : i32
        %dma_start3A_215 = tpu.memref_slice %arg8[%arg0, %add3A_212, %dma_start3A_214] : memref<2x10240x64xf32, #tpu.memory_space<hbm>> -> memref<1x80x64xf32, #tpu.memory_space<hbm>>
        %dma_start3A_216 = tpu.memref_squeeze %dma_start3A_215 : memref<1x80x64xf32, #tpu.memory_space<hbm>> -> memref<80x64xf32, #tpu.memory_space<hbm>>
        %dma_start3A_217 = arith.constant 0 : i32
        %dma_start3A_218 = tpu.memref_slice %arg8[%arg0, %add3A_212, %dma_start3A_217] : memref<2x10240x64xf32, #tpu.memory_space<hbm>> -> memref<1x80x64xf32, #tpu.memory_space<hbm>>
        %dma_start3A_219 = tpu.memref_squeeze %dma_start3A_218 : memref<1x80x64xf32, #tpu.memory_space<hbm>> -> memref<80x64xf32, #tpu.memory_space<hbm>>
        tpu.enqueue_dma source(%arg17 : memref<80x64xf32, #tpu.memory_space<vmem>>) target(%dma_start3A_219 : memref<80x64xf32, #tpu.memory_space<hbm>>) target_semaphore(%run_scoped3A : memref<!tpu.dma_semaphore, #tpu.memory_space<semaphore_mem>>)
        %dma_wait3A_220 = arith.constant 0 : i32
        %dma_wait3A_221 = tpu.memref_slice %arg8[%arg0, %add3A_212, %dma_wait3A_220] : memref<2x10240x64xf32, #tpu.memory_space<hbm>> -> memref<1x80x64xf32, #tpu.memory_space<hbm>>
        %dma_wait3A_222 = tpu.memref_squeeze %dma_wait3A_221 : memref<1x80x64xf32, #tpu.memory_space<hbm>> -> memref<80x64xf32, #tpu.memory_space<hbm>>
        %dma_wait3A_223 = arith.constant 0 : i32
        %dma_wait3A_224 = tpu.memref_slice %arg8[%arg0, %add3A_212, %dma_wait3A_223] : memref<2x10240x64xf32, #tpu.memory_space<hbm>> -> memref<1x80x64xf32, #tpu.memory_space<hbm>>
        %dma_wait3A_225 = tpu.memref_squeeze %dma_wait3A_224 : memref<1x80x64xf32, #tpu.memory_space<hbm>> -> memref<80x64xf32, #tpu.memory_space<hbm>>
        tpu.wait_dma2 semaphore(%run_scoped3A : memref<!tpu.dma_semaphore, #tpu.memory_space<semaphore_mem>>) src(%arg17 : memref<80x64xf32, #tpu.memory_space<vmem>>) dst(%dma_wait3A_225 : memref<80x64xf32, #tpu.memory_space<hbm>>)
        tpu.yield
      }) : () -> ()
      %barrier3A_213 = arith.constant 0 : index
      tpu.barrier barrier_id(%barrier3A_213)
    } else {
    }
    %eq3A_7 = arith.constant 1 : i32
    %eq3A_8 = arith.cmpi eq, %arg0, %eq3A_7 : i32
    %convert_element_type3A_9 = arith.extui %eq3A_8 : i1 to i32
    %cond3A_10 = arith.constant 0 : i32
    %cond3A_11 = arith.cmpi ne, %convert_element_type3A_9, %cond3A_10 : i32
    scf.if %cond3A_11 {
      "tpu.region"() ({
        %run_scoped3A = tpu.sem_alloc : memref<!tpu.dma_semaphore, #tpu.memory_space<semaphore_mem>>
        tpu.enqueue_dma source(%arg7 : memref<10240xf32, #tpu.memory_space<hbm>>) target(%arg16 : memref<10240xf32, #tpu.memory_space<vmem>>) target_semaphore(%run_scoped3A : memref<!tpu.dma_semaphore, #tpu.memory_space<semaphore_mem>>)
        tpu.wait_dma2 semaphore(%run_scoped3A : memref<!tpu.dma_semaphore, #tpu.memory_space<semaphore_mem>>) src(%arg7 : memref<10240xf32, #tpu.memory_space<hbm>>) dst(%arg16 : memref<10240xf32, #tpu.memory_space<vmem>>)
        tpu.yield
      }) : () -> ()
      %broadcast_in_dim3A = arith.constant 1.000000e+00 : f32
      %broadcast_in_dim3A_12 = vector.broadcast %broadcast_in_dim3A : f32 to vector<16xf32>
      %scan3A = arith.constant 0 : i32
      %scan3A_13 = arith.constant 625 : i32
      %scan3A_14 = arith.addi %scan3A, %scan3A_13 : i32
      %scan3A_15 = arith.constant 1 : i32
      scf.for %scan3A_214 = %scan3A to %scan3A_14 step %scan3A_15  : i32 {
        %mul3A_215 = arith.constant 1 : i32
        %mul3A_216 = arith.muli %scan3A_214, %mul3A_215 : i32
        %add3A_217 = arith.constant 0 : i32
        %add3A_218 = arith.addi %add3A_217, %mul3A_216 : i32
        %mul3A_219 = arith.constant 16 : i32
        %mul3A_220 = arith.muli %add3A_218, %mul3A_219 : i32
        %add3A_221 = arith.constant 10000 : i32
        %add3A_222 = arith.addi %add3A_221, %mul3A_220 : i32
        %get3A = arith.index_cast %add3A_222 : i32 to index
        %get3A_223 = tpu.vector_load %arg11[%get3A] {strides = array<i32>} : memref<20000xi32, #tpu.memory_space<vmem>>, vector<16xi32>,
        tpu.vector_store_idx %arg16[%get3A_223], %broadcast_in_dim3A_12 {add = true} : memref<10240xf32, #tpu.memory_space<vmem>>[vector<16xi32>], vector<16xf32>,
      }
      %scan3A_16 = arith.constant 625 : i32
      "tpu.region"() ({
        %run_scoped3A = tpu.sem_alloc : memref<!tpu.dma_semaphore, #tpu.memory_space<semaphore_mem>>
        %dma_start3A_214 = arith.constant 0 : i32
        %dma_start3A_215 = tpu.memref_slice %arg9[%add3A, %dma_start3A_214] : memref<32x10240xf32, #tpu.memory_space<hbm>> -> memref<1x10240xf32, #tpu.memory_space<hbm>>
        %dma_start3A_216 = tpu.memref_squeeze %dma_start3A_215 : memref<1x10240xf32, #tpu.memory_space<hbm>> -> memref<10240xf32, #tpu.memory_space<hbm>>
        %dma_start3A_217 = arith.constant 0 : i32
        %dma_start3A_218 = tpu.memref_slice %arg9[%add3A, %dma_start3A_217] : memref<32x10240xf32, #tpu.memory_space<hbm>> -> memref<1x10240xf32, #tpu.memory_space<hbm>>
        %dma_start3A_219 = tpu.memref_squeeze %dma_start3A_218 : memref<1x10240xf32, #tpu.memory_space<hbm>> -> memref<10240xf32, #tpu.memory_space<hbm>>
        tpu.enqueue_dma source(%arg16 : memref<10240xf32, #tpu.memory_space<vmem>>) target(%dma_start3A_219 : memref<10240xf32, #tpu.memory_space<hbm>>) target_semaphore(%run_scoped3A : memref<!tpu.dma_semaphore, #tpu.memory_space<semaphore_mem>>)
        %dma_wait3A_220 = arith.constant 0 : i32
        %dma_wait3A_221 = tpu.memref_slice %arg9[%add3A, %dma_wait3A_220] : memref<32x10240xf32, #tpu.memory_space<hbm>> -> memref<1x10240xf32, #tpu.memory_space<hbm>>
        %dma_wait3A_222 = tpu.memref_squeeze %dma_wait3A_221 : memref<1x10240xf32, #tpu.memory_space<hbm>> -> memref<10240xf32, #tpu.memory_space<hbm>>
        %dma_wait3A_223 = arith.constant 0 : i32
        %dma_wait3A_224 = tpu.memref_slice %arg9[%add3A, %dma_wait3A_223] : memref<32x10240xf32, #tpu.memory_space<hbm>> -> memref<1x10240xf32, #tpu.memory_space<hbm>>
        %dma_wait3A_225 = tpu.memref_squeeze %dma_wait3A_224 : memref<1x10240xf32, #tpu.memory_space<hbm>> -> memref<10240xf32, #tpu.memory_space<hbm>>
        tpu.wait_dma2 semaphore(%run_scoped3A : memref<!tpu.dma_semaphore, #tpu.memory_space<semaphore_mem>>) src(%arg16 : memref<10240xf32, #tpu.memory_space<vmem>>) dst(%dma_wait3A_225 : memref<10240xf32, #tpu.memory_space<hbm>>)
        tpu.yield
      }) : () -> ()
      "tpu.region"() ({
        %run_scoped3A = tpu.sem_alloc : memref<!tpu.dma_semaphore, #tpu.memory_space<semaphore_mem>>
        tpu.enqueue_dma source(%arg6 : memref<80x64xf32, #tpu.memory_space<hbm>>) target(%arg17 : memref<80x64xf32, #tpu.memory_space<vmem>>) target_semaphore(%run_scoped3A : memref<!tpu.dma_semaphore, #tpu.memory_space<semaphore_mem>>)
        tpu.wait_dma2 semaphore(%run_scoped3A : memref<!tpu.dma_semaphore, #tpu.memory_space<semaphore_mem>>) src(%arg6 : memref<80x64xf32, #tpu.memory_space<hbm>>) dst(%arg17 : memref<80x64xf32, #tpu.memory_space<vmem>>)
        tpu.yield
      }) : () -> ()
      %add3A_17 = arith.constant 0 : i32
      %add3A_18 = arith.addi %mul3A_2, %add3A_17 : i32
      "tpu.region"() ({
        %run_scoped3A = tpu.sem_alloc : memref<!tpu.dma_semaphore, #tpu.memory_space<semaphore_mem>>
        %dma_start3A_214 = arith.constant 0 : i32
        %dma_start3A_215 = tpu.memref_slice %arg18[%add3A_18, %dma_start3A_214] : memref<10240x64xf32, #tpu.memory_space<vmem_shared>> -> memref<80x64xf32, #tpu.memory_space<vmem_shared>>
        %dma_start3A_216 = arith.constant 0 : i32
        %dma_start3A_217 = tpu.memref_slice %arg18[%add3A_18, %dma_start3A_216] : memref<10240x64xf32, #tpu.memory_space<vmem_shared>> -> memref<80x64xf32, #tpu.memory_space<vmem_shared>>
        tpu.enqueue_dma source(%arg17 : memref<80x64xf32, #tpu.memory_space<vmem>>) target(%dma_start3A_217 : memref<80x64xf32, #tpu.memory_space<vmem_shared>>) target_semaphore(%run_scoped3A : memref<!tpu.dma_semaphore, #tpu.memory_space<semaphore_mem>>)
        %dma_wait3A_218 = arith.constant 0 : i32
        %dma_wait3A_219 = tpu.memref_slice %arg18[%add3A_18, %dma_wait3A_218] : memref<10240x64xf32, #tpu.memory_space<vmem_shared>> -> memref<80x64xf32, #tpu.memory_space<vmem_shared>>
        %dma_wait3A_220 = arith.constant 0 : i32
        %dma_wait3A_221 = tpu.memref_slice %arg18[%add3A_18, %dma_wait3A_220] : memref<10240x64xf32, #tpu.memory_space<vmem_shared>> -> memref<80x64xf32, #tpu.memory_space<vmem_shared>>
        tpu.wait_dma2 semaphore(%run_scoped3A : memref<!tpu.dma_semaphore, #tpu.memory_space<semaphore_mem>>) src(%arg17 : memref<80x64xf32, #tpu.memory_space<vmem>>) dst(%dma_wait3A_221 : memref<80x64xf32, #tpu.memory_space<vmem_shared>>)
        tpu.yield
      }) : () -> ()
      %add3A_19 = arith.constant 80 : i32
      %add3A_20 = arith.addi %mul3A_2, %add3A_19 : i32
      "tpu.region"() ({
        %run_scoped3A = tpu.sem_alloc : memref<!tpu.dma_semaphore, #tpu.memory_space<semaphore_mem>>
        %dma_start3A_214 = arith.constant 0 : i32
        %dma_start3A_215 = tpu.memref_slice %arg18[%add3A_20, %dma_start3A_214] : memref<10240x64xf32, #tpu.memory_space<vmem_shared>> -> memref<80x64xf32, #tpu.memory_space<vmem_shared>>
        %dma_start3A_216 = arith.constant 0 : i32
        %dma_start3A_217 = tpu.memref_slice %arg18[%add3A_20, %dma_start3A_216] : memref<10240x64xf32, #tpu.memory_space<vmem_shared>> -> memref<80x64xf32, #tpu.memory_space<vmem_shared>>
        tpu.enqueue_dma source(%arg17 : memref<80x64xf32, #tpu.memory_space<vmem>>) target(%dma_start3A_217 : memref<80x64xf32, #tpu.memory_space<vmem_shared>>) target_semaphore(%run_scoped3A : memref<!tpu.dma_semaphore, #tpu.memory_space<semaphore_mem>>)
        %dma_wait3A_218 = arith.constant 0 : i32
        %dma_wait3A_219 = tpu.memref_slice %arg18[%add3A_20, %dma_wait3A_218] : memref<10240x64xf32, #tpu.memory_space<vmem_shared>> -> memref<80x64xf32, #tpu.memory_space<vmem_shared>>
        %dma_wait3A_220 = arith.constant 0 : i32
        %dma_wait3A_221 = tpu.memref_slice %arg18[%add3A_20, %dma_wait3A_220] : memref<10240x64xf32, #tpu.memory_space<vmem_shared>> -> memref<80x64xf32, #tpu.memory_space<vmem_shared>>
        tpu.wait_dma2 semaphore(%run_scoped3A : memref<!tpu.dma_semaphore, #tpu.memory_space<semaphore_mem>>) src(%arg17 : memref<80x64xf32, #tpu.memory_space<vmem>>) dst(%dma_wait3A_221 : memref<80x64xf32, #tpu.memory_space<vmem_shared>>)
        tpu.yield
      }) : () -> ()
      %add3A_21 = arith.constant 160 : i32
      %add3A_22 = arith.addi %mul3A_2, %add3A_21 : i32
      "tpu.region"() ({
        %run_scoped3A = tpu.sem_alloc : memref<!tpu.dma_semaphore, #tpu.memory_space<semaphore_mem>>
        %dma_start3A_214 = arith.constant 0 : i32
        %dma_start3A_215 = tpu.memref_slice %arg18[%add3A_22, %dma_start3A_214] : memref<10240x64xf32, #tpu.memory_space<vmem_shared>> -> memref<80x64xf32, #tpu.memory_space<vmem_shared>>
        %dma_start3A_216 = arith.constant 0 : i32
        %dma_start3A_217 = tpu.memref_slice %arg18[%add3A_22, %dma_start3A_216] : memref<10240x64xf32, #tpu.memory_space<vmem_shared>> -> memref<80x64xf32, #tpu.memory_space<vmem_shared>>
        tpu.enqueue_dma source(%arg17 : memref<80x64xf32, #tpu.memory_space<vmem>>) target(%dma_start3A_217 : memref<80x64xf32, #tpu.memory_space<vmem_shared>>) target_semaphore(%run_scoped3A : memref<!tpu.dma_semaphore, #tpu.memory_space<semaphore_mem>>)
        %dma_wait3A_218 = arith.constant 0 : i32
        %dma_wait3A_219 = tpu.memref_slice %arg18[%add3A_22, %dma_wait3A_218] : memref<10240x64xf32, #tpu.memory_space<vmem_shared>> -> memref<80x64xf32, #tpu.memory_space<vmem_shared>>
        %dma_wait3A_220 = arith.constant 0 : i32
        %dma_wait3A_221 = tpu.memref_slice %arg18[%add3A_22, %dma_wait3A_220] : memref<10240x64xf32, #tpu.memory_space<vmem_shared>> -> memref<80x64xf32, #tpu.memory_space<vmem_shared>>
        tpu.wait_dma2 semaphore(%run_scoped3A : memref<!tpu.dma_semaphore, #tpu.memory_space<semaphore_mem>>) src(%arg17 : memref<80x64xf32, #tpu.memory_space<vmem>>) dst(%dma_wait3A_221 : memref<80x64xf32, #tpu.memory_space<vmem_shared>>)
        tpu.yield
      }) : () -> ()
      %add3A_23 = arith.constant 240 : i32
      %add3A_24 = arith.addi %mul3A_2, %add3A_23 : i32
      "tpu.region"() ({
        %run_scoped3A = tpu.sem_alloc : memref<!tpu.dma_semaphore, #tpu.memory_space<semaphore_mem>>
        %dma_start3A_214 = arith.constant 0 : i32
        %dma_start3A_215 = tpu.memref_slice %arg18[%add3A_24, %dma_start3A_214] : memref<10240x64xf32, #tpu.memory_space<vmem_shared>> -> memref<80x64xf32, #tpu.memory_space<vmem_shared>>
        %dma_start3A_216 = arith.constant 0 : i32
        %dma_start3A_217 = tpu.memref_slice %arg18[%add3A_24, %dma_start3A_216] : memref<10240x64xf32, #tpu.memory_space<vmem_shared>> -> memref<80x64xf32, #tpu.memory_space<vmem_shared>>
        tpu.enqueue_dma source(%arg17 : memref<80x64xf32, #tpu.memory_space<vmem>>) target(%dma_start3A_217 : memref<80x64xf32, #tpu.memory_space<vmem_shared>>) target_semaphore(%run_scoped3A : memref<!tpu.dma_semaphore, #tpu.memory_space<semaphore_mem>>)
        %dma_wait3A_218 = arith.constant 0 : i32
        %dma_wait3A_219 = tpu.memref_slice %arg18[%add3A_24, %dma_wait3A_218] : memref<10240x64xf32, #tpu.memory_space<vmem_shared>> -> memref<80x64xf32, #tpu.memory_space<vmem_shared>>
        %dma_wait3A_220 = arith.constant 0 : i32
        %dma_wait3A_221 = tpu.memref_slice %arg18[%add3A_24, %dma_wait3A_220] : memref<10240x64xf32, #tpu.memory_space<vmem_shared>> -> memref<80x64xf32, #tpu.memory_space<vmem_shared>>
        tpu.wait_dma2 semaphore(%run_scoped3A : memref<!tpu.dma_semaphore, #tpu.memory_space<semaphore_mem>>) src(%arg17 : memref<80x64xf32, #tpu.memory_space<vmem>>) dst(%dma_wait3A_221 : memref<80x64xf32, #tpu.memory_space<vmem_shared>>)
        tpu.yield
      }) : () -> ()
      %add3A_25 = arith.constant 320 : i32
      %add3A_26 = arith.addi %mul3A_2, %add3A_25 : i32
      "tpu.region"() ({
        %run_scoped3A = tpu.sem_alloc : memref<!tpu.dma_semaphore, #tpu.memory_space<semaphore_mem>>
        %dma_start3A_214 = arith.constant 0 : i32
        %dma_start3A_215 = tpu.memref_slice %arg18[%add3A_26, %dma_start3A_214] : memref<10240x64xf32, #tpu.memory_space<vmem_shared>> -> memref<80x64xf32, #tpu.memory_space<vmem_shared>>
        %dma_start3A_216 = arith.constant 0 : i32
        %dma_start3A_217 = tpu.memref_slice %arg18[%add3A_26, %dma_start3A_216] : memref<10240x64xf32, #tpu.memory_space<vmem_shared>> -> memref<80x64xf32, #tpu.memory_space<vmem_shared>>
        tpu.enqueue_dma source(%arg17 : memref<80x64xf32, #tpu.memory_space<vmem>>) target(%dma_start3A_217 : memref<80x64xf32, #tpu.memory_space<vmem_shared>>) target_semaphore(%run_scoped3A : memref<!tpu.dma_semaphore, #tpu.memory_space<semaphore_mem>>)
        %dma_wait3A_218 = arith.constant 0 : i32
        %dma_wait3A_219 = tpu.memref_slice %arg18[%add3A_26, %dma_wait3A_218] : memref<10240x64xf32, #tpu.memory_space<vmem_shared>> -> memref<80x64xf32, #tpu.memory_space<vmem_shared>>
        %dma_wait3A_220 = arith.constant 0 : i32
        %dma_wait3A_221 = tpu.memref_slice %arg18[%add3A_26, %dma_wait3A_220] : memref<10240x64xf32, #tpu.memory_space<vmem_shared>> -> memref<80x64xf32, #tpu.memory_space<vmem_shared>>
        tpu.wait_dma2 semaphore(%run_scoped3A : memref<!tpu.dma_semaphore, #tpu.memory_space<semaphore_mem>>) src(%arg17 : memref<80x64xf32, #tpu.memory_space<vmem>>) dst(%dma_wait3A_221 : memref<80x64xf32, #tpu.memory_space<vmem_shared>>)
        tpu.yield
      }) : () -> ()
      %add3A_27 = arith.constant 400 : i32
      %add3A_28 = arith.addi %mul3A_2, %add3A_27 : i32
      "tpu.region"() ({
        %run_scoped3A = tpu.sem_alloc : memref<!tpu.dma_semaphore, #tpu.memory_space<semaphore_mem>>
        %dma_start3A_214 = arith.constant 0 : i32
        %dma_start3A_215 = tpu.memref_slice %arg18[%add3A_28, %dma_start3A_214] : memref<10240x64xf32, #tpu.memory_space<vmem_shared>> -> memref<80x64xf32, #tpu.memory_space<vmem_shared>>
        %dma_start3A_216 = arith.constant 0 : i32
        %dma_start3A_217 = tpu.memref_slice %arg18[%add3A_28, %dma_start3A_216] : memref<10240x64xf32, #tpu.memory_space<vmem_shared>> -> memref<80x64xf32, #tpu.memory_space<vmem_shared>>
        tpu.enqueue_dma source(%arg17 : memref<80x64xf32, #tpu.memory_space<vmem>>) target(%dma_start3A_217 : memref<80x64xf32, #tpu.memory_space<vmem_shared>>) target_semaphore(%run_scoped3A : memref<!tpu.dma_semaphore, #tpu.memory_space<semaphore_mem>>)
        %dma_wait3A_218 = arith.constant 0 : i32
        %dma_wait3A_219 = tpu.memref_slice %arg18[%add3A_28, %dma_wait3A_218] : memref<10240x64xf32, #tpu.memory_space<vmem_shared>> -> memref<80x64xf32, #tpu.memory_space<vmem_shared>>
        %dma_wait3A_220 = arith.constant 0 : i32
        %dma_wait3A_221 = tpu.memref_slice %arg18[%add3A_28, %dma_wait3A_220] : memref<10240x64xf32, #tpu.memory_space<vmem_shared>> -> memref<80x64xf32, #tpu.memory_space<vmem_shared>>
        tpu.wait_dma2 semaphore(%run_scoped3A : memref<!tpu.dma_semaphore, #tpu.memory_space<semaphore_mem>>) src(%arg17 : memref<80x64xf32, #tpu.memory_space<vmem>>) dst(%dma_wait3A_221 : memref<80x64xf32, #tpu.memory_space<vmem_shared>>)
        tpu.yield
      }) : () -> ()
      %add3A_29 = arith.constant 480 : i32
      %add3A_30 = arith.addi %mul3A_2, %add3A_29 : i32
      "tpu.region"() ({
        %run_scoped3A = tpu.sem_alloc : memref<!tpu.dma_semaphore, #tpu.memory_space<semaphore_mem>>
        %dma_start3A_214 = arith.constant 0 : i32
        %dma_start3A_215 = tpu.memref_slice %arg18[%add3A_30, %dma_start3A_214] : memref<10240x64xf32, #tpu.memory_space<vmem_shared>> -> memref<80x64xf32, #tpu.memory_space<vmem_shared>>
        %dma_start3A_216 = arith.constant 0 : i32
        %dma_start3A_217 = tpu.memref_slice %arg18[%add3A_30, %dma_start3A_216] : memref<10240x64xf32, #tpu.memory_space<vmem_shared>> -> memref<80x64xf32, #tpu.memory_space<vmem_shared>>
        tpu.enqueue_dma source(%arg17 : memref<80x64xf32, #tpu.memory_space<vmem>>) target(%dma_start3A_217 : memref<80x64xf32, #tpu.memory_space<vmem_shared>>) target_semaphore(%run_scoped3A : memref<!tpu.dma_semaphore, #tpu.memory_space<semaphore_mem>>)
        %dma_wait3A_218 = arith.constant 0 : i32
        %dma_wait3A_219 = tpu.memref_slice %arg18[%add3A_30, %dma_wait3A_218] : memref<10240x64xf32, #tpu.memory_space<vmem_shared>> -> memref<80x64xf32, #tpu.memory_space<vmem_shared>>
        %dma_wait3A_220 = arith.constant 0 : i32
        %dma_wait3A_221 = tpu.memref_slice %arg18[%add3A_30, %dma_wait3A_220] : memref<10240x64xf32, #tpu.memory_space<vmem_shared>> -> memref<80x64xf32, #tpu.memory_space<vmem_shared>>
        tpu.wait_dma2 semaphore(%run_scoped3A : memref<!tpu.dma_semaphore, #tpu.memory_space<semaphore_mem>>) src(%arg17 : memref<80x64xf32, #tpu.memory_space<vmem>>) dst(%dma_wait3A_221 : memref<80x64xf32, #tpu.memory_space<vmem_shared>>)
        tpu.yield
      }) : () -> ()
      %add3A_31 = arith.constant 560 : i32
      %add3A_32 = arith.addi %mul3A_2, %add3A_31 : i32
      "tpu.region"() ({
        %run_scoped3A = tpu.sem_alloc : memref<!tpu.dma_semaphore, #tpu.memory_space<semaphore_mem>>
        %dma_start3A_214 = arith.constant 0 : i32
        %dma_start3A_215 = tpu.memref_slice %arg18[%add3A_32, %dma_start3A_214] : memref<10240x64xf32, #tpu.memory_space<vmem_shared>> -> memref<80x64xf32, #tpu.memory_space<vmem_shared>>
        %dma_start3A_216 = arith.constant 0 : i32
        %dma_start3A_217 = tpu.memref_slice %arg18[%add3A_32, %dma_start3A_216] : memref<10240x64xf32, #tpu.memory_space<vmem_shared>> -> memref<80x64xf32, #tpu.memory_space<vmem_shared>>
        tpu.enqueue_dma source(%arg17 : memref<80x64xf32, #tpu.memory_space<vmem>>) target(%dma_start3A_217 : memref<80x64xf32, #tpu.memory_space<vmem_shared>>) target_semaphore(%run_scoped3A : memref<!tpu.dma_semaphore, #tpu.memory_space<semaphore_mem>>)
        %dma_wait3A_218 = arith.constant 0 : i32
        %dma_wait3A_219 = tpu.memref_slice %arg18[%add3A_32, %dma_wait3A_218] : memref<10240x64xf32, #tpu.memory_space<vmem_shared>> -> memref<80x64xf32, #tpu.memory_space<vmem_shared>>
        %dma_wait3A_220 = arith.constant 0 : i32
        %dma_wait3A_221 = tpu.memref_slice %arg18[%add3A_32, %dma_wait3A_220] : memref<10240x64xf32, #tpu.memory_space<vmem_shared>> -> memref<80x64xf32, #tpu.memory_space<vmem_shared>>
        tpu.wait_dma2 semaphore(%run_scoped3A : memref<!tpu.dma_semaphore, #tpu.memory_space<semaphore_mem>>) src(%arg17 : memref<80x64xf32, #tpu.memory_space<vmem>>) dst(%dma_wait3A_221 : memref<80x64xf32, #tpu.memory_space<vmem_shared>>)
        tpu.yield
      }) : () -> ()
      %barrier3A = arith.constant 0 : index
      tpu.barrier barrier_id(%barrier3A)
      %dma_start3A = arith.constant 0 : i32
      %dma_start3A_33 = tpu.memref_slice %arg10[%dma_start3A] : memref<20000xi32, #tpu.memory_space<vmem>> -> memref<128xi32, #tpu.memory_space<vmem>>
      %dma_start3A_34 = arith.constant 0 : i32
      %dma_start3A_35 = arith.constant 0 : i32
      %dma_start3A_36 = tpu.memref_slice %arg5[%dma_start3A_34, %dma_start3A_35] : memref<10000x64xf32, #tpu.memory_space<hbm>> -> memref<10000x64xf32, #tpu.memory_space<hbm>>
      tpu.enqueue_indirect_dma source(%dma_start3A_36 : memref<10000x64xf32, #tpu.memory_space<hbm>>) target(%arg12 : memref<128x64xf32, #tpu.memory_space<vmem>>) offsets(%dma_start3A_33 : memref<128xi32, #tpu.memory_space<vmem>>) semaphore(%arg19 : memref<!tpu.dma_semaphore, #tpu.memory_space<semaphore_mem>>)
      %dma_start3A_37 = arith.constant 128 : i32
      %dma_start3A_38 = tpu.memref_slice %arg10[%dma_start3A_37] : memref<20000xi32, #tpu.memory_space<vmem>> -> memref<128xi32, #tpu.memory_space<vmem>>
      %dma_start3A_39 = arith.constant 0 : i32
      %dma_start3A_40 = arith.constant 0 : i32
      %dma_start3A_41 = tpu.memref_slice %arg5[%dma_start3A_39, %dma_start3A_40] : memref<10000x64xf32, #tpu.memory_space<hbm>> -> memref<10000x64xf32, #tpu.memory_space<hbm>>
      tpu.enqueue_indirect_dma source(%dma_start3A_41 : memref<10000x64xf32, #tpu.memory_space<hbm>>) target(%arg13 : memref<128x64xf32, #tpu.memory_space<vmem>>) offsets(%dma_start3A_38 : memref<128xi32, #tpu.memory_space<vmem>>) semaphore(%arg20 : memref<!tpu.dma_semaphore, #tpu.memory_space<semaphore_mem>>)
      %dma_start3A_42 = arith.constant 256 : i32
      %dma_start3A_43 = tpu.memref_slice %arg10[%dma_start3A_42] : memref<20000xi32, #tpu.memory_space<vmem>> -> memref<128xi32, #tpu.memory_space<vmem>>
      %dma_start3A_44 = arith.constant 0 : i32
      %dma_start3A_45 = arith.constant 0 : i32
      %dma_start3A_46 = tpu.memref_slice %arg5[%dma_start3A_44, %dma_start3A_45] : memref<10000x64xf32, #tpu.memory_space<hbm>> -> memref<10000x64xf32, #tpu.memory_space<hbm>>
      tpu.enqueue_indirect_dma source(%dma_start3A_46 : memref<10000x64xf32, #tpu.memory_space<hbm>>) target(%arg14 : memref<128x64xf32, #tpu.memory_space<vmem>>) offsets(%dma_start3A_43 : memref<128xi32, #tpu.memory_space<vmem>>) semaphore(%arg21 : memref<!tpu.dma_semaphore, #tpu.memory_space<semaphore_mem>>)
      %dma_wait3A = arith.constant 0 : i32
      %dma_wait3A_47 = tpu.memref_slice %arg10[%dma_wait3A] : memref<20000xi32, #tpu.memory_space<vmem>> -> memref<128xi32, #tpu.memory_space<vmem>>
      %dma_wait3A_48 = arith.constant 0 : i32
      %dma_wait3A_49 = arith.constant 0 : i32
      %dma_wait3A_50 = tpu.memref_slice %arg5[%dma_wait3A_48, %dma_wait3A_49] : memref<10000x64xf32, #tpu.memory_space<hbm>> -> memref<10000x64xf32, #tpu.memory_space<hbm>>
      tpu.wait_indirect_dma semaphore(%arg19 : memref<!tpu.dma_semaphore, #tpu.memory_space<semaphore_mem>>) src(%dma_wait3A_50 : memref<10000x64xf32, #tpu.memory_space<hbm>>) dst(%arg12 : memref<128x64xf32, #tpu.memory_space<vmem>>)
      %dma_start3A_51 = arith.constant 0 : i32
      %dma_start3A_52 = tpu.memref_slice %arg11[%dma_start3A_51] : memref<20000xi32, #tpu.memory_space<vmem>> -> memref<128xi32, #tpu.memory_space<vmem>>
      %dma_start3A_53 = arith.constant 0 : i32
      %dma_start3A_54 = arith.constant 0 : i32
      %dma_start3A_55 = tpu.memref_slice %arg18[%dma_start3A_53, %dma_start3A_54] : memref<10240x64xf32, #tpu.memory_space<vmem_shared>> -> memref<10240x64xf32, #tpu.memory_space<vmem_shared>>
      tpu.enqueue_indirect_dma source(%arg12 : memref<128x64xf32, #tpu.memory_space<vmem>>) target(%dma_start3A_55 : memref<10240x64xf32, #tpu.memory_space<vmem_shared>>) offsets(%dma_start3A_52 : memref<128xi32, #tpu.memory_space<vmem>>) semaphore(%arg23 : memref<!tpu.dma_semaphore, #tpu.memory_space<semaphore_mem>>) {add = true}
      %dma_start3A_56 = arith.constant 384 : i32
      %dma_start3A_57 = tpu.memref_slice %arg10[%dma_start3A_56] : memref<20000xi32, #tpu.memory_space<vmem>> -> memref<128xi32, #tpu.memory_space<vmem>>
      %dma_start3A_58 = arith.constant 0 : i32
      %dma_start3A_59 = arith.constant 0 : i32
      %dma_start3A_60 = tpu.memref_slice %arg5[%dma_start3A_58, %dma_start3A_59] : memref<10000x64xf32, #tpu.memory_space<hbm>> -> memref<10000x64xf32, #tpu.memory_space<hbm>>
      tpu.enqueue_indirect_dma source(%dma_start3A_60 : memref<10000x64xf32, #tpu.memory_space<hbm>>) target(%arg15 : memref<128x64xf32, #tpu.memory_space<vmem>>) offsets(%dma_start3A_57 : memref<128xi32, #tpu.memory_space<vmem>>) semaphore(%arg22 : memref<!tpu.dma_semaphore, #tpu.memory_space<semaphore_mem>>)
      %dma_wait3A_61 = arith.constant 128 : i32
      %dma_wait3A_62 = tpu.memref_slice %arg10[%dma_wait3A_61] : memref<20000xi32, #tpu.memory_space<vmem>> -> memref<128xi32, #tpu.memory_space<vmem>>
      %dma_wait3A_63 = arith.constant 0 : i32
      %dma_wait3A_64 = arith.constant 0 : i32
      %dma_wait3A_65 = tpu.memref_slice %arg5[%dma_wait3A_63, %dma_wait3A_64] : memref<10000x64xf32, #tpu.memory_space<hbm>> -> memref<10000x64xf32, #tpu.memory_space<hbm>>
      tpu.wait_indirect_dma semaphore(%arg20 : memref<!tpu.dma_semaphore, #tpu.memory_space<semaphore_mem>>) src(%dma_wait3A_65 : memref<10000x64xf32, #tpu.memory_space<hbm>>) dst(%arg13 : memref<128x64xf32, #tpu.memory_space<vmem>>)
      %dma_start3A_66 = arith.constant 128 : i32
      %dma_start3A_67 = tpu.memref_slice %arg11[%dma_start3A_66] : memref<20000xi32, #tpu.memory_space<vmem>> -> memref<128xi32, #tpu.memory_space<vmem>>
      %dma_start3A_68 = arith.constant 0 : i32
      %dma_start3A_69 = arith.constant 0 : i32
      %dma_start3A_70 = tpu.memref_slice %arg18[%dma_start3A_68, %dma_start3A_69] : memref<10240x64xf32, #tpu.memory_space<vmem_shared>> -> memref<10240x64xf32, #tpu.memory_space<vmem_shared>>
      tpu.enqueue_indirect_dma source(%arg13 : memref<128x64xf32, #tpu.memory_space<vmem>>) target(%dma_start3A_70 : memref<10240x64xf32, #tpu.memory_space<vmem_shared>>) offsets(%dma_start3A_67 : memref<128xi32, #tpu.memory_space<vmem>>) semaphore(%arg24 : memref<!tpu.dma_semaphore, #tpu.memory_space<semaphore_mem>>) {add = true}
      %dma_wait3A_71 = arith.constant 0 : i32
      %dma_wait3A_72 = tpu.memref_slice %arg11[%dma_wait3A_71] : memref<20000xi32, #tpu.memory_space<vmem>> -> memref<128xi32, #tpu.memory_space<vmem>>
      %dma_wait3A_73 = arith.constant 0 : i32
      %dma_wait3A_74 = arith.constant 0 : i32
      %dma_wait3A_75 = tpu.memref_slice %arg18[%dma_wait3A_73, %dma_wait3A_74] : memref<10240x64xf32, #tpu.memory_space<vmem_shared>> -> memref<10240x64xf32, #tpu.memory_space<vmem_shared>>
      tpu.wait_indirect_dma semaphore(%arg23 : memref<!tpu.dma_semaphore, #tpu.memory_space<semaphore_mem>>) src(%arg12 : memref<128x64xf32, #tpu.memory_space<vmem>>) dst(%dma_wait3A_75 : memref<10240x64xf32, #tpu.memory_space<vmem_shared>>)
      %dma_start3A_76 = arith.constant 512 : i32
      %dma_start3A_77 = tpu.memref_slice %arg10[%dma_start3A_76] : memref<20000xi32, #tpu.memory_space<vmem>> -> memref<128xi32, #tpu.memory_space<vmem>>
      %dma_start3A_78 = arith.constant 0 : i32
      %dma_start3A_79 = arith.constant 0 : i32
      %dma_start3A_80 = tpu.memref_slice %arg5[%dma_start3A_78, %dma_start3A_79] : memref<10000x64xf32, #tpu.memory_space<hbm>> -> memref<10000x64xf32, #tpu.memory_space<hbm>>
      tpu.enqueue_indirect_dma source(%dma_start3A_80 : memref<10000x64xf32, #tpu.memory_space<hbm>>) target(%arg12 : memref<128x64xf32, #tpu.memory_space<vmem>>) offsets(%dma_start3A_77 : memref<128xi32, #tpu.memory_space<vmem>>) semaphore(%arg19 : memref<!tpu.dma_semaphore, #tpu.memory_space<semaphore_mem>>)
      %dma_wait3A_81 = arith.constant 256 : i32
      %dma_wait3A_82 = tpu.memref_slice %arg10[%dma_wait3A_81] : memref<20000xi32, #tpu.memory_space<vmem>> -> memref<128xi32, #tpu.memory_space<vmem>>
      %dma_wait3A_83 = arith.constant 0 : i32
      %dma_wait3A_84 = arith.constant 0 : i32
      %dma_wait3A_85 = tpu.memref_slice %arg5[%dma_wait3A_83, %dma_wait3A_84] : memref<10000x64xf32, #tpu.memory_space<hbm>> -> memref<10000x64xf32, #tpu.memory_space<hbm>>
      tpu.wait_indirect_dma semaphore(%arg21 : memref<!tpu.dma_semaphore, #tpu.memory_space<semaphore_mem>>) src(%dma_wait3A_85 : memref<10000x64xf32, #tpu.memory_space<hbm>>) dst(%arg14 : memref<128x64xf32, #tpu.memory_space<vmem>>)
      %dma_start3A_86 = arith.constant 256 : i32
      %dma_start3A_87 = tpu.memref_slice %arg11[%dma_start3A_86] : memref<20000xi32, #tpu.memory_space<vmem>> -> memref<128xi32, #tpu.memory_space<vmem>>
      %dma_start3A_88 = arith.constant 0 : i32
      %dma_start3A_89 = arith.constant 0 : i32
      %dma_start3A_90 = tpu.memref_slice %arg18[%dma_start3A_88, %dma_start3A_89] : memref<10240x64xf32, #tpu.memory_space<vmem_shared>> -> memref<10240x64xf32, #tpu.memory_space<vmem_shared>>
      tpu.enqueue_indirect_dma source(%arg14 : memref<128x64xf32, #tpu.memory_space<vmem>>) target(%dma_start3A_90 : memref<10240x64xf32, #tpu.memory_space<vmem_shared>>) offsets(%dma_start3A_87 : memref<128xi32, #tpu.memory_space<vmem>>) semaphore(%arg25 : memref<!tpu.dma_semaphore, #tpu.memory_space<semaphore_mem>>) {add = true}
      %dma_wait3A_91 = arith.constant 128 : i32
      %dma_wait3A_92 = tpu.memref_slice %arg11[%dma_wait3A_91] : memref<20000xi32, #tpu.memory_space<vmem>> -> memref<128xi32, #tpu.memory_space<vmem>>
      %dma_wait3A_93 = arith.constant 0 : i32
      %dma_wait3A_94 = arith.constant 0 : i32
      %dma_wait3A_95 = tpu.memref_slice %arg18[%dma_wait3A_93, %dma_wait3A_94] : memref<10240x64xf32, #tpu.memory_space<vmem_shared>> -> memref<10240x64xf32, #tpu.memory_space<vmem_shared>>
      tpu.wait_indirect_dma semaphore(%arg24 : memref<!tpu.dma_semaphore, #tpu.memory_space<semaphore_mem>>) src(%arg13 : memref<128x64xf32, #tpu.memory_space<vmem>>) dst(%dma_wait3A_95 : memref<10240x64xf32, #tpu.memory_space<vmem_shared>>)
      %dma_start3A_96 = arith.constant 640 : i32
      %dma_start3A_97 = tpu.memref_slice %arg10[%dma_start3A_96] : memref<20000xi32, #tpu.memory_space<vmem>> -> memref<128xi32, #tpu.memory_space<vmem>>
      %dma_start3A_98 = arith.constant 0 : i32
      %dma_start3A_99 = arith.constant 0 : i32
      %dma_start3A_100 = tpu.memref_slice %arg5[%dma_start3A_98, %dma_start3A_99] : memref<10000x64xf32, #tpu.memory_space<hbm>> -> memref<10000x64xf32, #tpu.memory_space<hbm>>
      tpu.enqueue_indirect_dma source(%dma_start3A_100 : memref<10000x64xf32, #tpu.memory_space<hbm>>) target(%arg13 : memref<128x64xf32, #tpu.memory_space<vmem>>) offsets(%dma_start3A_97 : memref<128xi32, #tpu.memory_space<vmem>>) semaphore(%arg20 : memref<!tpu.dma_semaphore, #tpu.memory_space<semaphore_mem>>)
      %dma_wait3A_101 = arith.constant 384 : i32
      %dma_wait3A_102 = tpu.memref_slice %arg10[%dma_wait3A_101] : memref<20000xi32, #tpu.memory_space<vmem>> -> memref<128xi32, #tpu.memory_space<vmem>>
      %dma_wait3A_103 = arith.constant 0 : i32
      %dma_wait3A_104 = arith.constant 0 : i32
      %dma_wait3A_105 = tpu.memref_slice %arg5[%dma_wait3A_103, %dma_wait3A_104] : memref<10000x64xf32, #tpu.memory_space<hbm>> -> memref<10000x64xf32, #tpu.memory_space<hbm>>
      tpu.wait_indirect_dma semaphore(%arg22 : memref<!tpu.dma_semaphore, #tpu.memory_space<semaphore_mem>>) src(%dma_wait3A_105 : memref<10000x64xf32, #tpu.memory_space<hbm>>) dst(%arg15 : memref<128x64xf32, #tpu.memory_space<vmem>>)
      %dma_start3A_106 = arith.constant 384 : i32
      %dma_start3A_107 = tpu.memref_slice %arg11[%dma_start3A_106] : memref<20000xi32, #tpu.memory_space<vmem>> -> memref<128xi32, #tpu.memory_space<vmem>>
      %dma_start3A_108 = arith.constant 0 : i32
      %dma_start3A_109 = arith.constant 0 : i32
      %dma_start3A_110 = tpu.memref_slice %arg18[%dma_start3A_108, %dma_start3A_109] : memref<10240x64xf32, #tpu.memory_space<vmem_shared>> -> memref<10240x64xf32, #tpu.memory_space<vmem_shared>>
      tpu.enqueue_indirect_dma source(%arg15 : memref<128x64xf32, #tpu.memory_space<vmem>>) target(%dma_start3A_110 : memref<10240x64xf32, #tpu.memory_space<vmem_shared>>) offsets(%dma_start3A_107 : memref<128xi32, #tpu.memory_space<vmem>>) semaphore(%arg26 : memref<!tpu.dma_semaphore, #tpu.memory_space<semaphore_mem>>) {add = true}
      %dma_wait3A_111 = arith.constant 256 : i32
      %dma_wait3A_112 = tpu.memref_slice %arg11[%dma_wait3A_111] : memref<20000xi32, #tpu.memory_space<vmem>> -> memref<128xi32, #tpu.memory_space<vmem>>
      %dma_wait3A_113 = arith.constant 0 : i32
      %dma_wait3A_114 = arith.constant 0 : i32
      %dma_wait3A_115 = tpu.memref_slice %arg18[%dma_wait3A_113, %dma_wait3A_114] : memref<10240x64xf32, #tpu.memory_space<vmem_shared>> -> memref<10240x64xf32, #tpu.memory_space<vmem_shared>>
      tpu.wait_indirect_dma semaphore(%arg25 : memref<!tpu.dma_semaphore, #tpu.memory_space<semaphore_mem>>) src(%arg14 : memref<128x64xf32, #tpu.memory_space<vmem>>) dst(%dma_wait3A_115 : memref<10240x64xf32, #tpu.memory_space<vmem_shared>>)
      %dma_start3A_116 = arith.constant 768 : i32
      %dma_start3A_117 = tpu.memref_slice %arg10[%dma_start3A_116] : memref<20000xi32, #tpu.memory_space<vmem>> -> memref<128xi32, #tpu.memory_space<vmem>>
      %dma_start3A_118 = arith.constant 0 : i32
      %dma_start3A_119 = arith.constant 0 : i32
      %dma_start3A_120 = tpu.memref_slice %arg5[%dma_start3A_118, %dma_start3A_119] : memref<10000x64xf32, #tpu.memory_space<hbm>> -> memref<10000x64xf32, #tpu.memory_space<hbm>>
      tpu.enqueue_indirect_dma source(%dma_start3A_120 : memref<10000x64xf32, #tpu.memory_space<hbm>>) target(%arg14 : memref<128x64xf32, #tpu.memory_space<vmem>>) offsets(%dma_start3A_117 : memref<128xi32, #tpu.memory_space<vmem>>) semaphore(%arg21 : memref<!tpu.dma_semaphore, #tpu.memory_space<semaphore_mem>>)
      %scan3A_121 = arith.constant 0 : i32
      %scan3A_122 = arith.constant 37 : i32
      %scan3A_123 = arith.addi %scan3A_121, %scan3A_122 : i32
      %scan3A_124 = arith.constant 1 : i32
      scf.for %scan3A_214 = %scan3A_121 to %scan3A_123 step %scan3A_124  : i32 {
        %mul3A_215 = arith.constant 1 : i32
        %mul3A_216 = arith.muli %scan3A_214, %mul3A_215 : i32
        %add3A_217 = arith.constant 1 : i32
        %add3A_218 = arith.addi %add3A_217, %mul3A_216 : i32
        %mul3A_219 = arith.constant 4 : i32
        %mul3A_220 = arith.muli %mul3A_219, %add3A_218 : i32
        %add3A_221 = arith.constant 0 : i32
        %add3A_222 = arith.addi %mul3A_220, %add3A_221 : i32
        %mul3A_223 = arith.constant 128 : i32
        %mul3A_224 = arith.muli %add3A_222, %mul3A_223 : i32
        %dma_wait3A_225 = tpu.memref_slice %arg10[%mul3A_224] : memref<20000xi32, #tpu.memory_space<vmem>> -> memref<128xi32, #tpu.memory_space<vmem>>
        %dma_wait3A_226 = arith.constant 0 : i32
        %dma_wait3A_227 = arith.constant 0 : i32
        %dma_wait3A_228 = tpu.memref_slice %arg5[%dma_wait3A_226, %dma_wait3A_227] : memref<10000x64xf32, #tpu.memory_space<hbm>> -> memref<10000x64xf32, #tpu.memory_space<hbm>>
        tpu.wait_indirect_dma semaphore(%arg19 : memref<!tpu.dma_semaphore, #tpu.memory_space<semaphore_mem>>) src(%dma_wait3A_228 : memref<10000x64xf32, #tpu.memory_space<hbm>>) dst(%arg12 : memref<128x64xf32, #tpu.memory_space<vmem>>)
        %mul3A_229 = arith.constant 128 : i32
        %mul3A_230 = arith.muli %add3A_222, %mul3A_229 : i32
        %dma_start3A_231 = tpu.memref_slice %arg11[%mul3A_230] : memref<20000xi32, #tpu.memory_space<vmem>> -> memref<128xi32, #tpu.memory_space<vmem>>
        %dma_start3A_232 = arith.constant 0 : i32
        %dma_start3A_233 = arith.constant 0 : i32
        %dma_start3A_234 = tpu.memref_slice %arg18[%dma_start3A_232, %dma_start3A_233] : memref<10240x64xf32, #tpu.memory_space<vmem_shared>> -> memref<10240x64xf32, #tpu.memory_space<vmem_shared>>
        tpu.enqueue_indirect_dma source(%arg12 : memref<128x64xf32, #tpu.memory_space<vmem>>) target(%dma_start3A_234 : memref<10240x64xf32, #tpu.memory_space<vmem_shared>>) offsets(%dma_start3A_231 : memref<128xi32, #tpu.memory_space<vmem>>) semaphore(%arg23 : memref<!tpu.dma_semaphore, #tpu.memory_space<semaphore_mem>>) {add = true}
        %sub3A = arith.constant 1 : i32
        %sub3A_235 = arith.subi %add3A_222, %sub3A : i32
        %mul3A_236 = arith.constant 128 : i32
        %mul3A_237 = arith.muli %sub3A_235, %mul3A_236 : i32
        %dma_wait3A_238 = tpu.memref_slice %arg11[%mul3A_237] : memref<20000xi32, #tpu.memory_space<vmem>> -> memref<128xi32, #tpu.memory_space<vmem>>
        %dma_wait3A_239 = arith.constant 0 : i32
        %dma_wait3A_240 = arith.constant 0 : i32
        %dma_wait3A_241 = tpu.memref_slice %arg18[%dma_wait3A_239, %dma_wait3A_240] : memref<10240x64xf32, #tpu.memory_space<vmem_shared>> -> memref<10240x64xf32, #tpu.memory_space<vmem_shared>>
        tpu.wait_indirect_dma semaphore(%arg26 : memref<!tpu.dma_semaphore, #tpu.memory_space<semaphore_mem>>) src(%arg15 : memref<128x64xf32, #tpu.memory_space<vmem>>) dst(%dma_wait3A_241 : memref<10240x64xf32, #tpu.memory_space<vmem_shared>>)
        %add3A_242 = arith.constant 3 : i32
        %add3A_243 = arith.addi %add3A_222, %add3A_242 : i32
        %mul3A_244 = arith.constant 128 : i32
        %mul3A_245 = arith.muli %add3A_243, %mul3A_244 : i32
        %dma_start3A_246 = tpu.memref_slice %arg10[%mul3A_245] : memref<20000xi32, #tpu.memory_space<vmem>> -> memref<128xi32, #tpu.memory_space<vmem>>
        %dma_start3A_247 = arith.constant 0 : i32
        %dma_start3A_248 = arith.constant 0 : i32
        %dma_start3A_249 = tpu.memref_slice %arg5[%dma_start3A_247, %dma_start3A_248] : memref<10000x64xf32, #tpu.memory_space<hbm>> -> memref<10000x64xf32, #tpu.memory_space<hbm>>
        tpu.enqueue_indirect_dma source(%dma_start3A_249 : memref<10000x64xf32, #tpu.memory_space<hbm>>) target(%arg15 : memref<128x64xf32, #tpu.memory_space<vmem>>) offsets(%dma_start3A_246 : memref<128xi32, #tpu.memory_space<vmem>>) semaphore(%arg22 : memref<!tpu.dma_semaphore, #tpu.memory_space<semaphore_mem>>)
        %mul3A_250 = arith.constant 4 : i32
        %mul3A_251 = arith.muli %mul3A_250, %add3A_218 : i32
        %add3A_252 = arith.constant 1 : i32
        %add3A_253 = arith.addi %mul3A_251, %add3A_252 : i32
        %mul3A_254 = arith.constant 128 : i32
        %mul3A_255 = arith.muli %add3A_253, %mul3A_254 : i32
        %dma_wait3A_256 = tpu.memref_slice %arg10[%mul3A_255] : memref<20000xi32, #tpu.memory_space<vmem>> -> memref<128xi32, #tpu.memory_space<vmem>>
        %dma_wait3A_257 = arith.constant 0 : i32
        %dma_wait3A_258 = arith.constant 0 : i32
        %dma_wait3A_259 = tpu.memref_slice %arg5[%dma_wait3A_257, %dma_wait3A_258] : memref<10000x64xf32, #tpu.memory_space<hbm>> -> memref<10000x64xf32, #tpu.memory_space<hbm>>
        tpu.wait_indirect_dma semaphore(%arg20 : memref<!tpu.dma_semaphore, #tpu.memory_space<semaphore_mem>>) src(%dma_wait3A_259 : memref<10000x64xf32, #tpu.memory_space<hbm>>) dst(%arg13 : memref<128x64xf32, #tpu.memory_space<vmem>>)
        %mul3A_260 = arith.constant 128 : i32
        %mul3A_261 = arith.muli %add3A_253, %mul3A_260 : i32
        %dma_start3A_262 = tpu.memref_slice %arg11[%mul3A_261] : memref<20000xi32, #tpu.memory_space<vmem>> -> memref<128xi32, #tpu.memory_space<vmem>>
        %dma_start3A_263 = arith.constant 0 : i32
        %dma_start3A_264 = arith.constant 0 : i32
        %dma_start3A_265 = tpu.memref_slice %arg18[%dma_start3A_263, %dma_start3A_264] : memref<10240x64xf32, #tpu.memory_space<vmem_shared>> -> memref<10240x64xf32, #tpu.memory_space<vmem_shared>>
        tpu.enqueue_indirect_dma source(%arg13 : memref<128x64xf32, #tpu.memory_space<vmem>>) target(%dma_start3A_265 : memref<10240x64xf32, #tpu.memory_space<vmem_shared>>) offsets(%dma_start3A_262 : memref<128xi32, #tpu.memory_space<vmem>>) semaphore(%arg24 : memref<!tpu.dma_semaphore, #tpu.memory_space<semaphore_mem>>) {add = true}
        %sub3A_266 = arith.constant 1 : i32
        %sub3A_267 = arith.subi %add3A_253, %sub3A_266 : i32
        %mul3A_268 = arith.constant 128 : i32
        %mul3A_269 = arith.muli %sub3A_267, %mul3A_268 : i32
        %dma_wait3A_270 = tpu.memref_slice %arg11[%mul3A_269] : memref<20000xi32, #tpu.memory_space<vmem>> -> memref<128xi32, #tpu.memory_space<vmem>>
        %dma_wait3A_271 = arith.constant 0 : i32
        %dma_wait3A_272 = arith.constant 0 : i32
        %dma_wait3A_273 = tpu.memref_slice %arg18[%dma_wait3A_271, %dma_wait3A_272] : memref<10240x64xf32, #tpu.memory_space<vmem_shared>> -> memref<10240x64xf32, #tpu.memory_space<vmem_shared>>
        tpu.wait_indirect_dma semaphore(%arg23 : memref<!tpu.dma_semaphore, #tpu.memory_space<semaphore_mem>>) src(%arg12 : memref<128x64xf32, #tpu.memory_space<vmem>>) dst(%dma_wait3A_273 : memref<10240x64xf32, #tpu.memory_space<vmem_shared>>)
        %add3A_274 = arith.constant 3 : i32
        %add3A_275 = arith.addi %add3A_253, %add3A_274 : i32
        %mul3A_276 = arith.constant 128 : i32
        %mul3A_277 = arith.muli %add3A_275, %mul3A_276 : i32
        %dma_start3A_278 = tpu.memref_slice %arg10[%mul3A_277] : memref<20000xi32, #tpu.memory_space<vmem>> -> memref<128xi32, #tpu.memory_space<vmem>>
        %dma_start3A_279 = arith.constant 0 : i32
        %dma_start3A_280 = arith.constant 0 : i32
        %dma_start3A_281 = tpu.memref_slice %arg5[%dma_start3A_279, %dma_start3A_280] : memref<10000x64xf32, #tpu.memory_space<hbm>> -> memref<10000x64xf32, #tpu.memory_space<hbm>>
        tpu.enqueue_indirect_dma source(%dma_start3A_281 : memref<10000x64xf32, #tpu.memory_space<hbm>>) target(%arg12 : memref<128x64xf32, #tpu.memory_space<vmem>>) offsets(%dma_start3A_278 : memref<128xi32, #tpu.memory_space<vmem>>) semaphore(%arg19 : memref<!tpu.dma_semaphore, #tpu.memory_space<semaphore_mem>>)
        %mul3A_282 = arith.constant 4 : i32
        %mul3A_283 = arith.muli %mul3A_282, %add3A_218 : i32
        %add3A_284 = arith.constant 2 : i32
        %add3A_285 = arith.addi %mul3A_283, %add3A_284 : i32
        %mul3A_286 = arith.constant 128 : i32
        %mul3A_287 = arith.muli %add3A_285, %mul3A_286 : i32
        %dma_wait3A_288 = tpu.memref_slice %arg10[%mul3A_287] : memref<20000xi32, #tpu.memory_space<vmem>> -> memref<128xi32, #tpu.memory_space<vmem>>
        %dma_wait3A_289 = arith.constant 0 : i32
        %dma_wait3A_290 = arith.constant 0 : i32
        %dma_wait3A_291 = tpu.memref_slice %arg5[%dma_wait3A_289, %dma_wait3A_290] : memref<10000x64xf32, #tpu.memory_space<hbm>> -> memref<10000x64xf32, #tpu.memory_space<hbm>>
        tpu.wait_indirect_dma semaphore(%arg21 : memref<!tpu.dma_semaphore, #tpu.memory_space<semaphore_mem>>) src(%dma_wait3A_291 : memref<10000x64xf32, #tpu.memory_space<hbm>>) dst(%arg14 : memref<128x64xf32, #tpu.memory_space<vmem>>)
        %mul3A_292 = arith.constant 128 : i32
        %mul3A_293 = arith.muli %add3A_285, %mul3A_292 : i32
        %dma_start3A_294 = tpu.memref_slice %arg11[%mul3A_293] : memref<20000xi32, #tpu.memory_space<vmem>> -> memref<128xi32, #tpu.memory_space<vmem>>
        %dma_start3A_295 = arith.constant 0 : i32
        %dma_start3A_296 = arith.constant 0 : i32
        %dma_start3A_297 = tpu.memref_slice %arg18[%dma_start3A_295, %dma_start3A_296] : memref<10240x64xf32, #tpu.memory_space<vmem_shared>> -> memref<10240x64xf32, #tpu.memory_space<vmem_shared>>
        tpu.enqueue_indirect_dma source(%arg14 : memref<128x64xf32, #tpu.memory_space<vmem>>) target(%dma_start3A_297 : memref<10240x64xf32, #tpu.memory_space<vmem_shared>>) offsets(%dma_start3A_294 : memref<128xi32, #tpu.memory_space<vmem>>) semaphore(%arg25 : memref<!tpu.dma_semaphore, #tpu.memory_space<semaphore_mem>>) {add = true}
        %sub3A_298 = arith.constant 1 : i32
        %sub3A_299 = arith.subi %add3A_285, %sub3A_298 : i32
        %mul3A_300 = arith.constant 128 : i32
        %mul3A_301 = arith.muli %sub3A_299, %mul3A_300 : i32
        %dma_wait3A_302 = tpu.memref_slice %arg11[%mul3A_301] : memref<20000xi32, #tpu.memory_space<vmem>> -> memref<128xi32, #tpu.memory_space<vmem>>
        %dma_wait3A_303 = arith.constant 0 : i32
        %dma_wait3A_304 = arith.constant 0 : i32
        %dma_wait3A_305 = tpu.memref_slice %arg18[%dma_wait3A_303, %dma_wait3A_304] : memref<10240x64xf32, #tpu.memory_space<vmem_shared>> -> memref<10240x64xf32, #tpu.memory_space<vmem_shared>>
        tpu.wait_indirect_dma semaphore(%arg24 : memref<!tpu.dma_semaphore, #tpu.memory_space<semaphore_mem>>) src(%arg13 : memref<128x64xf32, #tpu.memory_space<vmem>>) dst(%dma_wait3A_305 : memref<10240x64xf32, #tpu.memory_space<vmem_shared>>)
        %add3A_306 = arith.constant 3 : i32
        %add3A_307 = arith.addi %add3A_285, %add3A_306 : i32
        %mul3A_308 = arith.constant 128 : i32
        %mul3A_309 = arith.muli %add3A_307, %mul3A_308 : i32
        %dma_start3A_310 = tpu.memref_slice %arg10[%mul3A_309] : memref<20000xi32, #tpu.memory_space<vmem>> -> memref<128xi32, #tpu.memory_space<vmem>>
        %dma_start3A_311 = arith.constant 0 : i32
        %dma_start3A_312 = arith.constant 0 : i32
        %dma_start3A_313 = tpu.memref_slice %arg5[%dma_start3A_311, %dma_start3A_312] : memref<10000x64xf32, #tpu.memory_space<hbm>> -> memref<10000x64xf32, #tpu.memory_space<hbm>>
        tpu.enqueue_indirect_dma source(%dma_start3A_313 : memref<10000x64xf32, #tpu.memory_space<hbm>>) target(%arg13 : memref<128x64xf32, #tpu.memory_space<vmem>>) offsets(%dma_start3A_310 : memref<128xi32, #tpu.memory_space<vmem>>) semaphore(%arg20 : memref<!tpu.dma_semaphore, #tpu.memory_space<semaphore_mem>>)
        %mul3A_314 = arith.constant 4 : i32
        %mul3A_315 = arith.muli %mul3A_314, %add3A_218 : i32
        %add3A_316 = arith.constant 3 : i32
        %add3A_317 = arith.addi %mul3A_315, %add3A_316 : i32
        %mul3A_318 = arith.constant 128 : i32
        %mul3A_319 = arith.muli %add3A_317, %mul3A_318 : i32
        %dma_wait3A_320 = tpu.memref_slice %arg10[%mul3A_319] : memref<20000xi32, #tpu.memory_space<vmem>> -> memref<128xi32, #tpu.memory_space<vmem>>
        %dma_wait3A_321 = arith.constant 0 : i32
        %dma_wait3A_322 = arith.constant 0 : i32
        %dma_wait3A_323 = tpu.memref_slice %arg5[%dma_wait3A_321, %dma_wait3A_322] : memref<10000x64xf32, #tpu.memory_space<hbm>> -> memref<10000x64xf32, #tpu.memory_space<hbm>>
        tpu.wait_indirect_dma semaphore(%arg22 : memref<!tpu.dma_semaphore, #tpu.memory_space<semaphore_mem>>) src(%dma_wait3A_323 : memref<10000x64xf32, #tpu.memory_space<hbm>>) dst(%arg15 : memref<128x64xf32, #tpu.memory_space<vmem>>)
        %mul3A_324 = arith.constant 128 : i32
        %mul3A_325 = arith.muli %add3A_317, %mul3A_324 : i32
        %dma_start3A_326 = tpu.memref_slice %arg11[%mul3A_325] : memref<20000xi32, #tpu.memory_space<vmem>> -> memref<128xi32, #tpu.memory_space<vmem>>
        %dma_start3A_327 = arith.constant 0 : i32
        %dma_start3A_328 = arith.constant 0 : i32
        %dma_start3A_329 = tpu.memref_slice %arg18[%dma_start3A_327, %dma_start3A_328] : memref<10240x64xf32, #tpu.memory_space<vmem_shared>> -> memref<10240x64xf32, #tpu.memory_space<vmem_shared>>
        tpu.enqueue_indirect_dma source(%arg15 : memref<128x64xf32, #tpu.memory_space<vmem>>) target(%dma_start3A_329 : memref<10240x64xf32, #tpu.memory_space<vmem_shared>>) offsets(%dma_start3A_326 : memref<128xi32, #tpu.memory_space<vmem>>) semaphore(%arg26 : memref<!tpu.dma_semaphore, #tpu.memory_space<semaphore_mem>>) {add = true}
        %sub3A_330 = arith.constant 1 : i32
        %sub3A_331 = arith.subi %add3A_317, %sub3A_330 : i32
        %mul3A_332 = arith.constant 128 : i32
        %mul3A_333 = arith.muli %sub3A_331, %mul3A_332 : i32
        %dma_wait3A_334 = tpu.memref_slice %arg11[%mul3A_333] : memref<20000xi32, #tpu.memory_space<vmem>> -> memref<128xi32, #tpu.memory_space<vmem>>
        %dma_wait3A_335 = arith.constant 0 : i32
        %dma_wait3A_336 = arith.constant 0 : i32
        %dma_wait3A_337 = tpu.memref_slice %arg18[%dma_wait3A_335, %dma_wait3A_336] : memref<10240x64xf32, #tpu.memory_space<vmem_shared>> -> memref<10240x64xf32, #tpu.memory_space<vmem_shared>>
        tpu.wait_indirect_dma semaphore(%arg25 : memref<!tpu.dma_semaphore, #tpu.memory_space<semaphore_mem>>) src(%arg14 : memref<128x64xf32, #tpu.memory_space<vmem>>) dst(%dma_wait3A_337 : memref<10240x64xf32, #tpu.memory_space<vmem_shared>>)
        %add3A_338 = arith.constant 3 : i32
        %add3A_339 = arith.addi %add3A_317, %add3A_338 : i32
        %mul3A_340 = arith.constant 128 : i32
        %mul3A_341 = arith.muli %add3A_339, %mul3A_340 : i32
        %dma_start3A_342 = tpu.memref_slice %arg10[%mul3A_341] : memref<20000xi32, #tpu.memory_space<vmem>> -> memref<128xi32, #tpu.memory_space<vmem>>
        %dma_start3A_343 = arith.constant 0 : i32
        %dma_start3A_344 = arith.constant 0 : i32
        %dma_start3A_345 = tpu.memref_slice %arg5[%dma_start3A_343, %dma_start3A_344] : memref<10000x64xf32, #tpu.memory_space<hbm>> -> memref<10000x64xf32, #tpu.memory_space<hbm>>
        tpu.enqueue_indirect_dma source(%dma_start3A_345 : memref<10000x64xf32, #tpu.memory_space<hbm>>) target(%arg14 : memref<128x64xf32, #tpu.memory_space<vmem>>) offsets(%dma_start3A_342 : memref<128xi32, #tpu.memory_space<vmem>>) semaphore(%arg21 : memref<!tpu.dma_semaphore, #tpu.memory_space<semaphore_mem>>)
      }
      %scan3A_125 = arith.constant 37 : i32
      %dma_wait3A_126 = arith.constant 19456 : i32
      %dma_wait3A_127 = tpu.memref_slice %arg10[%dma_wait3A_126] : memref<20000xi32, #tpu.memory_space<vmem>> -> memref<128xi32, #tpu.memory_space<vmem>>
      %dma_wait3A_128 = arith.constant 0 : i32
      %dma_wait3A_129 = arith.constant 0 : i32
      %dma_wait3A_130 = tpu.memref_slice %arg5[%dma_wait3A_128, %dma_wait3A_129] : memref<10000x64xf32, #tpu.memory_space<hbm>> -> memref<10000x64xf32, #tpu.memory_space<hbm>>
      tpu.wait_indirect_dma semaphore(%arg19 : memref<!tpu.dma_semaphore, #tpu.memory_space<semaphore_mem>>) src(%dma_wait3A_130 : memref<10000x64xf32, #tpu.memory_space<hbm>>) dst(%arg12 : memref<128x64xf32, #tpu.memory_space<vmem>>)
      %dma_start3A_131 = arith.constant 19456 : i32
      %dma_start3A_132 = tpu.memref_slice %arg11[%dma_start3A_131] : memref<20000xi32, #tpu.memory_space<vmem>> -> memref<128xi32, #tpu.memory_space<vmem>>
      %dma_start3A_133 = arith.constant 0 : i32
      %dma_start3A_134 = arith.constant 0 : i32
      %dma_start3A_135 = tpu.memref_slice %arg18[%dma_start3A_133, %dma_start3A_134] : memref<10240x64xf32, #tpu.memory_space<vmem_shared>> -> memref<10240x64xf32, #tpu.memory_space<vmem_shared>>
      tpu.enqueue_indirect_dma source(%arg12 : memref<128x64xf32, #tpu.memory_space<vmem>>) target(%dma_start3A_135 : memref<10240x64xf32, #tpu.memory_space<vmem_shared>>) offsets(%dma_start3A_132 : memref<128xi32, #tpu.memory_space<vmem>>) semaphore(%arg23 : memref<!tpu.dma_semaphore, #tpu.memory_space<semaphore_mem>>) {add = true}
      %dma_wait3A_136 = arith.constant 19328 : i32
      %dma_wait3A_137 = tpu.memref_slice %arg11[%dma_wait3A_136] : memref<20000xi32, #tpu.memory_space<vmem>> -> memref<128xi32, #tpu.memory_space<vmem>>
      %dma_wait3A_138 = arith.constant 0 : i32
      %dma_wait3A_139 = arith.constant 0 : i32
      %dma_wait3A_140 = tpu.memref_slice %arg18[%dma_wait3A_138, %dma_wait3A_139] : memref<10240x64xf32, #tpu.memory_space<vmem_shared>> -> memref<10240x64xf32, #tpu.memory_space<vmem_shared>>
      tpu.wait_indirect_dma semaphore(%arg26 : memref<!tpu.dma_semaphore, #tpu.memory_space<semaphore_mem>>) src(%arg15 : memref<128x64xf32, #tpu.memory_space<vmem>>) dst(%dma_wait3A_140 : memref<10240x64xf32, #tpu.memory_space<vmem_shared>>)
      %dma_start3A_141 = arith.constant 19840 : i32
      %dma_start3A_142 = tpu.memref_slice %arg10[%dma_start3A_141] : memref<20000xi32, #tpu.memory_space<vmem>> -> memref<128xi32, #tpu.memory_space<vmem>>
      %dma_start3A_143 = arith.constant 0 : i32
      %dma_start3A_144 = arith.constant 0 : i32
      %dma_start3A_145 = tpu.memref_slice %arg5[%dma_start3A_143, %dma_start3A_144] : memref<10000x64xf32, #tpu.memory_space<hbm>> -> memref<10000x64xf32, #tpu.memory_space<hbm>>
      tpu.enqueue_indirect_dma source(%dma_start3A_145 : memref<10000x64xf32, #tpu.memory_space<hbm>>) target(%arg15 : memref<128x64xf32, #tpu.memory_space<vmem>>) offsets(%dma_start3A_142 : memref<128xi32, #tpu.memory_space<vmem>>) semaphore(%arg22 : memref<!tpu.dma_semaphore, #tpu.memory_space<semaphore_mem>>)
      %dma_wait3A_146 = arith.constant 19584 : i32
      %dma_wait3A_147 = tpu.memref_slice %arg10[%dma_wait3A_146] : memref<20000xi32, #tpu.memory_space<vmem>> -> memref<128xi32, #tpu.memory_space<vmem>>
      %dma_wait3A_148 = arith.constant 0 : i32
      %dma_wait3A_149 = arith.constant 0 : i32
      %dma_wait3A_150 = tpu.memref_slice %arg5[%dma_wait3A_148, %dma_wait3A_149] : memref<10000x64xf32, #tpu.memory_space<hbm>> -> memref<10000x64xf32, #tpu.memory_space<hbm>>
      tpu.wait_indirect_dma semaphore(%arg20 : memref<!tpu.dma_semaphore, #tpu.memory_space<semaphore_mem>>) src(%dma_wait3A_150 : memref<10000x64xf32, #tpu.memory_space<hbm>>) dst(%arg13 : memref<128x64xf32, #tpu.memory_space<vmem>>)
      %dma_start3A_151 = arith.constant 19584 : i32
      %dma_start3A_152 = tpu.memref_slice %arg11[%dma_start3A_151] : memref<20000xi32, #tpu.memory_space<vmem>> -> memref<128xi32, #tpu.memory_space<vmem>>
      %dma_start3A_153 = arith.constant 0 : i32
      %dma_start3A_154 = arith.constant 0 : i32
      %dma_start3A_155 = tpu.memref_slice %arg18[%dma_start3A_153, %dma_start3A_154] : memref<10240x64xf32, #tpu.memory_space<vmem_shared>> -> memref<10240x64xf32, #tpu.memory_space<vmem_shared>>
      tpu.enqueue_indirect_dma source(%arg13 : memref<128x64xf32, #tpu.memory_space<vmem>>) target(%dma_start3A_155 : memref<10240x64xf32, #tpu.memory_space<vmem_shared>>) offsets(%dma_start3A_152 : memref<128xi32, #tpu.memory_space<vmem>>) semaphore(%arg24 : memref<!tpu.dma_semaphore, #tpu.memory_space<semaphore_mem>>) {add = true}
      %dma_wait3A_156 = arith.constant 19456 : i32
      %dma_wait3A_157 = tpu.memref_slice %arg11[%dma_wait3A_156] : memref<20000xi32, #tpu.memory_space<vmem>> -> memref<128xi32, #tpu.memory_space<vmem>>
      %dma_wait3A_158 = arith.constant 0 : i32
      %dma_wait3A_159 = arith.constant 0 : i32
      %dma_wait3A_160 = tpu.memref_slice %arg18[%dma_wait3A_158, %dma_wait3A_159] : memref<10240x64xf32, #tpu.memory_space<vmem_shared>> -> memref<10240x64xf32, #tpu.memory_space<vmem_shared>>
      tpu.wait_indirect_dma semaphore(%arg23 : memref<!tpu.dma_semaphore, #tpu.memory_space<semaphore_mem>>) src(%arg12 : memref<128x64xf32, #tpu.memory_space<vmem>>) dst(%dma_wait3A_160 : memref<10240x64xf32, #tpu.memory_space<vmem_shared>>)
      %dma_wait3A_161 = arith.constant 19712 : i32
      %dma_wait3A_162 = tpu.memref_slice %arg10[%dma_wait3A_161] : memref<20000xi32, #tpu.memory_space<vmem>> -> memref<128xi32, #tpu.memory_space<vmem>>
      %dma_wait3A_163 = arith.constant 0 : i32
      %dma_wait3A_164 = arith.constant 0 : i32
      %dma_wait3A_165 = tpu.memref_slice %arg5[%dma_wait3A_163, %dma_wait3A_164] : memref<10000x64xf32, #tpu.memory_space<hbm>> -> memref<10000x64xf32, #tpu.memory_space<hbm>>
      tpu.wait_indirect_dma semaphore(%arg21 : memref<!tpu.dma_semaphore, #tpu.memory_space<semaphore_mem>>) src(%dma_wait3A_165 : memref<10000x64xf32, #tpu.memory_space<hbm>>) dst(%arg14 : memref<128x64xf32, #tpu.memory_space<vmem>>)
      %dma_start3A_166 = arith.constant 19712 : i32
      %dma_start3A_167 = tpu.memref_slice %arg11[%dma_start3A_166] : memref<20000xi32, #tpu.memory_space<vmem>> -> memref<128xi32, #tpu.memory_space<vmem>>
      %dma_start3A_168 = arith.constant 0 : i32
      %dma_start3A_169 = arith.constant 0 : i32
      %dma_start3A_170 = tpu.memref_slice %arg18[%dma_start3A_168, %dma_start3A_169] : memref<10240x64xf32, #tpu.memory_space<vmem_shared>> -> memref<10240x64xf32, #tpu.memory_space<vmem_shared>>
      tpu.enqueue_indirect_dma source(%arg14 : memref<128x64xf32, #tpu.memory_space<vmem>>) target(%dma_start3A_170 : memref<10240x64xf32, #tpu.memory_space<vmem_shared>>) offsets(%dma_start3A_167 : memref<128xi32, #tpu.memory_space<vmem>>) semaphore(%arg25 : memref<!tpu.dma_semaphore, #tpu.memory_space<semaphore_mem>>) {add = true}
      %dma_wait3A_171 = arith.constant 19584 : i32
      %dma_wait3A_172 = tpu.memref_slice %arg11[%dma_wait3A_171] : memref<20000xi32, #tpu.memory_space<vmem>> -> memref<128xi32, #tpu.memory_space<vmem>>
      %dma_wait3A_173 = arith.constant 0 : i32
      %dma_wait3A_174 = arith.constant 0 : i32
      %dma_wait3A_175 = tpu.memref_slice %arg18[%dma_wait3A_173, %dma_wait3A_174] : memref<10240x64xf32, #tpu.memory_space<vmem_shared>> -> memref<10240x64xf32, #tpu.memory_space<vmem_shared>>
      tpu.wait_indirect_dma semaphore(%arg24 : memref<!tpu.dma_semaphore, #tpu.memory_space<semaphore_mem>>) src(%arg13 : memref<128x64xf32, #tpu.memory_space<vmem>>) dst(%dma_wait3A_175 : memref<10240x64xf32, #tpu.memory_space<vmem_shared>>)
      %dma_wait3A_176 = arith.constant 19840 : i32
      %dma_wait3A_177 = tpu.memref_slice %arg10[%dma_wait3A_176] : memref<20000xi32, #tpu.memory_space<vmem>> -> memref<128xi32, #tpu.memory_space<vmem>>
      %dma_wait3A_178 = arith.constant 0 : i32
      %dma_wait3A_179 = arith.constant 0 : i32
      %dma_wait3A_180 = tpu.memref_slice %arg5[%dma_wait3A_178, %dma_wait3A_179] : memref<10000x64xf32, #tpu.memory_space<hbm>> -> memref<10000x64xf32, #tpu.memory_space<hbm>>
      tpu.wait_indirect_dma semaphore(%arg22 : memref<!tpu.dma_semaphore, #tpu.memory_space<semaphore_mem>>) src(%dma_wait3A_180 : memref<10000x64xf32, #tpu.memory_space<hbm>>) dst(%arg15 : memref<128x64xf32, #tpu.memory_space<vmem>>)
      %dma_start3A_181 = arith.constant 19840 : i32
      %dma_start3A_182 = tpu.memref_slice %arg11[%dma_start3A_181] : memref<20000xi32, #tpu.memory_space<vmem>> -> memref<128xi32, #tpu.memory_space<vmem>>
      %dma_start3A_183 = arith.constant 0 : i32
      %dma_start3A_184 = arith.constant 0 : i32
      %dma_start3A_185 = tpu.memref_slice %arg18[%dma_start3A_183, %dma_start3A_184] : memref<10240x64xf32, #tpu.memory_space<vmem_shared>> -> memref<10240x64xf32, #tpu.memory_space<vmem_shared>>
      tpu.enqueue_indirect_dma source(%arg15 : memref<128x64xf32, #tpu.memory_space<vmem>>) target(%dma_start3A_185 : memref<10240x64xf32, #tpu.memory_space<vmem_shared>>) offsets(%dma_start3A_182 : memref<128xi32, #tpu.memory_space<vmem>>) semaphore(%arg26 : memref<!tpu.dma_semaphore, #tpu.memory_space<semaphore_mem>>) {add = true}
      %dma_wait3A_186 = arith.constant 19712 : i32
      %dma_wait3A_187 = tpu.memref_slice %arg11[%dma_wait3A_186] : memref<20000xi32, #tpu.memory_space<vmem>> -> memref<128xi32, #tpu.memory_space<vmem>>
      %dma_wait3A_188 = arith.constant 0 : i32
      %dma_wait3A_189 = arith.constant 0 : i32
      %dma_wait3A_190 = tpu.memref_slice %arg18[%dma_wait3A_188, %dma_wait3A_189] : memref<10240x64xf32, #tpu.memory_space<vmem_shared>> -> memref<10240x64xf32, #tpu.memory_space<vmem_shared>>
      tpu.wait_indirect_dma semaphore(%arg25 : memref<!tpu.dma_semaphore, #tpu.memory_space<semaphore_mem>>) src(%arg14 : memref<128x64xf32, #tpu.memory_space<vmem>>) dst(%dma_wait3A_190 : memref<10240x64xf32, #tpu.memory_space<vmem_shared>>)
      %dma_wait3A_191 = arith.constant 19840 : i32
      %dma_wait3A_192 = tpu.memref_slice %arg11[%dma_wait3A_191] : memref<20000xi32, #tpu.memory_space<vmem>> -> memref<128xi32, #tpu.memory_space<vmem>>
      %dma_wait3A_193 = arith.constant 0 : i32
      %dma_wait3A_194 = arith.constant 0 : i32
      %dma_wait3A_195 = tpu.memref_slice %arg18[%dma_wait3A_193, %dma_wait3A_194] : memref<10240x64xf32, #tpu.memory_space<vmem_shared>> -> memref<10240x64xf32, #tpu.memory_space<vmem_shared>>
      tpu.wait_indirect_dma semaphore(%arg26 : memref<!tpu.dma_semaphore, #tpu.memory_space<semaphore_mem>>) src(%arg15 : memref<128x64xf32, #tpu.memory_space<vmem>>) dst(%dma_wait3A_195 : memref<10240x64xf32, #tpu.memory_space<vmem_shared>>)
      "tpu.region"() ({
        %run_scoped3A = tpu.sem_alloc : memref<!tpu.dma_semaphore, #tpu.memory_space<semaphore_mem>>
        %dma_start3A_214 = arith.constant 0 : i32
        %dma_start3A_215 = arith.constant 0 : i32
        %dma_start3A_216 = tpu.memref_slice %arg12[%dma_start3A_214, %dma_start3A_215] : memref<128x64xf32, #tpu.memory_space<vmem>> -> memref<32x64xf32, #tpu.memory_space<vmem>>
        %dma_start3A_217 = arith.constant 19968 : i32
        %dma_start3A_218 = tpu.memref_slice %arg10[%dma_start3A_217] : memref<20000xi32, #tpu.memory_space<vmem>> -> memref<32xi32, #tpu.memory_space<vmem>>
        %dma_start3A_219 = arith.constant 0 : i32
        %dma_start3A_220 = arith.constant 0 : i32
        %dma_start3A_221 = tpu.memref_slice %arg5[%dma_start3A_219, %dma_start3A_220] : memref<10000x64xf32, #tpu.memory_space<hbm>> -> memref<10000x64xf32, #tpu.memory_space<hbm>>
        tpu.enqueue_indirect_dma source(%dma_start3A_221 : memref<10000x64xf32, #tpu.memory_space<hbm>>) target(%dma_start3A_216 : memref<32x64xf32, #tpu.memory_space<vmem>>) offsets(%dma_start3A_218 : memref<32xi32, #tpu.memory_space<vmem>>) semaphore(%run_scoped3A : memref<!tpu.dma_semaphore, #tpu.memory_space<semaphore_mem>>)
        %dma_wait3A_222 = arith.constant 0 : i32
        %dma_wait3A_223 = arith.constant 0 : i32
        %dma_wait3A_224 = tpu.memref_slice %arg12[%dma_wait3A_222, %dma_wait3A_223] : memref<128x64xf32, #tpu.memory_space<vmem>> -> memref<32x64xf32, #tpu.memory_space<vmem>>
        %dma_wait3A_225 = arith.constant 19968 : i32
        %dma_wait3A_226 = tpu.memref_slice %arg10[%dma_wait3A_225] : memref<20000xi32, #tpu.memory_space<vmem>> -> memref<32xi32, #tpu.memory_space<vmem>>
        %dma_wait3A_227 = arith.constant 0 : i32
        %dma_wait3A_228 = arith.constant 0 : i32
        %dma_wait3A_229 = tpu.memref_slice %arg5[%dma_wait3A_227, %dma_wait3A_228] : memref<10000x64xf32, #tpu.memory_space<hbm>> -> memref<10000x64xf32, #tpu.memory_space<hbm>>
        tpu.wait_indirect_dma semaphore(%run_scoped3A : memref<!tpu.dma_semaphore, #tpu.memory_space<semaphore_mem>>) src(%dma_wait3A_229 : memref<10000x64xf32, #tpu.memory_space<hbm>>) dst(%dma_wait3A_224 : memref<32x64xf32, #tpu.memory_space<vmem>>)
        tpu.yield
      }) : () -> ()
      "tpu.region"() ({
        %run_scoped3A = tpu.sem_alloc : memref<!tpu.dma_semaphore, #tpu.memory_space<semaphore_mem>>
        %dma_start3A_214 = arith.constant 0 : i32
        %dma_start3A_215 = arith.constant 0 : i32
        %dma_start3A_216 = tpu.memref_slice %arg12[%dma_start3A_214, %dma_start3A_215] : memref<128x64xf32, #tpu.memory_space<vmem>> -> memref<32x64xf32, #tpu.memory_space<vmem>>
        %dma_start3A_217 = arith.constant 19968 : i32
        %dma_start3A_218 = tpu.memref_slice %arg11[%dma_start3A_217] : memref<20000xi32, #tpu.memory_space<vmem>> -> memref<32xi32, #tpu.memory_space<vmem>>
        %dma_start3A_219 = arith.constant 0 : i32
        %dma_start3A_220 = arith.constant 0 : i32
        %dma_start3A_221 = tpu.memref_slice %arg18[%dma_start3A_219, %dma_start3A_220] : memref<10240x64xf32, #tpu.memory_space<vmem_shared>> -> memref<10240x64xf32, #tpu.memory_space<vmem_shared>>
        tpu.enqueue_indirect_dma source(%dma_start3A_216 : memref<32x64xf32, #tpu.memory_space<vmem>>) target(%dma_start3A_221 : memref<10240x64xf32, #tpu.memory_space<vmem_shared>>) offsets(%dma_start3A_218 : memref<32xi32, #tpu.memory_space<vmem>>) semaphore(%run_scoped3A : memref<!tpu.dma_semaphore, #tpu.memory_space<semaphore_mem>>) {add = true}
        %dma_wait3A_222 = arith.constant 0 : i32
        %dma_wait3A_223 = arith.constant 0 : i32
        %dma_wait3A_224 = tpu.memref_slice %arg12[%dma_wait3A_222, %dma_wait3A_223] : memref<128x64xf32, #tpu.memory_space<vmem>> -> memref<32x64xf32, #tpu.memory_space<vmem>>
        %dma_wait3A_225 = arith.constant 19968 : i32
        %dma_wait3A_226 = tpu.memref_slice %arg11[%dma_wait3A_225] : memref<20000xi32, #tpu.memory_space<vmem>> -> memref<32xi32, #tpu.memory_space<vmem>>
        %dma_wait3A_227 = arith.constant 0 : i32
        %dma_wait3A_228 = arith.constant 0 : i32
        %dma_wait3A_229 = tpu.memref_slice %arg18[%dma_wait3A_227, %dma_wait3A_228] : memref<10240x64xf32, #tpu.memory_space<vmem_shared>> -> memref<10240x64xf32, #tpu.memory_space<vmem_shared>>
        tpu.wait_indirect_dma semaphore(%run_scoped3A : memref<!tpu.dma_semaphore, #tpu.memory_space<semaphore_mem>>) src(%dma_wait3A_224 : memref<32x64xf32, #tpu.memory_space<vmem>>) dst(%dma_wait3A_229 : memref<10240x64xf32, #tpu.memory_space<vmem_shared>>)
        tpu.yield
      }) : () -> ()
      %barrier3A_196 = arith.constant 0 : index
      tpu.barrier barrier_id(%barrier3A_196)
      %add3A_197 = arith.constant 0 : i32
      %add3A_198 = arith.addi %mul3A_2, %add3A_197 : i32
      "tpu.region"() ({
        %run_scoped3A = tpu.sem_alloc : memref<!tpu.dma_semaphore, #tpu.memory_space<semaphore_mem>>
        %dma_start3A_214 = arith.constant 0 : i32
        %dma_start3A_215 = tpu.memref_slice %arg18[%add3A_198, %dma_start3A_214] : memref<10240x64xf32, #tpu.memory_space<vmem_shared>> -> memref<80x64xf32, #tpu.memory_space<vmem_shared>>
        %dma_start3A_216 = arith.constant 0 : i32
        %dma_start3A_217 = tpu.memref_slice %arg18[%add3A_198, %dma_start3A_216] : memref<10240x64xf32, #tpu.memory_space<vmem_shared>> -> memref<80x64xf32, #tpu.memory_space<vmem_shared>>
        tpu.enqueue_dma source(%dma_start3A_217 : memref<80x64xf32, #tpu.memory_space<vmem_shared>>) target(%arg17 : memref<80x64xf32, #tpu.memory_space<vmem>>) target_semaphore(%run_scoped3A : memref<!tpu.dma_semaphore, #tpu.memory_space<semaphore_mem>>)
        %dma_wait3A_218 = arith.constant 0 : i32
        %dma_wait3A_219 = tpu.memref_slice %arg18[%add3A_198, %dma_wait3A_218] : memref<10240x64xf32, #tpu.memory_space<vmem_shared>> -> memref<80x64xf32, #tpu.memory_space<vmem_shared>>
        %dma_wait3A_220 = arith.constant 0 : i32
        %dma_wait3A_221 = tpu.memref_slice %arg18[%add3A_198, %dma_wait3A_220] : memref<10240x64xf32, #tpu.memory_space<vmem_shared>> -> memref<80x64xf32, #tpu.memory_space<vmem_shared>>
        tpu.wait_dma2 semaphore(%run_scoped3A : memref<!tpu.dma_semaphore, #tpu.memory_space<semaphore_mem>>) src(%dma_wait3A_221 : memref<80x64xf32, #tpu.memory_space<vmem_shared>>) dst(%arg17 : memref<80x64xf32, #tpu.memory_space<vmem>>)
        tpu.yield
      }) : () -> ()
      "tpu.region"() ({
        %run_scoped3A = tpu.sem_alloc : memref<!tpu.dma_semaphore, #tpu.memory_space<semaphore_mem>>
        %dma_start3A_214 = arith.constant 0 : i32
        %dma_start3A_215 = tpu.memref_slice %arg8[%arg0, %add3A_198, %dma_start3A_214] : memref<2x10240x64xf32, #tpu.memory_space<hbm>> -> memref<1x80x64xf32, #tpu.memory_space<hbm>>
        %dma_start3A_216 = tpu.memref_squeeze %dma_start3A_215 : memref<1x80x64xf32, #tpu.memory_space<hbm>> -> memref<80x64xf32, #tpu.memory_space<hbm>>
        %dma_start3A_217 = arith.constant 0 : i32
        %dma_start3A_218 = tpu.memref_slice %arg8[%arg0, %add3A_198, %dma_start3A_217] : memref<2x10240x64xf32, #tpu.memory_space<hbm>> -> memref<1x80x64xf32, #tpu.memory_space<hbm>>
        %dma_start3A_219 = tpu.memref_squeeze %dma_start3A_218 : memref<1x80x64xf32, #tpu.memory_space<hbm>> -> memref<80x64xf32, #tpu.memory_space<hbm>>
        tpu.enqueue_dma source(%arg17 : memref<80x64xf32, #tpu.memory_space<vmem>>) target(%dma_start3A_219 : memref<80x64xf32, #tpu.memory_space<hbm>>) target_semaphore(%run_scoped3A : memref<!tpu.dma_semaphore, #tpu.memory_space<semaphore_mem>>)
        %dma_wait3A_220 = arith.constant 0 : i32
        %dma_wait3A_221 = tpu.memref_slice %arg8[%arg0, %add3A_198, %dma_wait3A_220] : memref<2x10240x64xf32, #tpu.memory_space<hbm>> -> memref<1x80x64xf32, #tpu.memory_space<hbm>>
        %dma_wait3A_222 = tpu.memref_squeeze %dma_wait3A_221 : memref<1x80x64xf32, #tpu.memory_space<hbm>> -> memref<80x64xf32, #tpu.memory_space<hbm>>
        %dma_wait3A_223 = arith.constant 0 : i32
        %dma_wait3A_224 = tpu.memref_slice %arg8[%arg0, %add3A_198, %dma_wait3A_223] : memref<2x10240x64xf32, #tpu.memory_space<hbm>> -> memref<1x80x64xf32, #tpu.memory_space<hbm>>
        %dma_wait3A_225 = tpu.memref_squeeze %dma_wait3A_224 : memref<1x80x64xf32, #tpu.memory_space<hbm>> -> memref<80x64xf32, #tpu.memory_space<hbm>>
        tpu.wait_dma2 semaphore(%run_scoped3A : memref<!tpu.dma_semaphore, #tpu.memory_space<semaphore_mem>>) src(%arg17 : memref<80x64xf32, #tpu.memory_space<vmem>>) dst(%dma_wait3A_225 : memref<80x64xf32, #tpu.memory_space<hbm>>)
        tpu.yield
      }) : () -> ()
      %add3A_199 = arith.constant 80 : i32
      %add3A_200 = arith.addi %mul3A_2, %add3A_199 : i32
      "tpu.region"() ({
        %run_scoped3A = tpu.sem_alloc : memref<!tpu.dma_semaphore, #tpu.memory_space<semaphore_mem>>
        %dma_start3A_214 = arith.constant 0 : i32
        %dma_start3A_215 = tpu.memref_slice %arg18[%add3A_200, %dma_start3A_214] : memref<10240x64xf32, #tpu.memory_space<vmem_shared>> -> memref<80x64xf32, #tpu.memory_space<vmem_shared>>
        %dma_start3A_216 = arith.constant 0 : i32
        %dma_start3A_217 = tpu.memref_slice %arg18[%add3A_200, %dma_start3A_216] : memref<10240x64xf32, #tpu.memory_space<vmem_shared>> -> memref<80x64xf32, #tpu.memory_space<vmem_shared>>
        tpu.enqueue_dma source(%dma_start3A_217 : memref<80x64xf32, #tpu.memory_space<vmem_shared>>) target(%arg17 : memref<80x64xf32, #tpu.memory_space<vmem>>) target_semaphore(%run_scoped3A : memref<!tpu.dma_semaphore, #tpu.memory_space<semaphore_mem>>)
        %dma_wait3A_218 = arith.constant 0 : i32
        %dma_wait3A_219 = tpu.memref_slice %arg18[%add3A_200, %dma_wait3A_218] : memref<10240x64xf32, #tpu.memory_space<vmem_shared>> -> memref<80x64xf32, #tpu.memory_space<vmem_shared>>
        %dma_wait3A_220 = arith.constant 0 : i32
        %dma_wait3A_221 = tpu.memref_slice %arg18[%add3A_200, %dma_wait3A_220] : memref<10240x64xf32, #tpu.memory_space<vmem_shared>> -> memref<80x64xf32, #tpu.memory_space<vmem_shared>>
        tpu.wait_dma2 semaphore(%run_scoped3A : memref<!tpu.dma_semaphore, #tpu.memory_space<semaphore_mem>>) src(%dma_wait3A_221 : memref<80x64xf32, #tpu.memory_space<vmem_shared>>) dst(%arg17 : memref<80x64xf32, #tpu.memory_space<vmem>>)
        tpu.yield
      }) : () -> ()
      "tpu.region"() ({
        %run_scoped3A = tpu.sem_alloc : memref<!tpu.dma_semaphore, #tpu.memory_space<semaphore_mem>>
        %dma_start3A_214 = arith.constant 0 : i32
        %dma_start3A_215 = tpu.memref_slice %arg8[%arg0, %add3A_200, %dma_start3A_214] : memref<2x10240x64xf32, #tpu.memory_space<hbm>> -> memref<1x80x64xf32, #tpu.memory_space<hbm>>
        %dma_start3A_216 = tpu.memref_squeeze %dma_start3A_215 : memref<1x80x64xf32, #tpu.memory_space<hbm>> -> memref<80x64xf32, #tpu.memory_space<hbm>>
        %dma_start3A_217 = arith.constant 0 : i32
        %dma_start3A_218 = tpu.memref_slice %arg8[%arg0, %add3A_200, %dma_start3A_217] : memref<2x10240x64xf32, #tpu.memory_space<hbm>> -> memref<1x80x64xf32, #tpu.memory_space<hbm>>
        %dma_start3A_219 = tpu.memref_squeeze %dma_start3A_218 : memref<1x80x64xf32, #tpu.memory_space<hbm>> -> memref<80x64xf32, #tpu.memory_space<hbm>>
        tpu.enqueue_dma source(%arg17 : memref<80x64xf32, #tpu.memory_space<vmem>>) target(%dma_start3A_219 : memref<80x64xf32, #tpu.memory_space<hbm>>) target_semaphore(%run_scoped3A : memref<!tpu.dma_semaphore, #tpu.memory_space<semaphore_mem>>)
        %dma_wait3A_220 = arith.constant 0 : i32
        %dma_wait3A_221 = tpu.memref_slice %arg8[%arg0, %add3A_200, %dma_wait3A_220] : memref<2x10240x64xf32, #tpu.memory_space<hbm>> -> memref<1x80x64xf32, #tpu.memory_space<hbm>>
        %dma_wait3A_222 = tpu.memref_squeeze %dma_wait3A_221 : memref<1x80x64xf32, #tpu.memory_space<hbm>> -> memref<80x64xf32, #tpu.memory_space<hbm>>
        %dma_wait3A_223 = arith.constant 0 : i32
        %dma_wait3A_224 = tpu.memref_slice %arg8[%arg0, %add3A_200, %dma_wait3A_223] : memref<2x10240x64xf32, #tpu.memory_space<hbm>> -> memref<1x80x64xf32, #tpu.memory_space<hbm>>
        %dma_wait3A_225 = tpu.memref_squeeze %dma_wait3A_224 : memref<1x80x64xf32, #tpu.memory_space<hbm>> -> memref<80x64xf32, #tpu.memory_space<hbm>>
        tpu.wait_dma2 semaphore(%run_scoped3A : memref<!tpu.dma_semaphore, #tpu.memory_space<semaphore_mem>>) src(%arg17 : memref<80x64xf32, #tpu.memory_space<vmem>>) dst(%dma_wait3A_225 : memref<80x64xf32, #tpu.memory_space<hbm>>)
        tpu.yield
      }) : () -> ()
      %add3A_201 = arith.constant 160 : i32
      %add3A_202 = arith.addi %mul3A_2, %add3A_201 : i32
      "tpu.region"() ({
        %run_scoped3A = tpu.sem_alloc : memref<!tpu.dma_semaphore, #tpu.memory_space<semaphore_mem>>
        %dma_start3A_214 = arith.constant 0 : i32
        %dma_start3A_215 = tpu.memref_slice %arg18[%add3A_202, %dma_start3A_214] : memref<10240x64xf32, #tpu.memory_space<vmem_shared>> -> memref<80x64xf32, #tpu.memory_space<vmem_shared>>
        %dma_start3A_216 = arith.constant 0 : i32
        %dma_start3A_217 = tpu.memref_slice %arg18[%add3A_202, %dma_start3A_216] : memref<10240x64xf32, #tpu.memory_space<vmem_shared>> -> memref<80x64xf32, #tpu.memory_space<vmem_shared>>
        tpu.enqueue_dma source(%dma_start3A_217 : memref<80x64xf32, #tpu.memory_space<vmem_shared>>) target(%arg17 : memref<80x64xf32, #tpu.memory_space<vmem>>) target_semaphore(%run_scoped3A : memref<!tpu.dma_semaphore, #tpu.memory_space<semaphore_mem>>)
        %dma_wait3A_218 = arith.constant 0 : i32
        %dma_wait3A_219 = tpu.memref_slice %arg18[%add3A_202, %dma_wait3A_218] : memref<10240x64xf32, #tpu.memory_space<vmem_shared>> -> memref<80x64xf32, #tpu.memory_space<vmem_shared>>
        %dma_wait3A_220 = arith.constant 0 : i32
        %dma_wait3A_221 = tpu.memref_slice %arg18[%add3A_202, %dma_wait3A_220] : memref<10240x64xf32, #tpu.memory_space<vmem_shared>> -> memref<80x64xf32, #tpu.memory_space<vmem_shared>>
        tpu.wait_dma2 semaphore(%run_scoped3A : memref<!tpu.dma_semaphore, #tpu.memory_space<semaphore_mem>>) src(%dma_wait3A_221 : memref<80x64xf32, #tpu.memory_space<vmem_shared>>) dst(%arg17 : memref<80x64xf32, #tpu.memory_space<vmem>>)
        tpu.yield
      }) : () -> ()
      "tpu.region"() ({
        %run_scoped3A = tpu.sem_alloc : memref<!tpu.dma_semaphore, #tpu.memory_space<semaphore_mem>>
        %dma_start3A_214 = arith.constant 0 : i32
        %dma_start3A_215 = tpu.memref_slice %arg8[%arg0, %add3A_202, %dma_start3A_214] : memref<2x10240x64xf32, #tpu.memory_space<hbm>> -> memref<1x80x64xf32, #tpu.memory_space<hbm>>
        %dma_start3A_216 = tpu.memref_squeeze %dma_start3A_215 : memref<1x80x64xf32, #tpu.memory_space<hbm>> -> memref<80x64xf32, #tpu.memory_space<hbm>>
        %dma_start3A_217 = arith.constant 0 : i32
        %dma_start3A_218 = tpu.memref_slice %arg8[%arg0, %add3A_202, %dma_start3A_217] : memref<2x10240x64xf32, #tpu.memory_space<hbm>> -> memref<1x80x64xf32, #tpu.memory_space<hbm>>
        %dma_start3A_219 = tpu.memref_squeeze %dma_start3A_218 : memref<1x80x64xf32, #tpu.memory_space<hbm>> -> memref<80x64xf32, #tpu.memory_space<hbm>>
        tpu.enqueue_dma source(%arg17 : memref<80x64xf32, #tpu.memory_space<vmem>>) target(%dma_start3A_219 : memref<80x64xf32, #tpu.memory_space<hbm>>) target_semaphore(%run_scoped3A : memref<!tpu.dma_semaphore, #tpu.memory_space<semaphore_mem>>)
        %dma_wait3A_220 = arith.constant 0 : i32
        %dma_wait3A_221 = tpu.memref_slice %arg8[%arg0, %add3A_202, %dma_wait3A_220] : memref<2x10240x64xf32, #tpu.memory_space<hbm>> -> memref<1x80x64xf32, #tpu.memory_space<hbm>>
        %dma_wait3A_222 = tpu.memref_squeeze %dma_wait3A_221 : memref<1x80x64xf32, #tpu.memory_space<hbm>> -> memref<80x64xf32, #tpu.memory_space<hbm>>
        %dma_wait3A_223 = arith.constant 0 : i32
        %dma_wait3A_224 = tpu.memref_slice %arg8[%arg0, %add3A_202, %dma_wait3A_223] : memref<2x10240x64xf32, #tpu.memory_space<hbm>> -> memref<1x80x64xf32, #tpu.memory_space<hbm>>
        %dma_wait3A_225 = tpu.memref_squeeze %dma_wait3A_224 : memref<1x80x64xf32, #tpu.memory_space<hbm>> -> memref<80x64xf32, #tpu.memory_space<hbm>>
        tpu.wait_dma2 semaphore(%run_scoped3A : memref<!tpu.dma_semaphore, #tpu.memory_space<semaphore_mem>>) src(%arg17 : memref<80x64xf32, #tpu.memory_space<vmem>>) dst(%dma_wait3A_225 : memref<80x64xf32, #tpu.memory_space<hbm>>)
        tpu.yield
      }) : () -> ()
      %add3A_203 = arith.constant 240 : i32
      %add3A_204 = arith.addi %mul3A_2, %add3A_203 : i32
      "tpu.region"() ({
        %run_scoped3A = tpu.sem_alloc : memref<!tpu.dma_semaphore, #tpu.memory_space<semaphore_mem>>
        %dma_start3A_214 = arith.constant 0 : i32
        %dma_start3A_215 = tpu.memref_slice %arg18[%add3A_204, %dma_start3A_214] : memref<10240x64xf32, #tpu.memory_space<vmem_shared>> -> memref<80x64xf32, #tpu.memory_space<vmem_shared>>
        %dma_start3A_216 = arith.constant 0 : i32
        %dma_start3A_217 = tpu.memref_slice %arg18[%add3A_204, %dma_start3A_216] : memref<10240x64xf32, #tpu.memory_space<vmem_shared>> -> memref<80x64xf32, #tpu.memory_space<vmem_shared>>
        tpu.enqueue_dma source(%dma_start3A_217 : memref<80x64xf32, #tpu.memory_space<vmem_shared>>) target(%arg17 : memref<80x64xf32, #tpu.memory_space<vmem>>) target_semaphore(%run_scoped3A : memref<!tpu.dma_semaphore, #tpu.memory_space<semaphore_mem>>)
        %dma_wait3A_218 = arith.constant 0 : i32
        %dma_wait3A_219 = tpu.memref_slice %arg18[%add3A_204, %dma_wait3A_218] : memref<10240x64xf32, #tpu.memory_space<vmem_shared>> -> memref<80x64xf32, #tpu.memory_space<vmem_shared>>
        %dma_wait3A_220 = arith.constant 0 : i32
        %dma_wait3A_221 = tpu.memref_slice %arg18[%add3A_204, %dma_wait3A_220] : memref<10240x64xf32, #tpu.memory_space<vmem_shared>> -> memref<80x64xf32, #tpu.memory_space<vmem_shared>>
        tpu.wait_dma2 semaphore(%run_scoped3A : memref<!tpu.dma_semaphore, #tpu.memory_space<semaphore_mem>>) src(%dma_wait3A_221 : memref<80x64xf32, #tpu.memory_space<vmem_shared>>) dst(%arg17 : memref<80x64xf32, #tpu.memory_space<vmem>>)
        tpu.yield
      }) : () -> ()
      "tpu.region"() ({
        %run_scoped3A = tpu.sem_alloc : memref<!tpu.dma_semaphore, #tpu.memory_space<semaphore_mem>>
        %dma_start3A_214 = arith.constant 0 : i32
        %dma_start3A_215 = tpu.memref_slice %arg8[%arg0, %add3A_204, %dma_start3A_214] : memref<2x10240x64xf32, #tpu.memory_space<hbm>> -> memref<1x80x64xf32, #tpu.memory_space<hbm>>
        %dma_start3A_216 = tpu.memref_squeeze %dma_start3A_215 : memref<1x80x64xf32, #tpu.memory_space<hbm>> -> memref<80x64xf32, #tpu.memory_space<hbm>>
        %dma_start3A_217 = arith.constant 0 : i32
        %dma_start3A_218 = tpu.memref_slice %arg8[%arg0, %add3A_204, %dma_start3A_217] : memref<2x10240x64xf32, #tpu.memory_space<hbm>> -> memref<1x80x64xf32, #tpu.memory_space<hbm>>
        %dma_start3A_219 = tpu.memref_squeeze %dma_start3A_218 : memref<1x80x64xf32, #tpu.memory_space<hbm>> -> memref<80x64xf32, #tpu.memory_space<hbm>>
        tpu.enqueue_dma source(%arg17 : memref<80x64xf32, #tpu.memory_space<vmem>>) target(%dma_start3A_219 : memref<80x64xf32, #tpu.memory_space<hbm>>) target_semaphore(%run_scoped3A : memref<!tpu.dma_semaphore, #tpu.memory_space<semaphore_mem>>)
        %dma_wait3A_220 = arith.constant 0 : i32
        %dma_wait3A_221 = tpu.memref_slice %arg8[%arg0, %add3A_204, %dma_wait3A_220] : memref<2x10240x64xf32, #tpu.memory_space<hbm>> -> memref<1x80x64xf32, #tpu.memory_space<hbm>>
        %dma_wait3A_222 = tpu.memref_squeeze %dma_wait3A_221 : memref<1x80x64xf32, #tpu.memory_space<hbm>> -> memref<80x64xf32, #tpu.memory_space<hbm>>
        %dma_wait3A_223 = arith.constant 0 : i32
        %dma_wait3A_224 = tpu.memref_slice %arg8[%arg0, %add3A_204, %dma_wait3A_223] : memref<2x10240x64xf32, #tpu.memory_space<hbm>> -> memref<1x80x64xf32, #tpu.memory_space<hbm>>
        %dma_wait3A_225 = tpu.memref_squeeze %dma_wait3A_224 : memref<1x80x64xf32, #tpu.memory_space<hbm>> -> memref<80x64xf32, #tpu.memory_space<hbm>>
        tpu.wait_dma2 semaphore(%run_scoped3A : memref<!tpu.dma_semaphore, #tpu.memory_space<semaphore_mem>>) src(%arg17 : memref<80x64xf32, #tpu.memory_space<vmem>>) dst(%dma_wait3A_225 : memref<80x64xf32, #tpu.memory_space<hbm>>)
        tpu.yield
      }) : () -> ()
      %add3A_205 = arith.constant 320 : i32
      %add3A_206 = arith.addi %mul3A_2, %add3A_205 : i32
      "tpu.region"() ({
        %run_scoped3A = tpu.sem_alloc : memref<!tpu.dma_semaphore, #tpu.memory_space<semaphore_mem>>
        %dma_start3A_214 = arith.constant 0 : i32
        %dma_start3A_215 = tpu.memref_slice %arg18[%add3A_206, %dma_start3A_214] : memref<10240x64xf32, #tpu.memory_space<vmem_shared>> -> memref<80x64xf32, #tpu.memory_space<vmem_shared>>
        %dma_start3A_216 = arith.constant 0 : i32
        %dma_start3A_217 = tpu.memref_slice %arg18[%add3A_206, %dma_start3A_216] : memref<10240x64xf32, #tpu.memory_space<vmem_shared>> -> memref<80x64xf32, #tpu.memory_space<vmem_shared>>
        tpu.enqueue_dma source(%dma_start3A_217 : memref<80x64xf32, #tpu.memory_space<vmem_shared>>) target(%arg17 : memref<80x64xf32, #tpu.memory_space<vmem>>) target_semaphore(%run_scoped3A : memref<!tpu.dma_semaphore, #tpu.memory_space<semaphore_mem>>)
        %dma_wait3A_218 = arith.constant 0 : i32
        %dma_wait3A_219 = tpu.memref_slice %arg18[%add3A_206, %dma_wait3A_218] : memref<10240x64xf32, #tpu.memory_space<vmem_shared>> -> memref<80x64xf32, #tpu.memory_space<vmem_shared>>
        %dma_wait3A_220 = arith.constant 0 : i32
        %dma_wait3A_221 = tpu.memref_slice %arg18[%add3A_206, %dma_wait3A_220] : memref<10240x64xf32, #tpu.memory_space<vmem_shared>> -> memref<80x64xf32, #tpu.memory_space<vmem_shared>>
        tpu.wait_dma2 semaphore(%run_scoped3A : memref<!tpu.dma_semaphore, #tpu.memory_space<semaphore_mem>>) src(%dma_wait3A_221 : memref<80x64xf32, #tpu.memory_space<vmem_shared>>) dst(%arg17 : memref<80x64xf32, #tpu.memory_space<vmem>>)
        tpu.yield
      }) : () -> ()
      "tpu.region"() ({
        %run_scoped3A = tpu.sem_alloc : memref<!tpu.dma_semaphore, #tpu.memory_space<semaphore_mem>>
        %dma_start3A_214 = arith.constant 0 : i32
        %dma_start3A_215 = tpu.memref_slice %arg8[%arg0, %add3A_206, %dma_start3A_214] : memref<2x10240x64xf32, #tpu.memory_space<hbm>> -> memref<1x80x64xf32, #tpu.memory_space<hbm>>
        %dma_start3A_216 = tpu.memref_squeeze %dma_start3A_215 : memref<1x80x64xf32, #tpu.memory_space<hbm>> -> memref<80x64xf32, #tpu.memory_space<hbm>>
        %dma_start3A_217 = arith.constant 0 : i32
        %dma_start3A_218 = tpu.memref_slice %arg8[%arg0, %add3A_206, %dma_start3A_217] : memref<2x10240x64xf32, #tpu.memory_space<hbm>> -> memref<1x80x64xf32, #tpu.memory_space<hbm>>
        %dma_start3A_219 = tpu.memref_squeeze %dma_start3A_218 : memref<1x80x64xf32, #tpu.memory_space<hbm>> -> memref<80x64xf32, #tpu.memory_space<hbm>>
        tpu.enqueue_dma source(%arg17 : memref<80x64xf32, #tpu.memory_space<vmem>>) target(%dma_start3A_219 : memref<80x64xf32, #tpu.memory_space<hbm>>) target_semaphore(%run_scoped3A : memref<!tpu.dma_semaphore, #tpu.memory_space<semaphore_mem>>)
        %dma_wait3A_220 = arith.constant 0 : i32
        %dma_wait3A_221 = tpu.memref_slice %arg8[%arg0, %add3A_206, %dma_wait3A_220] : memref<2x10240x64xf32, #tpu.memory_space<hbm>> -> memref<1x80x64xf32, #tpu.memory_space<hbm>>
        %dma_wait3A_222 = tpu.memref_squeeze %dma_wait3A_221 : memref<1x80x64xf32, #tpu.memory_space<hbm>> -> memref<80x64xf32, #tpu.memory_space<hbm>>
        %dma_wait3A_223 = arith.constant 0 : i32
        %dma_wait3A_224 = tpu.memref_slice %arg8[%arg0, %add3A_206, %dma_wait3A_223] : memref<2x10240x64xf32, #tpu.memory_space<hbm>> -> memref<1x80x64xf32, #tpu.memory_space<hbm>>
        %dma_wait3A_225 = tpu.memref_squeeze %dma_wait3A_224 : memref<1x80x64xf32, #tpu.memory_space<hbm>> -> memref<80x64xf32, #tpu.memory_space<hbm>>
        tpu.wait_dma2 semaphore(%run_scoped3A : memref<!tpu.dma_semaphore, #tpu.memory_space<semaphore_mem>>) src(%arg17 : memref<80x64xf32, #tpu.memory_space<vmem>>) dst(%dma_wait3A_225 : memref<80x64xf32, #tpu.memory_space<hbm>>)
        tpu.yield
      }) : () -> ()
      %add3A_207 = arith.constant 400 : i32
      %add3A_208 = arith.addi %mul3A_2, %add3A_207 : i32
      "tpu.region"() ({
        %run_scoped3A = tpu.sem_alloc : memref<!tpu.dma_semaphore, #tpu.memory_space<semaphore_mem>>
        %dma_start3A_214 = arith.constant 0 : i32
        %dma_start3A_215 = tpu.memref_slice %arg18[%add3A_208, %dma_start3A_214] : memref<10240x64xf32, #tpu.memory_space<vmem_shared>> -> memref<80x64xf32, #tpu.memory_space<vmem_shared>>
        %dma_start3A_216 = arith.constant 0 : i32
        %dma_start3A_217 = tpu.memref_slice %arg18[%add3A_208, %dma_start3A_216] : memref<10240x64xf32, #tpu.memory_space<vmem_shared>> -> memref<80x64xf32, #tpu.memory_space<vmem_shared>>
        tpu.enqueue_dma source(%dma_start3A_217 : memref<80x64xf32, #tpu.memory_space<vmem_shared>>) target(%arg17 : memref<80x64xf32, #tpu.memory_space<vmem>>) target_semaphore(%run_scoped3A : memref<!tpu.dma_semaphore, #tpu.memory_space<semaphore_mem>>)
        %dma_wait3A_218 = arith.constant 0 : i32
        %dma_wait3A_219 = tpu.memref_slice %arg18[%add3A_208, %dma_wait3A_218] : memref<10240x64xf32, #tpu.memory_space<vmem_shared>> -> memref<80x64xf32, #tpu.memory_space<vmem_shared>>
        %dma_wait3A_220 = arith.constant 0 : i32
        %dma_wait3A_221 = tpu.memref_slice %arg18[%add3A_208, %dma_wait3A_220] : memref<10240x64xf32, #tpu.memory_space<vmem_shared>> -> memref<80x64xf32, #tpu.memory_space<vmem_shared>>
        tpu.wait_dma2 semaphore(%run_scoped3A : memref<!tpu.dma_semaphore, #tpu.memory_space<semaphore_mem>>) src(%dma_wait3A_221 : memref<80x64xf32, #tpu.memory_space<vmem_shared>>) dst(%arg17 : memref<80x64xf32, #tpu.memory_space<vmem>>)
        tpu.yield
      }) : () -> ()
      "tpu.region"() ({
        %run_scoped3A = tpu.sem_alloc : memref<!tpu.dma_semaphore, #tpu.memory_space<semaphore_mem>>
        %dma_start3A_214 = arith.constant 0 : i32
        %dma_start3A_215 = tpu.memref_slice %arg8[%arg0, %add3A_208, %dma_start3A_214] : memref<2x10240x64xf32, #tpu.memory_space<hbm>> -> memref<1x80x64xf32, #tpu.memory_space<hbm>>
        %dma_start3A_216 = tpu.memref_squeeze %dma_start3A_215 : memref<1x80x64xf32, #tpu.memory_space<hbm>> -> memref<80x64xf32, #tpu.memory_space<hbm>>
        %dma_start3A_217 = arith.constant 0 : i32
        %dma_start3A_218 = tpu.memref_slice %arg8[%arg0, %add3A_208, %dma_start3A_217] : memref<2x10240x64xf32, #tpu.memory_space<hbm>> -> memref<1x80x64xf32, #tpu.memory_space<hbm>>
        %dma_start3A_219 = tpu.memref_squeeze %dma_start3A_218 : memref<1x80x64xf32, #tpu.memory_space<hbm>> -> memref<80x64xf32, #tpu.memory_space<hbm>>
        tpu.enqueue_dma source(%arg17 : memref<80x64xf32, #tpu.memory_space<vmem>>) target(%dma_start3A_219 : memref<80x64xf32, #tpu.memory_space<hbm>>) target_semaphore(%run_scoped3A : memref<!tpu.dma_semaphore, #tpu.memory_space<semaphore_mem>>)
        %dma_wait3A_220 = arith.constant 0 : i32
        %dma_wait3A_221 = tpu.memref_slice %arg8[%arg0, %add3A_208, %dma_wait3A_220] : memref<2x10240x64xf32, #tpu.memory_space<hbm>> -> memref<1x80x64xf32, #tpu.memory_space<hbm>>
        %dma_wait3A_222 = tpu.memref_squeeze %dma_wait3A_221 : memref<1x80x64xf32, #tpu.memory_space<hbm>> -> memref<80x64xf32, #tpu.memory_space<hbm>>
        %dma_wait3A_223 = arith.constant 0 : i32
        %dma_wait3A_224 = tpu.memref_slice %arg8[%arg0, %add3A_208, %dma_wait3A_223] : memref<2x10240x64xf32, #tpu.memory_space<hbm>> -> memref<1x80x64xf32, #tpu.memory_space<hbm>>
        %dma_wait3A_225 = tpu.memref_squeeze %dma_wait3A_224 : memref<1x80x64xf32, #tpu.memory_space<hbm>> -> memref<80x64xf32, #tpu.memory_space<hbm>>
        tpu.wait_dma2 semaphore(%run_scoped3A : memref<!tpu.dma_semaphore, #tpu.memory_space<semaphore_mem>>) src(%arg17 : memref<80x64xf32, #tpu.memory_space<vmem>>) dst(%dma_wait3A_225 : memref<80x64xf32, #tpu.memory_space<hbm>>)
        tpu.yield
      }) : () -> ()
      %add3A_209 = arith.constant 480 : i32
      %add3A_210 = arith.addi %mul3A_2, %add3A_209 : i32
      "tpu.region"() ({
        %run_scoped3A = tpu.sem_alloc : memref<!tpu.dma_semaphore, #tpu.memory_space<semaphore_mem>>
        %dma_start3A_214 = arith.constant 0 : i32
        %dma_start3A_215 = tpu.memref_slice %arg18[%add3A_210, %dma_start3A_214] : memref<10240x64xf32, #tpu.memory_space<vmem_shared>> -> memref<80x64xf32, #tpu.memory_space<vmem_shared>>
        %dma_start3A_216 = arith.constant 0 : i32
        %dma_start3A_217 = tpu.memref_slice %arg18[%add3A_210, %dma_start3A_216] : memref<10240x64xf32, #tpu.memory_space<vmem_shared>> -> memref<80x64xf32, #tpu.memory_space<vmem_shared>>
        tpu.enqueue_dma source(%dma_start3A_217 : memref<80x64xf32, #tpu.memory_space<vmem_shared>>) target(%arg17 : memref<80x64xf32, #tpu.memory_space<vmem>>) target_semaphore(%run_scoped3A : memref<!tpu.dma_semaphore, #tpu.memory_space<semaphore_mem>>)
        %dma_wait3A_218 = arith.constant 0 : i32
        %dma_wait3A_219 = tpu.memref_slice %arg18[%add3A_210, %dma_wait3A_218] : memref<10240x64xf32, #tpu.memory_space<vmem_shared>> -> memref<80x64xf32, #tpu.memory_space<vmem_shared>>
        %dma_wait3A_220 = arith.constant 0 : i32
        %dma_wait3A_221 = tpu.memref_slice %arg18[%add3A_210, %dma_wait3A_220] : memref<10240x64xf32, #tpu.memory_space<vmem_shared>> -> memref<80x64xf32, #tpu.memory_space<vmem_shared>>
        tpu.wait_dma2 semaphore(%run_scoped3A : memref<!tpu.dma_semaphore, #tpu.memory_space<semaphore_mem>>) src(%dma_wait3A_221 : memref<80x64xf32, #tpu.memory_space<vmem_shared>>) dst(%arg17 : memref<80x64xf32, #tpu.memory_space<vmem>>)
        tpu.yield
      }) : () -> ()
      "tpu.region"() ({
        %run_scoped3A = tpu.sem_alloc : memref<!tpu.dma_semaphore, #tpu.memory_space<semaphore_mem>>
        %dma_start3A_214 = arith.constant 0 : i32
        %dma_start3A_215 = tpu.memref_slice %arg8[%arg0, %add3A_210, %dma_start3A_214] : memref<2x10240x64xf32, #tpu.memory_space<hbm>> -> memref<1x80x64xf32, #tpu.memory_space<hbm>>
        %dma_start3A_216 = tpu.memref_squeeze %dma_start3A_215 : memref<1x80x64xf32, #tpu.memory_space<hbm>> -> memref<80x64xf32, #tpu.memory_space<hbm>>
        %dma_start3A_217 = arith.constant 0 : i32
        %dma_start3A_218 = tpu.memref_slice %arg8[%arg0, %add3A_210, %dma_start3A_217] : memref<2x10240x64xf32, #tpu.memory_space<hbm>> -> memref<1x80x64xf32, #tpu.memory_space<hbm>>
        %dma_start3A_219 = tpu.memref_squeeze %dma_start3A_218 : memref<1x80x64xf32, #tpu.memory_space<hbm>> -> memref<80x64xf32, #tpu.memory_space<hbm>>
        tpu.enqueue_dma source(%arg17 : memref<80x64xf32, #tpu.memory_space<vmem>>) target(%dma_start3A_219 : memref<80x64xf32, #tpu.memory_space<hbm>>) target_semaphore(%run_scoped3A : memref<!tpu.dma_semaphore, #tpu.memory_space<semaphore_mem>>)
        %dma_wait3A_220 = arith.constant 0 : i32
        %dma_wait3A_221 = tpu.memref_slice %arg8[%arg0, %add3A_210, %dma_wait3A_220] : memref<2x10240x64xf32, #tpu.memory_space<hbm>> -> memref<1x80x64xf32, #tpu.memory_space<hbm>>
        %dma_wait3A_222 = tpu.memref_squeeze %dma_wait3A_221 : memref<1x80x64xf32, #tpu.memory_space<hbm>> -> memref<80x64xf32, #tpu.memory_space<hbm>>
        %dma_wait3A_223 = arith.constant 0 : i32
        %dma_wait3A_224 = tpu.memref_slice %arg8[%arg0, %add3A_210, %dma_wait3A_223] : memref<2x10240x64xf32, #tpu.memory_space<hbm>> -> memref<1x80x64xf32, #tpu.memory_space<hbm>>
        %dma_wait3A_225 = tpu.memref_squeeze %dma_wait3A_224 : memref<1x80x64xf32, #tpu.memory_space<hbm>> -> memref<80x64xf32, #tpu.memory_space<hbm>>
        tpu.wait_dma2 semaphore(%run_scoped3A : memref<!tpu.dma_semaphore, #tpu.memory_space<semaphore_mem>>) src(%arg17 : memref<80x64xf32, #tpu.memory_space<vmem>>) dst(%dma_wait3A_225 : memref<80x64xf32, #tpu.memory_space<hbm>>)
        tpu.yield
      }) : () -> ()
      %add3A_211 = arith.constant 560 : i32
      %add3A_212 = arith.addi %mul3A_2, %add3A_211 : i32
      "tpu.region"() ({
        %run_scoped3A = tpu.sem_alloc : memref<!tpu.dma_semaphore, #tpu.memory_space<semaphore_mem>>
        %dma_start3A_214 = arith.constant 0 : i32
        %dma_start3A_215 = tpu.memref_slice %arg18[%add3A_212, %dma_start3A_214] : memref<10240x64xf32, #tpu.memory_space<vmem_shared>> -> memref<80x64xf32, #tpu.memory_space<vmem_shared>>
        %dma_start3A_216 = arith.constant 0 : i32
        %dma_start3A_217 = tpu.memref_slice %arg18[%add3A_212, %dma_start3A_216] : memref<10240x64xf32, #tpu.memory_space<vmem_shared>> -> memref<80x64xf32, #tpu.memory_space<vmem_shared>>
        tpu.enqueue_dma source(%dma_start3A_217 : memref<80x64xf32, #tpu.memory_space<vmem_shared>>) target(%arg17 : memref<80x64xf32, #tpu.memory_space<vmem>>) target_semaphore(%run_scoped3A : memref<!tpu.dma_semaphore, #tpu.memory_space<semaphore_mem>>)
        %dma_wait3A_218 = arith.constant 0 : i32
        %dma_wait3A_219 = tpu.memref_slice %arg18[%add3A_212, %dma_wait3A_218] : memref<10240x64xf32, #tpu.memory_space<vmem_shared>> -> memref<80x64xf32, #tpu.memory_space<vmem_shared>>
        %dma_wait3A_220 = arith.constant 0 : i32
        %dma_wait3A_221 = tpu.memref_slice %arg18[%add3A_212, %dma_wait3A_220] : memref<10240x64xf32, #tpu.memory_space<vmem_shared>> -> memref<80x64xf32, #tpu.memory_space<vmem_shared>>
        tpu.wait_dma2 semaphore(%run_scoped3A : memref<!tpu.dma_semaphore, #tpu.memory_space<semaphore_mem>>) src(%dma_wait3A_221 : memref<80x64xf32, #tpu.memory_space<vmem_shared>>) dst(%arg17 : memref<80x64xf32, #tpu.memory_space<vmem>>)
        tpu.yield
      }) : () -> ()
      "tpu.region"() ({
        %run_scoped3A = tpu.sem_alloc : memref<!tpu.dma_semaphore, #tpu.memory_space<semaphore_mem>>
        %dma_start3A_214 = arith.constant 0 : i32
        %dma_start3A_215 = tpu.memref_slice %arg8[%arg0, %add3A_212, %dma_start3A_214] : memref<2x10240x64xf32, #tpu.memory_space<hbm>> -> memref<1x80x64xf32, #tpu.memory_space<hbm>>
        %dma_start3A_216 = tpu.memref_squeeze %dma_start3A_215 : memref<1x80x64xf32, #tpu.memory_space<hbm>> -> memref<80x64xf32, #tpu.memory_space<hbm>>
        %dma_start3A_217 = arith.constant 0 : i32
        %dma_start3A_218 = tpu.memref_slice %arg8[%arg0, %add3A_212, %dma_start3A_217] : memref<2x10240x64xf32, #tpu.memory_space<hbm>> -> memref<1x80x64xf32, #tpu.memory_space<hbm>>
        %dma_start3A_219 = tpu.memref_squeeze %dma_start3A_218 : memref<1x80x64xf32, #tpu.memory_space<hbm>> -> memref<80x64xf32, #tpu.memory_space<hbm>>
        tpu.enqueue_dma source(%arg17 : memref<80x64xf32, #tpu.memory_space<vmem>>) target(%dma_start3A_219 : memref<80x64xf32, #tpu.memory_space<hbm>>) target_semaphore(%run_scoped3A : memref<!tpu.dma_semaphore, #tpu.memory_space<semaphore_mem>>)
        %dma_wait3A_220 = arith.constant 0 : i32
        %dma_wait3A_221 = tpu.memref_slice %arg8[%arg0, %add3A_212, %dma_wait3A_220] : memref<2x10240x64xf32, #tpu.memory_space<hbm>> -> memref<1x80x64xf32, #tpu.memory_space<hbm>>
        %dma_wait3A_222 = tpu.memref_squeeze %dma_wait3A_221 : memref<1x80x64xf32, #tpu.memory_space<hbm>> -> memref<80x64xf32, #tpu.memory_space<hbm>>
        %dma_wait3A_223 = arith.constant 0 : i32
        %dma_wait3A_224 = tpu.memref_slice %arg8[%arg0, %add3A_212, %dma_wait3A_223] : memref<2x10240x64xf32, #tpu.memory_space<hbm>> -> memref<1x80x64xf32, #tpu.memory_space<hbm>>
        %dma_wait3A_225 = tpu.memref_squeeze %dma_wait3A_224 : memref<1x80x64xf32, #tpu.memory_space<hbm>> -> memref<80x64xf32, #tpu.memory_space<hbm>>
        tpu.wait_dma2 semaphore(%run_scoped3A : memref<!tpu.dma_semaphore, #tpu.memory_space<semaphore_mem>>) src(%arg17 : memref<80x64xf32, #tpu.memory_space<vmem>>) dst(%dma_wait3A_225 : memref<80x64xf32, #tpu.memory_space<hbm>>)
        tpu.yield
      }) : () -> ()
      %barrier3A_213 = arith.constant 0 : index
      tpu.barrier barrier_id(%barrier3A_213)
    } else {
    }
    return
  }
}

module attributes {stable_mosaic.version = 14 : i64} {
  func.func @_combine_body(%arg0: i32, %arg1: memref<2x1024x64xf32, #tpu.memory_space<vmem>>, %arg2: memref<32x1024xf32, #tpu.memory_space<vmem>>, %arg3: memref<1024x128xf32, #tpu.memory_space<vmem>>, %arg4: memref<128x128xf32, #tpu.memory_space<vmem>>, %arg5: memref<1x128xf32, #tpu.memory_space<vmem>>, %arg6: memref<128x128xf32, #tpu.memory_space<vmem>>, %arg7: memref<1024x128xf32, #tpu.memory_space<vmem>>) attributes {dimension_semantics = [#tpu.dimension_semantics<arbitrary>], iteration_bounds = array<i64: 10>, scalar_prefetch = 0 : i64, scratch_operands = 0 : i64, tpu.core_type = #tpu.core_type<tc>, window_params = [{transform_indices = @transform_0, window_bounds = array<i64: 2, 1024, 64>}, {transform_indices = @transform_1, window_bounds = array<i64: 32, 1024>}, {transform_indices = @transform_2, window_bounds = array<i64: 1024, 128>}, {pipeline_mode = #tpu.pipeline_mode<synchronous>, transform_indices = @transform_3, window_bounds = array<i64: 128, 128>}, {pipeline_mode = #tpu.pipeline_mode<synchronous>, transform_indices = @transform_4, window_bounds = array<i64: 1, 128>}, {pipeline_mode = #tpu.pipeline_mode<synchronous>, transform_indices = @transform_5, window_bounds = array<i64: 128, 128>}, {transform_indices = @transform_6, window_bounds = array<i64: 1024, 128>}]} {
    %get3A = arith.constant 0 : index
    %get3A_0 = arith.constant 0 : index
    %get3A_1 = vector.load %arg2[%get3A, %get3A_0] : memref<32x1024xf32, #tpu.memory_space<vmem>>, vector<32x1024xf32>
    %reduce_sum3A = arith.constant dense<0.000000e+00> : vector<1024xf32>
    %reduce_sum3A_2 = vector.multi_reduction <add>, %get3A_1, %reduce_sum3A [0] : vector<32x1024xf32> to vector<1024xf32>
    %max3A = arith.constant 1.000000e+00 : f32
    %max3A_3 = vector.broadcast %max3A : f32 to vector<1024xf32>
    %max3A_4 = arith.maximumf %reduce_sum3A_2, %max3A_3 : vector<1024xf32>
    %div3A = arith.constant 1.000000e+00 : f32
    %div3A_5 = vector.broadcast %div3A : f32 to vector<1024xf32>
    %div3A_6 = arith.divf %div3A_5, %max3A_4 : vector<1024xf32>
    %broadcast_in_dim3A = vector.shape_cast %div3A_6 : vector<1024xf32> to vector<1024x1xf32>
    %get3A_7 = arith.constant 0 : index
    %get3A_8 = arith.constant 0 : index
    %get3A_9 = arith.constant 0 : index
    %get3A_10 = vector.load %arg1[%get3A_7, %get3A_8, %get3A_9] : memref<2x1024x64xf32, #tpu.memory_space<vmem>>, vector<1x1024x64xf32>
    %get3A_11 = vector.shape_cast %get3A_10 : vector<1x1024x64xf32> to vector<1024x64xf32>
    %mul3A = vector.broadcast %broadcast_in_dim3A : vector<1024x1xf32> to vector<1024x64xf32>
    %mul3A_12 = arith.mulf %get3A_11, %mul3A : vector<1024x64xf32>
    %get3A_13 = arith.constant 1 : index
    %get3A_14 = arith.constant 0 : index
    %get3A_15 = arith.constant 0 : index
    %get3A_16 = vector.load %arg1[%get3A_13, %get3A_14, %get3A_15] : memref<2x1024x64xf32, #tpu.memory_space<vmem>>, vector<1x1024x64xf32>
    %get3A_17 = vector.shape_cast %get3A_16 : vector<1x1024x64xf32> to vector<1024x64xf32>
    %mul3A_18 = vector.broadcast %broadcast_in_dim3A : vector<1024x1xf32> to vector<1024x64xf32>
    %mul3A_19 = arith.mulf %get3A_17, %mul3A_18 : vector<1024x64xf32>
    %get3A_20 = arith.constant 0 : index
    %get3A_21 = arith.constant 0 : index
    %get3A_22 = vector.load %arg4[%get3A_20, %get3A_21] : memref<128x128xf32, #tpu.memory_space<vmem>>, vector<128x128xf32>
    %slice3A = vector.extract_strided_slice %get3A_22 {offsets = [0, 0], sizes = [128, 64], strides = [1, 1]} : vector<128x128xf32> to vector<128x64xf32>
    %dot_general3A = arith.constant dense<0.000000e+00> : vector<1024x128xf32>
    %dot_general3A_23 = tpu.matmul %mul3A_12, %slice3A, %dot_general3A {dimension_numbers = #tpu.dot_dimension_numbers<[1], [1], [0], [0], [0, 0, 1, 0], [], []>, transpose_lhs_hint = false} : vector<1024x64xf32>, vector<128x64xf32>, vector<1024x128xf32> -> vector<1024x128xf32>
    %slice3A_24 = vector.extract_strided_slice %get3A_22 {offsets = [0, 64], sizes = [128, 64], strides = [1, 1]} : vector<128x128xf32> to vector<128x64xf32>
    %dot_general3A_25 = arith.constant dense<0.000000e+00> : vector<1024x128xf32>
    %dot_general3A_26 = tpu.matmul %mul3A_19, %slice3A_24, %dot_general3A_25 {dimension_numbers = #tpu.dot_dimension_numbers<[1], [1], [0], [0], [0, 0, 1, 0], [], []>, transpose_lhs_hint = false} : vector<1024x64xf32>, vector<128x64xf32>, vector<1024x128xf32> -> vector<1024x128xf32>
    %add3A = arith.addf %dot_general3A_23, %dot_general3A_26 : vector<1024x128xf32>
    %get3A_27 = arith.constant 0 : index
    %get3A_28 = arith.constant 0 : index
    %get3A_29 = vector.load %arg3[%get3A_27, %get3A_28] : memref<1024x128xf32, #tpu.memory_space<vmem>>, vector<1024x128xf32>
    %get3A_30 = arith.constant 0 : index
    %get3A_31 = arith.constant 0 : index
    %get3A_32 = vector.load %arg6[%get3A_30, %get3A_31] : memref<128x128xf32, #tpu.memory_space<vmem>>, vector<128x128xf32>
    %dot_general3A_33 = arith.constant dense<0.000000e+00> : vector<1024x128xf32>
    %dot_general3A_34 = tpu.matmul %get3A_29, %get3A_32, %dot_general3A_33 {dimension_numbers = #tpu.dot_dimension_numbers<[1], [1], [0], [0], [0, 0, 1, 0], [], []>, transpose_lhs_hint = false} : vector<1024x128xf32>, vector<128x128xf32>, vector<1024x128xf32> -> vector<1024x128xf32>
    %add3A_35 = arith.addf %add3A, %dot_general3A_34 : vector<1024x128xf32>
    %get3A_36 = arith.constant 0 : index
    %get3A_37 = arith.constant 0 : index
    %get3A_38 = vector.load %arg5[%get3A_36, %get3A_37] : memref<1x128xf32, #tpu.memory_space<vmem>>, vector<1x128xf32>
    %add3A_39 = vector.broadcast %get3A_38 : vector<1x128xf32> to vector<1024x128xf32>
    %add3A_40 = arith.addf %add3A_35, %add3A_39 : vector<1024x128xf32>
    %swap3A = arith.constant 0 : index
    %swap3A_41 = arith.constant 0 : index
    %swap3A_42 = vector.load %arg7[%swap3A, %swap3A_41] : memref<1024x128xf32, #tpu.memory_space<vmem>>, vector<1024x128xf32>
    tpu.vector_store %arg7[%swap3A, %swap3A_41], %add3A_40 {strides = array<i32>} : memref<1024x128xf32, #tpu.memory_space<vmem>>, vector<1024x128xf32>,
    return
  }
  func.func @transform_0(%arg0: i32) -> (i32, i32, i32) {
    %c0_i32 = arith.constant 0 : i32
    %c0_i32_0 = arith.constant 0 : i32
    %c0_i32_1 = arith.constant 0 : i32
    return %c0_i32, %arg0, %c0_i32_0 : i32, i32, i32
  }
  func.func @transform_1(%arg0: i32) -> (i32, i32) {
    %c0_i32 = arith.constant 0 : i32
    %c0_i32_0 = arith.constant 0 : i32
    return %c0_i32, %arg0 : i32, i32
  }
  func.func @transform_2(%arg0: i32) -> (i32, i32) {
    %c0_i32 = arith.constant 0 : i32
    %c0_i32_0 = arith.constant 0 : i32
    return %arg0, %c0_i32 : i32, i32
  }
  func.func @transform_3(%arg0: i32) -> (i32, i32) {
    %c0_i32 = arith.constant 0 : i32
    %c0_i32_0 = arith.constant 0 : i32
    %c0_i32_1 = arith.constant 0 : i32
    return %c0_i32, %c0_i32_0 : i32, i32
  }
  func.func @transform_4(%arg0: i32) -> (i32, i32) {
    %c0_i32 = arith.constant 0 : i32
    %c0_i32_0 = arith.constant 0 : i32
    %c0_i32_1 = arith.constant 0 : i32
    return %c0_i32, %c0_i32_0 : i32, i32
  }
  func.func @transform_5(%arg0: i32) -> (i32, i32) {
    %c0_i32 = arith.constant 0 : i32
    %c0_i32_0 = arith.constant 0 : i32
    %c0_i32_1 = arith.constant 0 : i32
    return %c0_i32, %c0_i32_0 : i32, i32
  }
  func.func @transform_6(%arg0: i32) -> (i32, i32) {
    %c0_i32 = arith.constant 0 : i32
    %c0_i32_0 = arith.constant 0 : i32
    return %arg0, %c0_i32 : i32, i32
  }
}

</mosaic_0001>

<sc_bundles>
// kernel: kernel.4.cloned.1.call-start
scs
__scs_entry_jumppad:
0x0: {  	(pc) =	sbr.rel $0x88, $3  }
0x1: {  	(tag) =	ssettag $0x0;
	lr =	simm.s32 $0x1  }
0x2: {  	[smem:$0x3F9C] =	sst lr;
	_ =	strace $0xD0000000  }
0x3: {  	_ = 	snop  }
0x4: {  	_ = 	snop  }
0x5: {  	_ = 	snop  }
0x6: {  	_ = 	snop  }
0x7: {  	_ = 	snop  }
__scs_overlays_trampoline_lowered:
0x8: {  	[smem:$0x3FAB] =	sst s0  }
0x9: {  	[smem:$0x3FAC] =	sst s1  }
0xa: {  	[smem:$0x3FAD] =	sst s2  }
0xb: {  	[smem:$0x3FAE] =	sst s3  }
0xc: {  	[smem:$0x3FAF] =	sst s4  }
0xd: {  	[smem:$0x3FB0] =	sst s5  }
0xe: {  	[smem:$0x3FB1] =	sst s6  }
0xf: {  	[smem:$0x3FB2] =	sst s7  }
0x10: {  	[smem:$0x3FB3] =	sst s8  }
0x11: {  	[smem:$0x3FB4] =	sst s9;
	s0 =	simm.s32 @!p0 $0x0  }
0x12: {  	s1 =	sld [smem:$0x3F9A];
	s0 =	simm.s32 @p0 $0x1  }
0x13: {  	[smem:$0x3FB5] =	sst s0;
	s0 =	simm.s32 @!p1 $0x0  }
0x14: {  	s2 =	sld [smem:$0x3F99];
	s0 =	simm.s32 @p1 $0x1  }
0x15: {  	[smem:$0x3FB6] =	sst s0;
	s0 =	simm.s32 @!p2 $0x0  }
0x16: {  	s3 =	sld [smem:$0x3FDB];
	s0 =	simm.s32 @p2 $0x1  }
0x17: {  	s4 =	simm.s32 $0x1BF5;
	[smem:$0x3FB8] =	sst s0  }
0x18: {  	s0 =	sld [smem:$0x3F9B];
	_ =	swait.ge [sflag:s4], $0x0  }
0x19: {  	s7 =	sld [smem:$0x3F9C]  }
0x1a: {  	s8 =	sadd.s32 $0xFFFFE003, lr  }
0x1b: {  	s9 =	sadd.s32 $0xFFFFFEF7, lr;
	s5 =	simm.s32 $0xFFFFFFFF;
	p2 =	slt.u32 s8, $0xFFFFF086  }
0x1c: {  	p1 =	slt.u32 s9, $0xF7A;
	s5 =	simm.s32 @!p2 $0x0  }
0x1d: {  	s5 =	simm.s32 @p1 $0x1;
	p0 =	seq.s32 s7, s2  }
0x1e: {  	s7 =	smul.u32 @!p0 $0xF7A, s2;
	p2 =	seq.s32 @!p0 s5, $0x0  }
0x1f: {  	s9 =	smul.u32 $0xF7A, s1;
	s8 =	simm.s32 @!p0 $0x1BF5;
	p2 =	por !p2, p0  }
0x20: {  	[sflag:s8] =	ssyncset.s32 @!p0 $0xFFFFF086;
	s6 =	sadd.s32 @!p0 s3, s7;
	s7 =	simm.s32 @!p0 $0x108  }
0x21: {  	s3 =	sadd.s32 s3, s9;
	s6 =	sadd.s32 @!p0 $0x88, s6;
	s7 =	simm.s32 @p2 $0x1082  }
0x22: {  	[simem:s7], [sflag:s8] =	dma.local @!p0 [hbm:s6], $0xF7A  }
0x23: {  	s9 =	sor.u32 $0xD0000000, s2;
	s6 =	simm.s32 $0x108;
	_ =	swait.ge @!p0 [sflag:s8], $0x0  }
0x24: {  	s3 =	sadd.s32 $0x88, s3;
	s6 =	simm.s32 @!p1 $0x1082;
	[sflag:s4] =	ssyncset.s32 $0xFFFFF086  }
0x25: {  	[simem:s6], [sflag:s4] =	dma.local [hbm:s3], $0xF7A  }
0x26: {  	[smem:$0x3F9C] =	sst s1;
	(tag) =	ssettag s2;
	_ =	strace s9  }
0x27: {  	s1 =	sld [smem:$0x3FAC]  }
0x28: {  	s2 =	sld [smem:$0x3FAD]  }
0x29: {  	s4 =	sld [smem:$0x3FAF]  }
0x2a: {  	p0 =	seq.s32 s5, $0x0;
	s5 =	sld [smem:$0x3FB0]  }
0x2b: {  	s6 =	sld [smem:$0x3FB1]  }
0x2c: {  	s7 =	sld [smem:$0x3FB2]  }
0x2d: {  	s3 =	simm.s32 $0x108;
	s8 =	sld [smem:$0x3FB3]  }
0x2e: {  	s3 =	simm.s32 @!p0 $0x1082;
	s9 =	sld [smem:$0x3FB4]  }
0x2f: {  	lr =	sadd.s32 s0, s3;
	s0 =	sld [smem:$0x3FAB]  }
0x30: {  	s3 =	sld [smem:$0x3FAE]  }
0x31: {  	[smem:$0x3FB7] =	sst s10  }
0x32: {  	s10 =	sld [smem:$0x3FB5];
	_ =	sdelay $0x3  }
0x33: {  	p0 =	seq.s32 s10, $0x1;
	s10 =	sld [smem:$0x3FB7];
	_ =	sdelay $0x3  }
0x34: {  	[smem:$0x3FB7] =	sst s10  }
0x35: {  	s10 =	sld [smem:$0x3FB6];
	_ =	sdelay $0x3  }
0x36: {  	p1 =	seq.s32 s10, $0x1;
	s10 =	sld [smem:$0x3FB7];
	_ =	sdelay $0x3  }
0x37: {  	[smem:$0x3FB7] =	sst s10  }
0x38: {  	s10 =	sld [smem:$0x3FB8]  }
0x39: {  	_ = 	snop;
	(pc) =	sbr.ind lr, $3  }
0x3a: {  	_ = 	snop  }
0x3b: {  	_ = 	snop  }
0x3c: {  	p2 =	seq.s32 s10, $0x1;
	s10 =	sld [smem:$0x3FB7]  }
0x3d: {  	_ =	shalt  }
0x3e: {  	_ =	shalt  }
0x3f: {  	_ =	shalt  }
0x40: {  	_ =	shalt  }
0x41: {  	_ =	shalt  }
0x42: {  	_ =	shalt  }
0x43: {  	_ =	shalt  }
0x44: {  	_ =	shalt  }
0x45: {  	_ =	shalt  }
0x46: {  	_ =	shalt  }
0x47: {  	_ =	shalt  }
0x48: {  	_ =	shalt  }
0x49: {  	_ =	shalt  }
0x4a: {  	_ =	shalt  }
0x4b: {  	_ =	shalt  }
0x4c: {  	_ =	shalt  }
0x4d: {  	_ =	shalt  }
0x4e: {  	_ =	shalt  }
0x4f: {  	_ =	shalt  }
0x50: {  	_ =	shalt  }
0x51: {  	_ =	shalt  }
0x52: {  	_ =	shalt  }
0x53: {  	_ =	shalt  }
0x54: {  	_ =	shalt  }
0x55: {  	_ =	shalt  }
0x56: {  	_ =	shalt  }
0x57: {  	_ =	shalt  }
0x58: {  	_ =	shalt  }
0x59: {  	_ =	shalt  }
0x5a: {  	_ =	shalt  }
0x5b: {  	_ =	shalt  }
0x5c: {  	_ =	shalt  }
0x5d: {  	_ =	shalt  }
0x5e: {  	_ =	shalt  }
0x5f: {  	_ =	shalt  }
0x60: {  	_ =	shalt  }
0x61: {  	_ =	shalt  }
0x62: {  	_ =	shalt  }
0x63: {  	_ =	shalt  }
0x64: {  	_ =	shalt  }
0x65: {  	_ =	shalt  }
0x66: {  	_ =	shalt  }
0x67: {  	_ =	shalt  }
0x68: {  	_ =	shalt  }
0x69: {  	_ =	shalt  }
0x6a: {  	_ =	shalt  }
0x6b: {  	_ =	shalt  }
0x6c: {  	_ =	shalt  }
0x6d: {  	_ =	shalt  }
0x6e: {  	_ =	shalt  }
0x6f: {  	_ =	shalt  }
0x70: {  	_ =	shalt  }
0x71: {  	_ =	shalt  }
0x72: {  	_ =	shalt  }
0x73: {  	_ =	shalt  }
0x74: {  	_ =	shalt  }
0x75: {  	_ =	shalt  }
0x76: {  	_ =	shalt  }
0x77: {  	_ =	shalt  }
0x78: {  	_ =	shalt  }
0x79: {  	_ =	shalt  }
0x7a: {  	_ =	shalt  }
0x7b: {  	_ =	shalt  }
0x7c: {  	_ =	shalt  }
0x7d: {  	_ =	shalt  }
0x7e: {  	_ =	shalt  }
0x7f: {  	_ =	shalt  }
0x80: {  	_ =	shalt  }
0x81: {  	_ =	shalt  }
0x82: {  	_ =	shalt  }
0x83: {  	_ =	shalt  }
0x84: {  	_ =	shalt  }
0x85: {  	_ =	shalt  }
0x86: {  	_ =	shalt  }
0x87: {  	_ =	shalt  }
.Lfunc_end0:
.L_simem_size_0:
called_computation_lowered:
.L_overlay_start_0:
0x88: {  	s2 =	sld [smem:$0x3FD9]  }
0x89: {  	s3 =	sld [smem:$0x3FFE];
	_ =	sdelay $0x1  }
0x8a: {  	s1 =	srdreg.scid  }
0x8b: {  	s0 =	sand.u32 $0x1, s1  }
0x8c: {  	s17 =	sshll.u32 s0, $0xA;
	s2 =	sadd.s32 s3, s2  }
0x8d: {  	s2 =	sadd.s32 s2, s17  }
0x8e: {  	[smem:$0x3FC3] =	sst s2  }
0x8f: {  	_ = 	snop  }
0x90: {  	s2 =	sld [smem:$0x3FD0];
	(tm) =	ssettm $0x1  }
0x91: {  	s18 =	sld [smem:$0x3FFB];
	_ =	sdelay $0x3  }
0x92: {  	_ =	strace s18  }
0x93: {  	s3 =	sld [smem:$0x3FFC];
	_ =	sdelay $0x3  }
0x94: {  	_ =	strace s3  }
0x95: {  	s3 =	sld [smem:$0x3FFD];
	_ =	sdelay $0x3  }
0x96: {  	_ =	strace s3  }
0x97: {  	_ =	strace $0x8FFFFFFF  }
0x98: {  	s19 =	sld [smem:$0x3FDB];
	_ =	sdelay $0x1  }
0x99: {  	s4 =	simm.s32 $_scs_section_size  }
0x9a: {  	s5 =	simm.s32 $_size__tile_overlayer_lowered;
	s6 =	simm.s32 $_tile_overlayer_lowered  }
0x9b: {  	s22 =	simm.s32 $0x1BFF;
	s21 =	sshll.u32 s6, $0x1;
	s3 =	sadd.s32 s4, s19  }
0x9c: {  	s7 =	simm.s32 $0x0;
	s20 =	sshll.u32 s5, $0x1;
	s5 =	sadd.s32 s21, s3  }
0x9d: {  	[timem:s7], [sflag:s22] =	dma.local [hbm:s5], s20  }
0x9e: {  	_ =	swait.ge [sflag:s22], s20  }
0x9f: {  	s4 =	ssub.s32 $0x0, s20;
	[sflag:s22] =	ssyncset.done $0x0  }
0xa0: {  	[sflag:s22] =	ssyncadd.s32 s4;
	_ =	sdelay $0x1  }
0xa1: {  	s23 =	simm.s32 $0x1B8B  }
0xa2: {  	_ =	swait.ge [sflag:s23], $0x1  }
0xa3: {  	[sflag:s23] =	ssyncset.done $0x0  }
0xa4: {  	s25 =	simm.s32 $0x1B8E;
	s24 =	sld [smem:$0x3FFE];
	[sflag:s23] =	ssyncadd.s32 $0xFFFFFFFF  }
0xa5: {  	s26 =	simm.s32 $execute0_lowered;
	[smem:$0x3FD2] =	sst s25  }
0xa6: {  	s5 =	sshll.u32 s26, $0x1;
	_ =	strace $0x80000046;
	[dreg:$0x1] =	wrdreg $0xFFFFFFFF  }
0xa7: {  	s28 =	simm.s32 $_size_execute0_lowered;
	s3 =	sadd.s32 s3, s5;
	[dreg:$0x0] =	wrdreg $0x0  }
0xa8: {  	s5 =	sshll.u32 s28, $0x1;
	[dreg:$0x2] =	wrdreg s3  }
0xa9: {  	[dreg:$0x3] =	wrdreg s5  }
0xaa: {  	[dreg:$0x4] =	wrdreg $0xC0  }
0xab: {  	_ =	task [dreg:s7], $0x5FFFF  }
0xac: {  	[dreg:$0x1] =	wrdreg $0xFFFFFFFF  }
0xad: {  	[dreg:$0x0] =	wrdreg $0x60  }
0xae: {  	[dreg:$0x2] =	wrdreg s24  }
0xaf: {  	[dreg:$0x3] =	wrdreg s2  }
0xb0: {  	[dreg:$0x4] =	wrdreg $0x158400  }
0xb1: {  	[dreg:$0x5] =	wrdreg $0x9  }
0xb2: {  	_ =	task.clear_ibuf [dreg:s7], $0x6FFFF;
	_ =	strace $0x90000046  }
0xb3: {  	s29 =	simm.s32 $0x9;
	_ =	strace $0x80000048  }
0xb4: {  	_ =	swait.ge [sflag:s29], $0x1  }
0xb5: {  	[sflag:s29] =	ssyncadd.s32 $0xFFFFFFFF  }
0xb6: {  	_ =	strace $0x90000048  }
0xb7: {  	_ =	sfence  }
0xb8: {  	s30 =	sld [smem:$0x0];
	_ =	sdelay $0x2  }
0xb9: {  	s31 =	sshll.u32 s1, $0xD;
	s1 =	sshrl.u32 s1, $0x2  }
0xba: {  	s3 =	sand.u32 $0x4000, s31;
	s1 =	sadd.s32 s1, s30  }
0xbb: {  	s0 =	sor.u32 s3, s0;
	s1 =	sshll.u32 s1, $0x11  }
0xbc: {  	s0 =	sor.u32 s1, s0  }
0xbd: {  	s0 =	sadd.s32 $0x8F2B, s0  }
0xbe: {  	[sflag:s0] =	ssyncadd.remote.s32 $0x1  }
0xbf: {  	_ =	sfence.sel $0xFFFF  }
0xc0: {  	[dreg:$0x0] =	wrdreg $0xFFFFFFFF;
	(pc) =	sbr.abs _section_cstart, $3  }
0xc1: {  	[dreg:$0x1] =	wrdreg $0xFFFFFFFF  }
0xc2: {  	_ =	task.clear_ibuf [dreg:s7], $0x2FFFF;
	_ =	strace $0x9FFFFFFF  }
0xc3: {  	(tm) =	ssettm $0x7FFFFFFF  }
tec
execute0_lowered:
.L_overlay_start_1:
0x0: {  	(tag) =	ssettag $0x1  }
0x1: {  	s0 =	rddreg [dreg:$0x0]  }
0x2: {  	s1 =	rddreg [dreg:$0x1]  }
0x3: {  	s3 =	rddreg [dreg:$0x2];
	s14 =	simm.s32 $0x0;
	s9 =	stileid.u32  }
0x4: {  	[smem:$0x7FF] =	sst s14;
	s2 =	smul.u32 $0x9C4, s9;
	s7 =	sadd.s32 $0x28000, s0  }
0x5: {  	s8 =	sadd.s32 $0x28400, s0;
	_ =	strace $0x80000047;
	[dreg:$0x4] =	wrdreg s7  }
0x6: {  	s19 =	sadd.s32 $0x32A00, s0;
	[dreg:$0x5] =	wrdreg s8;
	s7 =	smul.u32 $0xA000, s9  }
0x7: {  	[dreg:$0x6] =	wrdreg s19;
	s2 =	sadd.s32 s2, s0  }
0x8: {  	s22 =	sadd.s32 $0xA800, s2;
	[dreg:$0x7] =	wrdreg s7  }
0x9: {  	s2 =	sadd.s32 $0xA00, s2;
	[dreg:$0x8] =	wrdreg s22  }
0xa: {  	s23 =	sor.u32 $0x1400, s7;
	[dreg:$0x9] =	wrdreg s2  }
0xb: {  	s24 =	sadd.s32 $0x2800, s7;
	[dreg:$0xb] =	wrdreg s23  }
0xc: {  	s29 =	sadd.s32 $0x3C00, s7;
	[dreg:$0xc] =	wrdreg s24  }
0xd: {  	s30 =	sadd.s32 $0x5000, s7;
	[dreg:$0x10] =	wrdreg s29  }
0xe: {  	s31 =	sadd.s32 $0x6400, s7;
	[dreg:$0x11] =	wrdreg s30  }
0xf: {  	s4 =	srdreg.scid;
	s10 =	sadd.s32 $0x7800, s7;
	[dreg:$0x12] =	wrdreg s31  }
0x10: {  	s4 =	sand.u32 $0x1, s4;
	s12 =	sadd.s32 $0x8C00, s7;
	[dreg:$0x16] =	wrdreg s10  }
0x11: {  	s6 =	sshll.u32 s9, $0x1;
	s25 =	sadd.s32 s7, s3;
	[dreg:$0x18] =	wrdreg s12  }
0x12: {  	s18 =	ssub.s32 $0x2, s4;
	s26 =	sadd.s32 s24, s3;
	[dreg:$0xd] =	wrdreg s25  }
0x13: {  	s20 =	sshrl.u32 s18, $0x1;
	s2 =	sadd.s32 s30, s3;
	[dreg:$0xf] =	wrdreg s26  }
0x14: {  	s21 =	ssub.s32 s18, s20;
	s9 =	sadd.s32 s31, s3;
	[dreg:$0x14] =	wrdreg s2  }
0x15: {  	s11 =	smax.u32 s21, $0x1;
	[dreg:$0x15] =	wrdreg s9  }
0x16: {  	s13 =	sadd.s32 s12, s3;
	[dreg:$0x17] =	wrdreg s11  }
0x17: {  	s15 =	sadd.s32 $0x1400, s25;
	[dreg:$0x1a] =	wrdreg s13  }
0x18: {  	s16 =	sadd.s32 $0x2800, s25;
	[dreg:$0x1b] =	wrdreg s15  }
0x19: {  	s17 =	sadd.s32 $0x3C00, s25;
	[dreg:$0x1c] =	wrdreg s16  }
0x1a: {  	s28 =	simm.s32 $0x8;
	s18 =	sadd.s32 $0x5000, s25;
	[dreg:$0x1d] =	wrdreg s17  }
0x1b: {  	s5 =	sadd.s32 $0x14600, s0;
	s19 =	sadd.s32 $0x6400, s25;
	[dreg:$0x1e] =	wrdreg s18  }
0x1c: {  	s6 =	sor.u32 s4, s6;
	s20 =	sadd.s32 $0x7800, s25;
	[dreg:$0x1f] =	wrdreg s19  }
0x1d: {  	p0 =	seq.s32 s4, $0x1;
	s21 =	sadd.s32 $0x8C00, s25;
	[smem:$0x7F4] =	sst s20  }
0x1e: {  	s6 =	smul.u32 $0x500, s6;
	s22 =	sadd.s32 $0xA0000, s7;
	[smem:$0x7F5] =	sst s21  }
0x1f: {  	s4 =	simm.s32 $0x4E20;
	s24 =	sadd.s32 $0xA2800, s7;
	[smem:$0x7F6] =	sst s22  }
0x20: {  	s0 =	sadd.s32 s6, s0;
	s25 =	sadd.s32 $0xA3C00, s7;
	[smem:$0x7F8] =	sst s24  }
0x21: {  	s30 =	sadd.s32 $0xA7800, s7;
	s31 =	sadd.s32 $0xA8C00, s7;
	[smem:$0x7F9] =	sst s25  }
0x22: {  	s6 =	simm.s32 $0x80;
	s12 =	simm.s32 $0x1;
	[smem:$0x7FC] =	sst s30  }
0x23: {  	s0 =	sadd.s32 $0x28A00, s0;
	s26 =	sadd.s32 $0xA5000, s7;
	[smem:$0x7FD] =	sst s31  }
0x24: {  	s19 =	simm.s32 $0x9;
	s24 =	simm.s32 $0x11C40;
	s11 =	simm.s32 $0xDC40  }
0x25: {  	s9 =	simm.s32 $0xFC40;
	s16 =	simm.s32 $0x2;
	s17 =	simm.s32 $0x5  }
0x26: {  	s25 =	simm.s32 $0x3;
	s21 =	simm.s32 $0x6;
	[dreg:$0xa] =	wrdreg s0  }
0x27: {  	s22 =	simm.s32 $0x4;
	s0 =	sadd.s32 s23, s3;
	[smem:$0x7FA] =	sst s26  }
.Ltmp0:
0x28: {  	s23 =	sadd.s32 $0xA1400, s7;
	[dreg:$0xe] =	wrdreg s0;
	(pc) =	sbr.rel .LBB2_1-.Ltmp0, $4  }
0x29: {  	s20 =	simm.s32 $0x0;
	s0 =	sadd.s32 s29, s3;
	[smem:$0x7F7] =	sst s23  }
0x2a: {  	s26 =	simm.s32 $0x14440;
	s29 =	sadd.s32 $0xA6400, s7;
	[dreg:$0x13] =	wrdreg s0  }
0x2b: {  	s7 =	simm.s32 $0x9C40;
	s0 =	sadd.s32 s10, s3;
	[smem:$0x7FB] =	sst s29  }
0x2c: {  	v0 =	vimm.f32 $1.000000000e+00;
	s23 =	simm.s32 $0x7;
	s10 =	simm.s32 $0xBC40;
	[dreg:$0x19] =	wrdreg s0  }
.LBB2_9:
0x2d: {  	[tilespmem:s11], [sflag:$0x3] =	stream.indirect.gather [hbm4b:s5+s6], $0x40, s2, s6, $0xb8;
	[tilespmem:$0x1F840] =	vst v63  }
0x2e: {  	s13 =	rddreg [dreg:$0x1f]  }
0x2f: {  	[smem:$0x7EE] =	sst s13  }
0x30: {  	s13 =	sld [smem:$0x7FB]  }
0x31: {  	s2 =	sld [smem:$0x7F6]  }
0x32: {  	s18 =	rddreg [dreg:$0x1b]  }
0x33: {  	[smem:$0x7EF] =	sst s13  }
0x34: {  	s13 =	sld [smem:$0x7F4]  }
0x35: {  	s31 =	sld [smem:$0x7F7]  }
0x36: {  	s29 =	rddreg [dreg:$0x1c]  }
0x37: {  	[smem:$0x7F0] =	sst s13  }
0x38: {  	s13 =	sld [smem:$0x7FC]  }
0x39: {  	s8 =	sld [smem:$0x7F8]  }
0x3a: {  	s15 =	rddreg [dreg:$0x1d]  }
0x3b: {  	[smem:$0x7F1] =	sst s13  }
0x3c: {  	s13 =	sld [smem:$0x7F5]  }
0x3d: {  	s4 =	sld [smem:$0x7F9]  }
0x3e: {  	s0 =	sld [smem:$0x7FA]  }
0x3f: {  	[smem:$0x7F2] =	sst s13  }
0x40: {  	s13 =	sld [smem:$0x7FD]  }
0x41: {  	s30 =	rddreg [dreg:$0x1e]  }
0x42: {  	[smem:$0x7ED] =	sst s0  }
0x43: {  	s14 =	smov.u32 s5;
	[smem:$0x7F3] =	sst s13  }
.LBB2_10:
0x44: {  	_ =	swait.ge [sflag:s12], $0x2000  }
0x45: {  	[sflag:s12] =	ssyncset.done $0x0  }
0x46: {  	s13 =	simm.s32 $0x9A20;
	[sflag:s12] =	ssyncadd.s32 $0xFFFFE000  }
0x47: {  	[spmem:s3] =	stream.indirect.scatter.add.f32 [tilespmem:s7], [sflag:$0x5], $0x40, s13, s6, $0xb8;
	[tilespmem:$0x1F840] =	vst v63  }
0x48: {  	_ =	swait.ge [sflag:s28], $0x2000  }
0x49: {  	[sflag:s28] =	ssyncset.done $0x0  }
0x4a: {  	s0 =	simm.s32 $0x4D80;
	[sflag:s28] =	ssyncadd.s32 $0xFFFFE000  }
0x4b: {  	[tilespmem:s9], [sflag:$0x4] =	stream.indirect.gather [hbm4b:s14+s6], $0x40, s0, s6, $0xb8;
	[tilespmem:$0x1F840] =	vst v63  }
0x4c: {  	_ =	swait.ge [sflag:s16], $0x2000  }
0x4d: {  	[sflag:s16] =	ssyncset.done $0x0  }
0x4e: {  	s0 =	simm.s32 $0x9AA0;
	[sflag:s16] =	ssyncadd.s32 $0xFFFFE000  }
0x4f: {  	[spmem:s3] =	stream.indirect.scatter.add.f32 [tilespmem:s10], [sflag:$0x6], $0x40, s0, s6, $0xb8;
	[tilespmem:$0x1F840] =	vst v63  }
0x50: {  	_ =	swait.ge [sflag:s17], $0x2000  }
0x51: {  	[sflag:s17] =	ssyncset.done $0x0  }
0x52: {  	[sflag:s17] =	ssyncadd.s32 $0xFFFFE000  }
0x53: {  	_ =	swait.ge [sflag:s25], $0x2000  }
0x54: {  	[sflag:s25] =	ssyncset.done $0x0  }
0x55: {  	s0 =	simm.s32 $0x9B20;
	[sflag:s25] =	ssyncadd.s32 $0xFFFFE000  }
0x56: {  	[spmem:s3] =	stream.indirect.scatter.add.f32 [tilespmem:s11], [sflag:$0x7], $0x40, s0, s6, $0xb8;
	[tilespmem:$0x1F840] =	vst v63  }
0x57: {  	_ =	swait.ge [sflag:s21], $0x2000  }
0x58: {  	[sflag:s21] =	ssyncset.done $0x0  }
0x59: {  	[sflag:s21] =	ssyncadd.s32 $0xFFFFE000  }
0x5a: {  	_ =	swait.ge [sflag:s22], $0x2000  }
0x5b: {  	[sflag:s22] =	ssyncset.done $0x0  }
0x5c: {  	s0 =	simm.s32 $0x9BA0;
	[sflag:s22] =	ssyncadd.s32 $0xFFFFE000  }
0x5d: {  	[spmem:s3] =	stream.indirect.scatter.add.f32 [tilespmem:s9], [sflag:$0x8], $0x40, s0, s6, $0xb8;
	[tilespmem:$0x1F840] =	vst v63  }
0x5e: {  	_ =	swait.ge [sflag:s23], $0x2000  }
0x5f: {  	[sflag:s23] =	ssyncset.done $0x0  }
0x60: {  	[sflag:s23] =	ssyncadd.s32 $0xFFFFE000  }
0x61: {  	_ =	swait.ge [sflag:s28], $0x2000  }
0x62: {  	[sflag:s28] =	ssyncset.done $0x0  }
0x63: {  	s13 =	simm.s32 $0x20;
	s0 =	simm.s32 $0x4E00;
	[sflag:s28] =	ssyncadd.s32 $0xFFFFE000  }
0x64: {  	[tilespmem:s7], [sflag:$0x9] =	stream.indirect.gather [hbm4b:s14+s13], $0x40, s0, s13, $0xb8;
	[tilespmem:$0x1F840] =	vst v63  }
0x65: {  	_ =	swait.ge [sflag:s19], $0x800  }
0x66: {  	[sflag:s19] =	ssyncset.done $0x0  }
0x67: {  	s14 =	simm.s32 $0x9C20;
	[sflag:s19] =	ssyncadd.s32 $0xFFFFF800  }
0x68: {  	[spmem:s3] =	stream.indirect.scatter.add.f32 [tilespmem:s7], [sflag:$0x9], $0x40, s14, s13, $0xb8;
	[tilespmem:$0x1F840] =	vst v63  }
0x69: {  	_ =	swait.ge [sflag:s19], $0x800  }
0x6a: {  	[sflag:s19] =	ssyncset.done $0x0  }
0x6b: {  	[sflag:s19] =	ssyncadd.s32 $0xFFFFF800  }
0x6c: {  	[bflag:$0x0] =	sbarrier.arrive $0xFFFF  }
0x6d: {  	s14 =	rddreg [dreg:$0xd]  }
0x6e: {  	[tilespmem:s26], [sflag:$0x9] =	stream.linear.gather [spmem:s14], $0x1400, $0x38;
	[tilespmem:$0x1F840] =	vst v63  }
0x6f: {  	_ =	swait.ge [sflag:s19], $0x1400  }
0x70: {  	s2 =	sshrl.u32 s2, $0x3;
	[sflag:s19] =	ssyncset.done $0x0;
	s13 =	rddreg [dreg:$0x6]  }
0x71: {  	s14 =	simm.s32 $0x0;
	s2 =	sadd.s32 s13, s2;
	[sflag:s19] =	ssyncadd.s32 $0xFFFFEC00  }
0x72: {  	[hbm4b:s2+s14] =	stream.linear.scatter [tilespmem:s26], [sflag:$0x9], $0x1400, $0x38;
	[tilespmem:$0x1F840] =	vst v63  }
0x73: {  	_ =	swait.ge [sflag:s19], $0x1400  }
0x74: {  	[sflag:s19] =	ssyncset.done $0x0  }
0x75: {  	[sflag:s19] =	ssyncadd.s32 $0xFFFFEC00  }
0x76: {  	[tilespmem:s26], [sflag:$0x9] =	stream.linear.gather [spmem:s18], $0x1400, $0x38;
	[tilespmem:$0x1F840] =	vst v63  }
0x77: {  	_ =	swait.ge [sflag:s19], $0x1400  }
0x78: {  	s0 =	sshrl.u32 s31, $0x3;
	[sflag:s19] =	ssyncset.done $0x0  }
0x79: {  	s2 =	sadd.s32 s13, s0;
	[sflag:s19] =	ssyncadd.s32 $0xFFFFEC00  }
0x7a: {  	[hbm4b:s2+s14] =	stream.linear.scatter [tilespmem:s26], [sflag:$0x9], $0x1400, $0x38;
	[tilespmem:$0x1F840] =	vst v63  }
0x7b: {  	_ =	swait.ge [sflag:s19], $0x1400  }
0x7c: {  	[sflag:s19] =	ssyncset.done $0x0  }
0x7d: {  	[sflag:s19] =	ssyncadd.s32 $0xFFFFEC00  }
0x7e: {  	[tilespmem:s26], [sflag:$0x9] =	stream.linear.gather [spmem:s29], $0x1400, $0x38;
	[tilespmem:$0x1F840] =	vst v63  }
0x7f: {  	_ =	swait.ge [sflag:s19], $0x1400  }
0x80: {  	s18 =	sshrl.u32 s8, $0x3;
	[sflag:s19] =	ssyncset.done $0x0  }
0x81: {  	s2 =	sadd.s32 s13, s18;
	[sflag:s19] =	ssyncadd.s32 $0xFFFFEC00  }
0x82: {  	[hbm4b:s2+s14] =	stream.linear.scatter [tilespmem:s26], [sflag:$0x9], $0x1400, $0x38;
	[tilespmem:$0x1F840] =	vst v63  }
0x83: {  	_ =	swait.ge [sflag:s19], $0x1400  }
0x84: {  	[sflag:s19] =	ssyncset.done $0x0  }
0x85: {  	[sflag:s19] =	ssyncadd.s32 $0xFFFFEC00  }
0x86: {  	[tilespmem:s26], [sflag:$0x9] =	stream.linear.gather [spmem:s15], $0x1400, $0x38;
	[tilespmem:$0x1F840] =	vst v63  }
0x87: {  	_ =	swait.ge [sflag:s19], $0x1400  }
0x88: {  	s29 =	sshrl.u32 s4, $0x3;
	[sflag:s19] =	ssyncset.done $0x0  }
0x89: {  	s2 =	sadd.s32 s13, s29;
	[sflag:s19] =	ssyncadd.s32 $0xFFFFEC00  }
0x8a: {  	[hbm4b:s2+s14] =	stream.linear.scatter [tilespmem:s26], [sflag:$0x9], $0x1400, $0x38;
	[tilespmem:$0x1F840] =	vst v63  }
0x8b: {  	_ =	swait.ge [sflag:s19], $0x1400  }
0x8c: {  	[sflag:s19] =	ssyncset.done $0x0  }
0x8d: {  	[sflag:s19] =	ssyncadd.s32 $0xFFFFEC00  }
0x8e: {  	[tilespmem:s26], [sflag:$0x9] =	stream.linear.gather [spmem:s30], $0x1400, $0x38;
	[tilespmem:$0x1F840] =	vst v63  }
0x8f: {  	_ =	swait.ge [sflag:s19], $0x1400  }
0x90: {  	s31 =	sld [smem:$0x7ED];
	_ =	sdelay $0x2  }
0x91: {  	[sflag:s19] =	ssyncset.done $0x0;
	s0 =	sshrl.u32 s31, $0x3  }
0x92: {  	[sflag:s19] =	ssyncadd.s32 $0xFFFFEC00;
	s2 =	sadd.s32 s13, s0  }
0x93: {  	[hbm4b:s2+s14] =	stream.linear.scatter [tilespmem:s26], [sflag:$0x9], $0x1400, $0x38;
	[tilespmem:$0x1F840] =	vst v63  }
0x94: {  	_ =	swait.ge [sflag:s19], $0x1400  }
0x95: {  	s4 =	sld [smem:$0x7EE]  }
0x96: {  	[sflag:s19] =	ssyncset.done $0x0  }
0x97: {  	[sflag:s19] =	ssyncadd.s32 $0xFFFFEC00  }
0x98: {  	[tilespmem:s26], [sflag:$0x9] =	stream.linear.gather [spmem:s4], $0x1400, $0x38;
	[tilespmem:$0x1F840] =	vst v63  }
0x99: {  	_ =	swait.ge [sflag:s19], $0x1400  }
0x9a: {  	s8 =	sld [smem:$0x7EF];
	_ =	sdelay $0x2  }
0x9b: {  	[sflag:s19] =	ssyncset.done $0x0;
	s0 =	sshrl.u32 s8, $0x3  }
0x9c: {  	[sflag:s19] =	ssyncadd.s32 $0xFFFFEC00;
	s0 =	sadd.s32 s13, s0  }
0x9d: {  	[hbm4b:s0+s14] =	stream.linear.scatter [tilespmem:s26], [sflag:$0x9], $0x1400, $0x38;
	[tilespmem:$0x1F840] =	vst v63  }
0x9e: {  	_ =	swait.ge [sflag:s19], $0x1400  }
0x9f: {  	s15 =	sld [smem:$0x7F0]  }
0xa0: {  	[sflag:s19] =	ssyncset.done $0x0  }
0xa1: {  	[sflag:s19] =	ssyncadd.s32 $0xFFFFEC00  }
0xa2: {  	[tilespmem:s26], [sflag:$0x9] =	stream.linear.gather [spmem:s15], $0x1400, $0x38;
	[tilespmem:$0x1F840] =	vst v63  }
0xa3: {  	_ =	swait.ge [sflag:s19], $0x1400  }
0xa4: {  	s18 =	sld [smem:$0x7F1];
	_ =	sdelay $0x2  }
0xa5: {  	[sflag:s19] =	ssyncset.done $0x0;
	s0 =	sshrl.u32 s18, $0x3  }
0xa6: {  	[sflag:s19] =	ssyncadd.s32 $0xFFFFEC00;
	s0 =	sadd.s32 s13, s0  }
0xa7: {  	[hbm4b:s0+s14] =	stream.linear.scatter [tilespmem:s26], [sflag:$0x9], $0x1400, $0x38;
	[tilespmem:$0x1F840] =	vst v63  }
0xa8: {  	_ =	swait.ge [sflag:s19], $0x1400  }
0xa9: {  	s29 =	sld [smem:$0x7F2]  }
0xaa: {  	[sflag:s19] =	ssyncset.done $0x0  }
0xab: {  	[sflag:s19] =	ssyncadd.s32 $0xFFFFEC00  }
0xac: {  	[tilespmem:s26], [sflag:$0x9] =	stream.linear.gather [spmem:s29], $0x1400, $0x38;
	[tilespmem:$0x1F840] =	vst v63  }
0xad: {  	_ =	swait.ge [sflag:s19], $0x1400  }
0xae: {  	s30 =	sld [smem:$0x7F3];
	_ =	sdelay $0x2  }
0xaf: {  	[sflag:s19] =	ssyncset.done $0x0;
	s0 =	sshrl.u32 s30, $0x3  }
0xb0: {  	[sflag:s19] =	ssyncadd.s32 $0xFFFFEC00;
	s0 =	sadd.s32 s13, s0  }
0xb1: {  	[hbm4b:s0+s14] =	stream.linear.scatter [tilespmem:s26], [sflag:$0x9], $0x1400, $0x38;
	[tilespmem:$0x1F840] =	vst v63  }
0xb2: {  	_ =	swait.ge [sflag:s19], $0x1400  }
0xb3: {  	s20 =	sadd.s32 $0x1, s20;
	s31 =	rddreg [dreg:$0x17]  }
0xb4: {  	p1 =	sne.s32 s20, s31  }
.Ltmp1:
0xb5: {  	_ = 	snop;
	(pc) =	sbr.rel @!p1 .LBB2_11-.Ltmp1, $4  }
0xb6: {  	[sflag:s19] =	ssyncset.done $0x0  }
0xb7: {  	[sflag:s19] =	ssyncadd.s32 $0xFFFFEC00  }
0xb8: {  	[bflag:$0x0] =	sbarrier.arrive $0xFFFF  }
0xb9: {  	s4 =	simm.s32 $0x4E20  }
.LBB2_1:
0xba: {  	s0 =	rddreg [dreg:$0x8]  }
0xbb: {  	[tilespmem:s14], [sflag:$0x9] =	stream.linear.gather [hbm4b:s0+s14], $0x4E20, $0x38;
	[tilespmem:$0x1F840] =	vst v63  }
0xbc: {  	_ =	swait.ge [sflag:s19], $0x4E20  }
0xbd: {  	[sflag:s19] =	ssyncset.done $0x0  }
0xbe: {  	s30 =	rddreg [dreg:$0x9];
	[sflag:s19] =	ssyncadd.s32 $0xFFFFB1E0  }
0xbf: {  	[tilespmem:s4], [sflag:$0x9] =	stream.linear.gather [hbm4b:s30+s14], $0x4E20, $0x38;
	[tilespmem:$0x1F840] =	vst v63  }
0xc0: {  	_ =	swait.ge [sflag:s19], $0x4E20  }
0xc1: {  	[sflag:s19] =	ssyncset.done $0x0  }
.Ltmp2:
0xc2: {  	s31 =	rddreg [dreg:$0x5];
	[sflag:s19] =	ssyncadd.s32 $0xFFFFB1E0;
	(pc) =	sbr.rel @!p0 .LBB2_2-.Ltmp2, $4  }
0xc3: {  	[tilespmem:s24], [sflag:$0x9] =	stream.linear.gather [hbm4b:s31+s14], $0x2800, $0x38;
	[tilespmem:$0x1F840] =	vst v63  }
0xc4: {  	_ =	swait.ge [sflag:s19], $0x2800  }
0xc5: {  	[sflag:s19] =	ssyncset.done $0x0  }
0xc6: {  	s2 =	sshra.s32 s14, $0x2;
	s0 =	sadd.s32 $0x40, s14;
	[sflag:s19] =	ssyncadd.s32 $0xFFFFD800  }
.LBB2_6:
0xc7: {  	p1 =	sne.s32 s0, $0x9C00;
	v1 =	vld [tilespmem:s2+$0x7530];
	_ =	sdelay $0x3  }
.Ltmp3:
0xc8: {  	(pc) =	sbr.rel @p1 .LBB2_6-.Ltmp3, $2  }
0xc9: {  	_ =	sdelay $0x2  }
0xca: {  	s2 =	sshra.s32 s0, $0x2;
	s0 =	sadd.s32 $0x40, s0;
	[tilespmem:v1+s24+$0x0] =	vst.idx.add.f32.msk $0xffff, v0  }
0xcb: {  	v1 =	vld [tilespmem:s2+$0x7530];
	_ =	sdelay $0x7  }
0xcc: {  	s0 =	simm.s32 $0x0;
	s13 =	rddreg [dreg:$0xa];
	[tilespmem:v1+s24+$0x0] =	vst.idx.add.f32.msk $0xffff, v0  }
0xcd: {  	[hbm4b:s13+s0] =	stream.linear.scatter [tilespmem:s24], [sflag:$0x9], $0x2800, $0x38;
	[tilespmem:$0x1F840] =	vst v63  }
0xce: {  	_ =	swait.ge [sflag:s19], $0x2800  }
0xcf: {  	[sflag:s19] =	ssyncset.done $0x0  }
0xd0: {  	s14 =	rddreg [dreg:$0x4];
	[sflag:s19] =	ssyncadd.s32 $0xFFFFD800  }
0xd1: {  	[tilespmem:s26], [sflag:$0x9] =	stream.linear.gather [hbm4b:s14+s0], $0x1400, $0x38;
	[tilespmem:$0x1F840] =	vst v63  }
0xd2: {  	_ =	swait.ge [sflag:s19], $0x1400  }
0xd3: {  	[sflag:s19] =	ssyncset.done $0x0  }
0xd4: {  	s15 =	rddreg [dreg:$0xd];
	[sflag:s19] =	ssyncadd.s32 $0xFFFFEC00  }
0xd5: {  	[spmem:s15] =	stream.linear.scatter [tilespmem:s26], [sflag:$0x9], $0x1400, $0x38;
	[tilespmem:$0x1F840] =	vst v63  }
0xd6: {  	_ =	swait.ge [sflag:s19], $0x1400  }
0xd7: {  	[sflag:s19] =	ssyncset.done $0x0  }
0xd8: {  	s18 =	rddreg [dreg:$0x1b];
	[sflag:s19] =	ssyncadd.s32 $0xFFFFEC00  }
0xd9: {  	[spmem:s18] =	stream.linear.scatter [tilespmem:s26], [sflag:$0x9], $0x1400, $0x38;
	[tilespmem:$0x1F840] =	vst v63  }
0xda: {  	_ =	swait.ge [sflag:s19], $0x1400  }
0xdb: {  	[sflag:s19] =	ssyncset.done $0x0  }
0xdc: {  	s29 =	rddreg [dreg:$0x1c];
	[sflag:s19] =	ssyncadd.s32 $0xFFFFEC00  }
0xdd: {  	[spmem:s29] =	stream.linear.scatter [tilespmem:s26], [sflag:$0x9], $0x1400, $0x38;
	[tilespmem:$0x1F840] =	vst v63  }
0xde: {  	_ =	swait.ge [sflag:s19], $0x1400  }
0xdf: {  	[sflag:s19] =	ssyncset.done $0x0  }
0xe0: {  	s30 =	rddreg [dreg:$0x1d];
	[sflag:s19] =	ssyncadd.s32 $0xFFFFEC00  }
0xe1: {  	[spmem:s30] =	stream.linear.scatter [tilespmem:s26], [sflag:$0x9], $0x1400, $0x38;
	[tilespmem:$0x1F840] =	vst v63  }
0xe2: {  	_ =	swait.ge [sflag:s19], $0x1400  }
0xe3: {  	[sflag:s19] =	ssyncset.done $0x0  }
0xe4: {  	s31 =	rddreg [dreg:$0x1e];
	[sflag:s19] =	ssyncadd.s32 $0xFFFFEC00  }
0xe5: {  	[spmem:s31] =	stream.linear.scatter [tilespmem:s26], [sflag:$0x9], $0x1400, $0x38;
	[tilespmem:$0x1F840] =	vst v63  }
0xe6: {  	_ =	swait.ge [sflag:s19], $0x1400  }
0xe7: {  	[sflag:s19] =	ssyncset.done $0x0  }
0xe8: {  	s8 =	rddreg [dreg:$0x1f];
	[sflag:s19] =	ssyncadd.s32 $0xFFFFEC00  }
0xe9: {  	[spmem:s8] =	stream.linear.scatter [tilespmem:s26], [sflag:$0x9], $0x1400, $0x38;
	[tilespmem:$0x1F840] =	vst v63  }
0xea: {  	_ =	swait.ge [sflag:s19], $0x1400  }
0xeb: {  	s13 =	sld [smem:$0x7F4]  }
0xec: {  	[sflag:s19] =	ssyncset.done $0x0  }
0xed: {  	[sflag:s19] =	ssyncadd.s32 $0xFFFFEC00  }
0xee: {  	[spmem:s13] =	stream.linear.scatter [tilespmem:s26], [sflag:$0x9], $0x1400, $0x38;
	[tilespmem:$0x1F840] =	vst v63  }
0xef: {  	_ =	swait.ge [sflag:s19], $0x1400  }
0xf0: {  	s14 =	sld [smem:$0x7F5]  }
0xf1: {  	[sflag:s19] =	ssyncset.done $0x0  }
0xf2: {  	[sflag:s19] =	ssyncadd.s32 $0xFFFFEC00  }
0xf3: {  	[spmem:s14] =	stream.linear.scatter [tilespmem:s26], [sflag:$0x9], $0x1400, $0x38;
	[tilespmem:$0x1F840] =	vst v63  }
0xf4: {  	_ =	swait.ge [sflag:s19], $0x1400  }
0xf5: {  	[sflag:s19] =	ssyncset.done $0x0  }
0xf6: {  	[sflag:s19] =	ssyncadd.s32 $0xFFFFEC00  }
0xf7: {  	[bflag:$0x0] =	sbarrier.arrive $0xFFFF  }
0xf8: {  	[tilespmem:s7], [sflag:$0x1] =	stream.indirect.gather [hbm4b:s5+s6], $0x40, s0, s6, $0xb8;
	[tilespmem:$0x1F840] =	vst v63  }
0xf9: {  	_ = 	snop  }
0xfa: {  	[tilespmem:s10], [sflag:$0x2] =	stream.indirect.gather [hbm4b:s5+s6], $0x40, s6, s6, $0xb8;
	[tilespmem:$0x1F840] =	vst v63  }
0xfb: {  	s15 =	simm.s32 $0x100  }
0xfc: {  	[tilespmem:s11], [sflag:$0x3] =	stream.indirect.gather [hbm4b:s5+s6], $0x40, s15, s6, $0xb8;
	[tilespmem:$0x1F840] =	vst v63  }
0xfd: {  	_ =	swait.ge [sflag:s12], $0x2000  }
0xfe: {  	[sflag:s12] =	ssyncset.done $0x0  }
0xff: {  	[sflag:s12] =	ssyncadd.s32 $0xFFFFE000  }
0x100: {  	[spmem:s3] =	stream.indirect.scatter.add.f32 [tilespmem:s7], [sflag:$0x5], $0x40, s4, s6, $0xb8;
	[tilespmem:$0x1F840] =	vst v63  }
0x101: {  	s18 =	simm.s32 $0x180  }
0x102: {  	[tilespmem:s9], [sflag:$0x4] =	stream.indirect.gather [hbm4b:s5+s6], $0x40, s18, s6, $0xb8;
	[tilespmem:$0x1F840] =	vst v63  }
0x103: {  	_ =	swait.ge [sflag:s16], $0x2000  }
0x104: {  	[sflag:s16] =	ssyncset.done $0x0  }
0x105: {  	s29 =	simm.s32 $0x4EA0;
	[sflag:s16] =	ssyncadd.s32 $0xFFFFE000  }
0x106: {  	[spmem:s3] =	stream.indirect.scatter.add.f32 [tilespmem:s10], [sflag:$0x6], $0x40, s29, s6, $0xb8;
	[tilespmem:$0x1F840] =	vst v63  }
0x107: {  	_ =	swait.ge [sflag:s17], $0x2000  }
0x108: {  	[sflag:s17] =	ssyncset.done $0x0  }
0x109: {  	s30 =	simm.s32 $0x200;
	[sflag:s17] =	ssyncadd.s32 $0xFFFFE000  }
0x10a: {  	[tilespmem:s7], [sflag:$0x1] =	stream.indirect.gather [hbm4b:s5+s6], $0x40, s30, s6, $0xb8;
	[tilespmem:$0x1F840] =	vst v63  }
0x10b: {  	_ =	swait.ge [sflag:s25], $0x2000  }
0x10c: {  	[sflag:s25] =	ssyncset.done $0x0  }
0x10d: {  	s31 =	simm.s32 $0x4F20;
	[sflag:s25] =	ssyncadd.s32 $0xFFFFE000  }
0x10e: {  	[spmem:s3] =	stream.indirect.scatter.add.f32 [tilespmem:s11], [sflag:$0x7], $0x40, s31, s6, $0xb8;
	[tilespmem:$0x1F840] =	vst v63  }
0x10f: {  	_ =	swait.ge [sflag:s21], $0x2000  }
0x110: {  	[sflag:s21] =	ssyncset.done $0x0  }
0x111: {  	s2 =	simm.s32 $0x280;
	[sflag:s21] =	ssyncadd.s32 $0xFFFFE000  }
0x112: {  	[tilespmem:s10], [sflag:$0x2] =	stream.indirect.gather [hbm4b:s5+s6], $0x40, s2, s6, $0xb8;
	[tilespmem:$0x1F840] =	vst v63  }
0x113: {  	_ =	swait.ge [sflag:s22], $0x2000  }
0x114: {  	[sflag:s22] =	ssyncset.done $0x0  }
0x115: {  	s4 =	simm.s32 $0x4FA0;
	[sflag:s22] =	ssyncadd.s32 $0xFFFFE000  }
0x116: {  	[spmem:s3] =	stream.indirect.scatter.add.f32 [tilespmem:s9], [sflag:$0x8], $0x40, s4, s6, $0xb8;
	[tilespmem:$0x1F840] =	vst v63  }
0x117: {  	_ =	swait.ge [sflag:s23], $0x2000  }
0x118: {  	[sflag:s23] =	ssyncset.done $0x0  }
0x119: {  	s8 =	simm.s32 $0x300;
	[sflag:s23] =	ssyncadd.s32 $0xFFFFE000  }
0x11a: {  	[tilespmem:s11], [sflag:$0x3] =	stream.indirect.gather [hbm4b:s5+s6], $0x40, s8, s6, $0xb8;
	[tilespmem:$0x1F840] =	vst v63  }
0x11b: {  	_ =	swait.ge [sflag:s12], $0x2000  }
0x11c: {  	[sflag:s12] =	ssyncset.done $0x0  }
0x11d: {  	s13 =	simm.s32 $0x5020;
	[sflag:s12] =	ssyncadd.s32 $0xFFFFE000  }
0x11e: {  	[spmem:s3] =	stream.indirect.scatter.add.f32 [tilespmem:s7], [sflag:$0x5], $0x40, s13, s6, $0xb8;
	[tilespmem:$0x1F840] =	vst v63  }
0x11f: {  	_ =	swait.ge [sflag:s28], $0x2000  }
0x120: {  	[sflag:s28] =	ssyncset.done $0x0  }
0x121: {  	s14 =	simm.s32 $0x380;
	[sflag:s28] =	ssyncadd.s32 $0xFFFFE000  }
0x122: {  	[tilespmem:s9], [sflag:$0x4] =	stream.indirect.gather [hbm4b:s5+s6], $0x40, s14, s6, $0xb8;
	[tilespmem:$0x1F840] =	vst v63  }
0x123: {  	_ =	swait.ge [sflag:s16], $0x2000  }
0x124: {  	[sflag:s16] =	ssyncset.done $0x0  }
0x125: {  	s15 =	simm.s32 $0x50A0;
	[sflag:s16] =	ssyncadd.s32 $0xFFFFE000  }
0x126: {  	[spmem:s3] =	stream.indirect.scatter.add.f32 [tilespmem:s10], [sflag:$0x6], $0x40, s15, s6, $0xb8;
	[tilespmem:$0x1F840] =	vst v63  }
0x127: {  	_ =	swait.ge [sflag:s17], $0x2000  }
0x128: {  	[sflag:s17] =	ssyncset.done $0x0  }
0x129: {  	s18 =	simm.s32 $0x400;
	[sflag:s17] =	ssyncadd.s32 $0xFFFFE000  }
0x12a: {  	[tilespmem:s7], [sflag:$0x1] =	stream.indirect.gather [hbm4b:s5+s6], $0x40, s18, s6, $0xb8;
	[tilespmem:$0x1F840] =	vst v63  }
0x12b: {  	_ =	swait.ge [sflag:s25], $0x2000  }
0x12c: {  	[sflag:s25] =	ssyncset.done $0x0  }
0x12d: {  	s29 =	simm.s32 $0x5120;
	[sflag:s25] =	ssyncadd.s32 $0xFFFFE000  }
0x12e: {  	[spmem:s3] =	stream.indirect.scatter.add.f32 [tilespmem:s11], [sflag:$0x7], $0x40, s29, s6, $0xb8;
	[tilespmem:$0x1F840] =	vst v63  }
0x12f: {  	_ =	swait.ge [sflag:s21], $0x2000  }
0x130: {  	[sflag:s21] =	ssyncset.done $0x0  }
0x131: {  	s30 =	simm.s32 $0x480;
	[sflag:s21] =	ssyncadd.s32 $0xFFFFE000  }
0x132: {  	[tilespmem:s10], [sflag:$0x2] =	stream.indirect.gather [hbm4b:s5+s6], $0x40, s30, s6, $0xb8;
	[tilespmem:$0x1F840] =	vst v63  }
0x133: {  	_ =	swait.ge [sflag:s22], $0x2000  }
0x134: {  	[sflag:s22] =	ssyncset.done $0x0  }
0x135: {  	s31 =	simm.s32 $0x51A0;
	[sflag:s22] =	ssyncadd.s32 $0xFFFFE000  }
0x136: {  	[spmem:s3] =	stream.indirect.scatter.add.f32 [tilespmem:s9], [sflag:$0x8], $0x40, s31, s6, $0xb8;
	[tilespmem:$0x1F840] =	vst v63  }
0x137: {  	_ =	swait.ge [sflag:s23], $0x2000  }
0x138: {  	[sflag:s23] =	ssyncset.done $0x0  }
0x139: {  	s0 =	simm.s32 $0x800;
	s2 =	simm.s32 $0x500;
	[sflag:s23] =	ssyncadd.s32 $0xFFFFE000  }
.LBB2_8:
0x13a: {  	[tilespmem:s11], [sflag:$0x3] =	stream.indirect.gather [hbm4b:s5+s6], $0x40, s2, s6, $0xb8;
	[tilespmem:$0x1F840] =	vst v63  }
0x13b: {  	s2 =	smov.u32 s0  }
0x13c: {  	p1 =	sne.s32 s0, $0x12000;
	s0 =	sadd.s32 $0x800, s0;
	_ =	swait.ge [sflag:s12], $0x2000  }
0x13d: {  	s2 =	sshra.s32 s2, $0x2;
	[sflag:s12] =	ssyncset.done $0x0  }
0x13e: {  	s4 =	sadd.s32 $0x5020, s2;
	[sflag:s12] =	ssyncadd.s32 $0xFFFFE000  }
0x13f: {  	[spmem:s3] =	stream.indirect.scatter.add.f32 [tilespmem:s7], [sflag:$0x5], $0x40, s4, s6, $0xb8;
	[tilespmem:$0x1F840] =	vst v63  }
0x140: {  	_ =	swait.ge [sflag:s28], $0x2000  }
0x141: {  	[sflag:s28] =	ssyncset.done $0x0  }
0x142: {  	s4 =	sadd.s32 $0x380, s2;
	[sflag:s28] =	ssyncadd.s32 $0xFFFFE000  }
0x143: {  	[tilespmem:s9], [sflag:$0x4] =	stream.indirect.gather [hbm4b:s5+s6], $0x40, s4, s6, $0xb8;
	[tilespmem:$0x1F840] =	vst v63  }
0x144: {  	_ =	swait.ge [sflag:s16], $0x2000  }
0x145: {  	[sflag:s16] =	ssyncset.done $0x0  }
0x146: {  	s4 =	sadd.s32 $0x50A0, s2;
	[sflag:s16] =	ssyncadd.s32 $0xFFFFE000  }
0x147: {  	[spmem:s3] =	stream.indirect.scatter.add.f32 [tilespmem:s10], [sflag:$0x6], $0x40, s4, s6, $0xb8;
	[tilespmem:$0x1F840] =	vst v63  }
0x148: {  	_ =	swait.ge [sflag:s17], $0x2000  }
0x149: {  	[sflag:s17] =	ssyncset.done $0x0  }
0x14a: {  	s4 =	sadd.s32 $0x400, s2;
	[sflag:s17] =	ssyncadd.s32 $0xFFFFE000  }
0x14b: {  	[tilespmem:s7], [sflag:$0x1] =	stream.indirect.gather [hbm4b:s5+s6], $0x40, s4, s6, $0xb8;
	[tilespmem:$0x1F840] =	vst v63  }
0x14c: {  	_ =	swait.ge [sflag:s25], $0x2000  }
0x14d: {  	[sflag:s25] =	ssyncset.done $0x0  }
0x14e: {  	s4 =	sadd.s32 $0x5120, s2;
	[sflag:s25] =	ssyncadd.s32 $0xFFFFE000  }
0x14f: {  	[spmem:s3] =	stream.indirect.scatter.add.f32 [tilespmem:s11], [sflag:$0x7], $0x40, s4, s6, $0xb8;
	[tilespmem:$0x1F840] =	vst v63  }
0x150: {  	_ =	swait.ge [sflag:s21], $0x2000  }
0x151: {  	[sflag:s21] =	ssyncset.done $0x0  }
0x152: {  	s4 =	sadd.s32 $0x480, s2;
	[sflag:s21] =	ssyncadd.s32 $0xFFFFE000  }
0x153: {  	[tilespmem:s10], [sflag:$0x2] =	stream.indirect.gather [hbm4b:s5+s6], $0x40, s4, s6, $0xb8;
	[tilespmem:$0x1F840] =	vst v63  }
0x154: {  	_ =	swait.ge [sflag:s22], $0x2000  }
0x155: {  	[sflag:s22] =	ssyncset.done $0x0  }
.Ltmp4:
0x156: {  	s4 =	sadd.s32 $0x51A0, s2;
	[sflag:s22] =	ssyncadd.s32 $0xFFFFE000;
	(pc) =	sbr.rel @p1 .LBB2_8-.Ltmp4, $4  }
0x157: {  	[spmem:s3] =	stream.indirect.scatter.add.f32 [tilespmem:s9], [sflag:$0x8], $0x40, s4, s6, $0xb8;
	[tilespmem:$0x1F840] =	vst v63  }
0x158: {  	_ =	swait.ge [sflag:s23], $0x2000  }
0x159: {  	[sflag:s23] =	ssyncset.done $0x0  }
0x15a: {  	s2 =	sadd.s32 $0x500, s2;
	[sflag:s23] =	ssyncadd.s32 $0xFFFFE000  }
.Ltmp5:
0x15b: {  	_ = 	snop;
	(pc) =	sbr.rel .LBB2_9-.Ltmp5, $1  }
0x15c: {  	_ =	sdelay $0x3  }
.LBB2_2:
0x15d: {  	p1 =	sne.s32 s0, $0x9C00;
	v1 =	vld [tilespmem:s2+$0x4E20];
	_ =	sdelay $0x3  }
.Ltmp6:
0x15e: {  	(pc) =	sbr.rel @p1 .LBB2_2-.Ltmp6, $2  }
0x15f: {  	_ =	sdelay $0x2  }
0x160: {  	s2 =	sshra.s32 s0, $0x2;
	s0 =	sadd.s32 $0x40, s0;
	[tilespmem:v1+s24+$0x0] =	vst.idx.add.f32.msk $0xffff, v0  }
0x161: {  	v1 =	vld [tilespmem:s2+$0x4E20];
	_ =	sdelay $0x7  }
0x162: {  	s0 =	simm.s32 $0x0;
	s13 =	rddreg [dreg:$0xa];
	[tilespmem:v1+s24+$0x0] =	vst.idx.add.f32.msk $0xffff, v0  }
0x163: {  	[hbm4b:s13+s0] =	stream.linear.scatter [tilespmem:s24], [sflag:$0x9], $0x2800, $0x38;
	[tilespmem:$0x1F840] =	vst v63  }
0x164: {  	_ =	swait.ge [sflag:s19], $0x2800  }
0x165: {  	[sflag:s19] =	ssyncset.done $0x0  }
0x166: {  	s14 =	rddreg [dreg:$0x4];
	[sflag:s19] =	ssyncadd.s32 $0xFFFFD800  }
0x167: {  	[tilespmem:s26], [sflag:$0x9] =	stream.linear.gather [hbm4b:s14+s0], $0x1400, $0x38;
	[tilespmem:$0x1F840] =	vst v63  }
0x168: {  	_ =	swait.ge [sflag:s19], $0x1400  }
0x169: {  	[sflag:s19] =	ssyncset.done $0x0  }
0x16a: {  	s15 =	rddreg [dreg:$0xd];
	[sflag:s19] =	ssyncadd.s32 $0xFFFFEC00  }
0x16b: {  	[spmem:s15] =	stream.linear.scatter [tilespmem:s26], [sflag:$0x9], $0x1400, $0x38;
	[tilespmem:$0x1F840] =	vst v63  }
0x16c: {  	_ =	swait.ge [sflag:s19], $0x1400  }
0x16d: {  	[sflag:s19] =	ssyncset.done $0x0  }
0x16e: {  	s18 =	rddreg [dreg:$0xe];
	[sflag:s19] =	ssyncadd.s32 $0xFFFFEC00  }
0x16f: {  	[spmem:s18] =	stream.linear.scatter [tilespmem:s26], [sflag:$0x9], $0x1400, $0x38;
	[tilespmem:$0x1F840] =	vst v63  }
0x170: {  	_ =	swait.ge [sflag:s19], $0x1400  }
0x171: {  	[sflag:s19] =	ssyncset.done $0x0  }
0x172: {  	s29 =	rddreg [dreg:$0xf];
	[sflag:s19] =	ssyncadd.s32 $0xFFFFEC00  }
0x173: {  	[spmem:s29] =	stream.linear.scatter [tilespmem:s26], [sflag:$0x9], $0x1400, $0x38;
	[tilespmem:$0x1F840] =	vst v63  }
0x174: {  	_ =	swait.ge [sflag:s19], $0x1400  }
0x175: {  	[sflag:s19] =	ssyncset.done $0x0  }
0x176: {  	s30 =	rddreg [dreg:$0x13];
	[sflag:s19] =	ssyncadd.s32 $0xFFFFEC00  }
0x177: {  	[spmem:s30] =	stream.linear.scatter [tilespmem:s26], [sflag:$0x9], $0x1400, $0x38;
	[tilespmem:$0x1F840] =	vst v63  }
0x178: {  	_ =	swait.ge [sflag:s19], $0x1400  }
0x179: {  	[sflag:s19] =	ssyncset.done $0x0  }
0x17a: {  	s31 =	rddreg [dreg:$0x14];
	[sflag:s19] =	ssyncadd.s32 $0xFFFFEC00  }
0x17b: {  	[spmem:s31] =	stream.linear.scatter [tilespmem:s26], [sflag:$0x9], $0x1400, $0x38;
	[tilespmem:$0x1F840] =	vst v63  }
0x17c: {  	_ =	swait.ge [sflag:s19], $0x1400  }
0x17d: {  	[sflag:s19] =	ssyncset.done $0x0  }
0x17e: {  	s8 =	rddreg [dreg:$0x15];
	[sflag:s19] =	ssyncadd.s32 $0xFFFFEC00  }
0x17f: {  	[spmem:s8] =	stream.linear.scatter [tilespmem:s26], [sflag:$0x9], $0x1400, $0x38;
	[tilespmem:$0x1F840] =	vst v63  }
0x180: {  	_ =	swait.ge [sflag:s19], $0x1400  }
0x181: {  	[sflag:s19] =	ssyncset.done $0x0  }
0x182: {  	s13 =	rddreg [dreg:$0x19];
	[sflag:s19] =	ssyncadd.s32 $0xFFFFEC00  }
0x183: {  	[spmem:s13] =	stream.linear.scatter [tilespmem:s26], [sflag:$0x9], $0x1400, $0x38;
	[tilespmem:$0x1F840] =	vst v63  }
0x184: {  	_ =	swait.ge [sflag:s19], $0x1400  }
0x185: {  	[sflag:s19] =	ssyncset.done $0x0  }
0x186: {  	s14 =	rddreg [dreg:$0x1a];
	[sflag:s19] =	ssyncadd.s32 $0xFFFFEC00  }
0x187: {  	[spmem:s14] =	stream.linear.scatter [tilespmem:s26], [sflag:$0x9], $0x1400, $0x38;
	[tilespmem:$0x1F840] =	vst v63  }
0x188: {  	_ =	swait.ge [sflag:s19], $0x1400  }
0x189: {  	[sflag:s19] =	ssyncset.done $0x0  }
0x18a: {  	[sflag:s19] =	ssyncadd.s32 $0xFFFFEC00  }
0x18b: {  	[bflag:$0x0] =	sbarrier.arrive $0xFFFF  }
0x18c: {  	[tilespmem:s7], [sflag:$0x1] =	stream.indirect.gather [hbm4b:s1+s6], $0x40, s0, s6, $0xb8;
	[tilespmem:$0x1F840] =	vst v63  }
0x18d: {  	_ = 	snop  }
0x18e: {  	[tilespmem:s10], [sflag:$0x2] =	stream.indirect.gather [hbm4b:s1+s6], $0x40, s6, s6, $0xb8;
	[tilespmem:$0x1F840] =	vst v63  }
0x18f: {  	s15 =	simm.s32 $0x100  }
0x190: {  	[tilespmem:s11], [sflag:$0x3] =	stream.indirect.gather [hbm4b:s1+s6], $0x40, s15, s6, $0xb8;
	[tilespmem:$0x1F840] =	vst v63  }
0x191: {  	_ =	swait.ge [sflag:s12], $0x2000  }
0x192: {  	[sflag:s12] =	ssyncset.done $0x0  }
0x193: {  	[sflag:s12] =	ssyncadd.s32 $0xFFFFE000  }
0x194: {  	[spmem:s3] =	stream.indirect.scatter.add.f32 [tilespmem:s7], [sflag:$0x5], $0x40, s4, s6, $0xb8;
	[tilespmem:$0x1F840] =	vst v63  }
0x195: {  	s18 =	simm.s32 $0x180  }
0x196: {  	[tilespmem:s9], [sflag:$0x4] =	stream.indirect.gather [hbm4b:s1+s6], $0x40, s18, s6, $0xb8;
	[tilespmem:$0x1F840] =	vst v63  }
0x197: {  	_ =	swait.ge [sflag:s16], $0x2000  }
0x198: {  	[sflag:s16] =	ssyncset.done $0x0  }
0x199: {  	s29 =	simm.s32 $0x4EA0;
	[sflag:s16] =	ssyncadd.s32 $0xFFFFE000  }
0x19a: {  	[spmem:s3] =	stream.indirect.scatter.add.f32 [tilespmem:s10], [sflag:$0x6], $0x40, s29, s6, $0xb8;
	[tilespmem:$0x1F840] =	vst v63  }
0x19b: {  	_ =	swait.ge [sflag:s17], $0x2000  }
0x19c: {  	[sflag:s17] =	ssyncset.done $0x0  }
0x19d: {  	s30 =	simm.s32 $0x200;
	[sflag:s17] =	ssyncadd.s32 $0xFFFFE000  }
0x19e: {  	[tilespmem:s7], [sflag:$0x1] =	stream.indirect.gather [hbm4b:s1+s6], $0x40, s30, s6, $0xb8;
	[tilespmem:$0x1F840] =	vst v63  }
0x19f: {  	_ =	swait.ge [sflag:s25], $0x2000  }
0x1a0: {  	[sflag:s25] =	ssyncset.done $0x0  }
0x1a1: {  	s31 =	simm.s32 $0x4F20;
	[sflag:s25] =	ssyncadd.s32 $0xFFFFE000  }
0x1a2: {  	[spmem:s3] =	stream.indirect.scatter.add.f32 [tilespmem:s11], [sflag:$0x7], $0x40, s31, s6, $0xb8;
	[tilespmem:$0x1F840] =	vst v63  }
0x1a3: {  	_ =	swait.ge [sflag:s21], $0x2000  }
0x1a4: {  	[sflag:s21] =	ssyncset.done $0x0  }
0x1a5: {  	s2 =	simm.s32 $0x280;
	[sflag:s21] =	ssyncadd.s32 $0xFFFFE000  }
0x1a6: {  	[tilespmem:s10], [sflag:$0x2] =	stream.indirect.gather [hbm4b:s1+s6], $0x40, s2, s6, $0xb8;
	[tilespmem:$0x1F840] =	vst v63  }
0x1a7: {  	_ =	swait.ge [sflag:s22], $0x2000  }
0x1a8: {  	[sflag:s22] =	ssyncset.done $0x0  }
0x1a9: {  	s4 =	simm.s32 $0x4FA0;
	[sflag:s22] =	ssyncadd.s32 $0xFFFFE000  }
0x1aa: {  	[spmem:s3] =	stream.indirect.scatter.add.f32 [tilespmem:s9], [sflag:$0x8], $0x40, s4, s6, $0xb8;
	[tilespmem:$0x1F840] =	vst v63  }
0x1ab: {  	_ =	swait.ge [sflag:s23], $0x2000  }
0x1ac: {  	[sflag:s23] =	ssyncset.done $0x0  }
0x1ad: {  	s8 =	simm.s32 $0x300;
	[sflag:s23] =	ssyncadd.s32 $0xFFFFE000  }
0x1ae: {  	[tilespmem:s11], [sflag:$0x3] =	stream.indirect.gather [hbm4b:s1+s6], $0x40, s8, s6, $0xb8;
	[tilespmem:$0x1F840] =	vst v63  }
0x1af: {  	_ =	swait.ge [sflag:s12], $0x2000  }
0x1b0: {  	[sflag:s12] =	ssyncset.done $0x0  }
0x1b1: {  	s13 =	simm.s32 $0x5020;
	[sflag:s12] =	ssyncadd.s32 $0xFFFFE000  }
0x1b2: {  	[spmem:s3] =	stream.indirect.scatter.add.f32 [tilespmem:s7], [sflag:$0x5], $0x40, s13, s6, $0xb8;
	[tilespmem:$0x1F840] =	vst v63  }
0x1b3: {  	_ =	swait.ge [sflag:s28], $0x2000  }
0x1b4: {  	[sflag:s28] =	ssyncset.done $0x0  }
0x1b5: {  	s14 =	simm.s32 $0x380;
	[sflag:s28] =	ssyncadd.s32 $0xFFFFE000  }
0x1b6: {  	[tilespmem:s9], [sflag:$0x4] =	stream.indirect.gather [hbm4b:s1+s6], $0x40, s14, s6, $0xb8;
	[tilespmem:$0x1F840] =	vst v63  }
0x1b7: {  	_ =	swait.ge [sflag:s16], $0x2000  }
0x1b8: {  	[sflag:s16] =	ssyncset.done $0x0  }
0x1b9: {  	s15 =	simm.s32 $0x50A0;
	[sflag:s16] =	ssyncadd.s32 $0xFFFFE000  }
0x1ba: {  	[spmem:s3] =	stream.indirect.scatter.add.f32 [tilespmem:s10], [sflag:$0x6], $0x40, s15, s6, $0xb8;
	[tilespmem:$0x1F840] =	vst v63  }
0x1bb: {  	_ =	swait.ge [sflag:s17], $0x2000  }
0x1bc: {  	[sflag:s17] =	ssyncset.done $0x0  }
0x1bd: {  	s18 =	simm.s32 $0x400;
	[sflag:s17] =	ssyncadd.s32 $0xFFFFE000  }
0x1be: {  	[tilespmem:s7], [sflag:$0x1] =	stream.indirect.gather [hbm4b:s1+s6], $0x40, s18, s6, $0xb8;
	[tilespmem:$0x1F840] =	vst v63  }
0x1bf: {  	_ =	swait.ge [sflag:s25], $0x2000  }
0x1c0: {  	[sflag:s25] =	ssyncset.done $0x0  }
0x1c1: {  	s29 =	simm.s32 $0x5120;
	[sflag:s25] =	ssyncadd.s32 $0xFFFFE000  }
0x1c2: {  	[spmem:s3] =	stream.indirect.scatter.add.f32 [tilespmem:s11], [sflag:$0x7], $0x40, s29, s6, $0xb8;
	[tilespmem:$0x1F840] =	vst v63  }
0x1c3: {  	_ =	swait.ge [sflag:s21], $0x2000  }
0x1c4: {  	[sflag:s21] =	ssyncset.done $0x0  }
0x1c5: {  	s30 =	simm.s32 $0x480;
	[sflag:s21] =	ssyncadd.s32 $0xFFFFE000  }
0x1c6: {  	[tilespmem:s10], [sflag:$0x2] =	stream.indirect.gather [hbm4b:s1+s6], $0x40, s30, s6, $0xb8;
	[tilespmem:$0x1F840] =	vst v63  }
0x1c7: {  	_ =	swait.ge [sflag:s22], $0x2000  }
0x1c8: {  	[sflag:s22] =	ssyncset.done $0x0  }
0x1c9: {  	s31 =	simm.s32 $0x51A0;
	[sflag:s22] =	ssyncadd.s32 $0xFFFFE000  }
0x1ca: {  	[spmem:s3] =	stream.indirect.scatter.add.f32 [tilespmem:s9], [sflag:$0x8], $0x40, s31, s6, $0xb8;
	[tilespmem:$0x1F840] =	vst v63  }
0x1cb: {  	_ =	swait.ge [sflag:s23], $0x2000  }
0x1cc: {  	[sflag:s23] =	ssyncset.done $0x0  }
0x1cd: {  	s0 =	simm.s32 $0x800;
	s2 =	simm.s32 $0x500;
	[sflag:s23] =	ssyncadd.s32 $0xFFFFE000  }
.LBB2_4:
0x1ce: {  	[tilespmem:s11], [sflag:$0x3] =	stream.indirect.gather [hbm4b:s1+s6], $0x40, s2, s6, $0xb8;
	[tilespmem:$0x1F840] =	vst v63  }
0x1cf: {  	s2 =	smov.u32 s0  }
0x1d0: {  	p1 =	seq.s32 s0, $0x12000;
	s0 =	sadd.s32 $0x800, s0;
	_ =	swait.ge [sflag:s12], $0x2000  }
0x1d1: {  	s2 =	sshra.s32 s2, $0x2;
	[sflag:s12] =	ssyncset.done $0x0  }
0x1d2: {  	s4 =	sadd.s32 $0x5020, s2;
	[sflag:s12] =	ssyncadd.s32 $0xFFFFE000  }
0x1d3: {  	[spmem:s3] =	stream.indirect.scatter.add.f32 [tilespmem:s7], [sflag:$0x5], $0x40, s4, s6, $0xb8;
	[tilespmem:$0x1F840] =	vst v63  }
0x1d4: {  	_ =	swait.ge [sflag:s28], $0x2000  }
0x1d5: {  	[sflag:s28] =	ssyncset.done $0x0  }
0x1d6: {  	s4 =	sadd.s32 $0x380, s2;
	[sflag:s28] =	ssyncadd.s32 $0xFFFFE000  }
0x1d7: {  	[tilespmem:s9], [sflag:$0x4] =	stream.indirect.gather [hbm4b:s1+s6], $0x40, s4, s6, $0xb8;
	[tilespmem:$0x1F840] =	vst v63  }
0x1d8: {  	_ =	swait.ge [sflag:s16], $0x2000  }
0x1d9: {  	[sflag:s16] =	ssyncset.done $0x0  }
0x1da: {  	s4 =	sadd.s32 $0x50A0, s2;
	[sflag:s16] =	ssyncadd.s32 $0xFFFFE000  }
0x1db: {  	[spmem:s3] =	stream.indirect.scatter.add.f32 [tilespmem:s10], [sflag:$0x6], $0x40, s4, s6, $0xb8;
	[tilespmem:$0x1F840] =	vst v63  }
0x1dc: {  	_ =	swait.ge [sflag:s17], $0x2000  }
0x1dd: {  	[sflag:s17] =	ssyncset.done $0x0  }
0x1de: {  	s4 =	sadd.s32 $0x400, s2;
	[sflag:s17] =	ssyncadd.s32 $0xFFFFE000  }
0x1df: {  	[tilespmem:s7], [sflag:$0x1] =	stream.indirect.gather [hbm4b:s1+s6], $0x40, s4, s6, $0xb8;
	[tilespmem:$0x1F840] =	vst v63  }
0x1e0: {  	_ =	swait.ge [sflag:s25], $0x2000  }
0x1e1: {  	[sflag:s25] =	ssyncset.done $0x0  }
0x1e2: {  	s4 =	sadd.s32 $0x5120, s2;
	[sflag:s25] =	ssyncadd.s32 $0xFFFFE000  }
0x1e3: {  	[spmem:s3] =	stream.indirect.scatter.add.f32 [tilespmem:s11], [sflag:$0x7], $0x40, s4, s6, $0xb8;
	[tilespmem:$0x1F840] =	vst v63  }
0x1e4: {  	_ =	swait.ge [sflag:s21], $0x2000  }
0x1e5: {  	[sflag:s21] =	ssyncset.done $0x0  }
0x1e6: {  	s4 =	sadd.s32 $0x480, s2;
	[sflag:s21] =	ssyncadd.s32 $0xFFFFE000  }
0x1e7: {  	[tilespmem:s10], [sflag:$0x2] =	stream.indirect.gather [hbm4b:s1+s6], $0x40, s4, s6, $0xb8;
	[tilespmem:$0x1F840] =	vst v63  }
0x1e8: {  	_ =	swait.ge [sflag:s22], $0x2000  }
0x1e9: {  	[sflag:s22] =	ssyncset.done $0x0  }
.Ltmp7:
0x1ea: {  	s4 =	sadd.s32 $0x51A0, s2;
	[sflag:s22] =	ssyncadd.s32 $0xFFFFE000;
	(pc) =	sbr.rel @!p1 .LBB2_4-.Ltmp7, $4  }
0x1eb: {  	[spmem:s3] =	stream.indirect.scatter.add.f32 [tilespmem:s9], [sflag:$0x8], $0x40, s4, s6, $0xb8;
	[tilespmem:$0x1F840] =	vst v63  }
0x1ec: {  	_ =	swait.ge [sflag:s23], $0x2000  }
0x1ed: {  	[sflag:s23] =	ssyncset.done $0x0  }
0x1ee: {  	s2 =	sadd.s32 $0x500, s2;
	[sflag:s23] =	ssyncadd.s32 $0xFFFFE000  }
0x1ef: {  	[tilespmem:s11], [sflag:$0x3] =	stream.indirect.gather [hbm4b:s1+s6], $0x40, s2, s6, $0xb8;
	[tilespmem:$0x1F840] =	vst v63  }
0x1f0: {  	s2 =	rddreg [dreg:$0x7]  }
0x1f1: {  	s18 =	rddreg [dreg:$0xe]  }
0x1f2: {  	s31 =	rddreg [dreg:$0xb]  }
0x1f3: {  	s29 =	rddreg [dreg:$0xf]  }
0x1f4: {  	s8 =	rddreg [dreg:$0xc]  }
0x1f5: {  	s15 =	rddreg [dreg:$0x13]  }
0x1f6: {  	s4 =	rddreg [dreg:$0x10]  }
0x1f7: {  	s30 =	rddreg [dreg:$0x14]  }
0x1f8: {  	s0 =	rddreg [dreg:$0x11]  }
0x1f9: {  	s13 =	rddreg [dreg:$0x15]  }
0x1fa: {  	[smem:$0x7ED] =	sst s0  }
0x1fb: {  	[smem:$0x7EE] =	sst s13  }
0x1fc: {  	s13 =	rddreg [dreg:$0x12]  }
0x1fd: {  	[smem:$0x7EF] =	sst s13  }
0x1fe: {  	s13 =	rddreg [dreg:$0x19]  }
0x1ff: {  	[smem:$0x7F0] =	sst s13  }
0x200: {  	s13 =	rddreg [dreg:$0x16]  }
.Ltmp8:
0x201: {  	[smem:$0x7F1] =	sst s13;
	(pc) =	sbr.rel .LBB2_10-.Ltmp8, $4  }
0x202: {  	s13 =	rddreg [dreg:$0x1a]  }
0x203: {  	[smem:$0x7F2] =	sst s13  }
0x204: {  	s13 =	rddreg [dreg:$0x18]  }
0x205: {  	s14 =	smov.u32 s1;
	[smem:$0x7F3] =	sst s13  }
.LBB2_11:
0x206: {  	_ =	sfence.sel $0x180000  }
0x207: {  	[bflag:$0x0] =	sbarrier.arrive $0xFFFF  }
0x208: {  	_ =	strace $0x90000047  }
0x209: {  	s0 =	stileid.u32;
	[bflag:$0x2] =	sbarrier.arrive $0xFFFF  }
0x20a: {  	p0 =	sne.s32 s0, $0x0;
	s0 =	rddreg [dreg:$0x3]  }
0x20b: {  	s0 =	sadd.s32 @!p0 $0x100000, s0  }
0x20c: {  	[sflag:s0] =	ssyncadd.tile.s32 @!p0 $0x1;
	_ =	shalt  }
.Lfunc_end2:
_tile_overlayer_lowered:
.L_overlay_start_2:
0x20d: {  	(tag) =	ssettag $0x2  }
0x20e: {  	s0 =	rddreg [dreg:$0x0];
	s2 =	stileid.u32  }
0x20f: {  	s1 =	rddreg [dreg:$0x1];
	p0 =	sne.s32 s2, $0x0  }
0x210: {  	s3 =	rddreg [dreg:$0x2];
	[bflag:$0x3] =	sbarrier.arrive $0xFFFF;
	s2 =	simm.s32 @!p0 $0x1C09  }
0x211: {  	[timem:s3], [sflag:s2] =	dma.local @!p0 [hbm:s0], s1  }
0x212: {  	s0 =	simm.s32 @!p0 $0x9  }
0x213: {  	_ =	swait.ge @!p0 [sflag:s0], s1  }
0x214: {  	s1 =	ssub.s32 @!p0 $0x0, s1;
	[sflag:s0] =	ssyncset.done @!p0 $0x0  }
0x215: {  	[sflag:s0] =	ssyncadd.s32 @!p0 s1  }
0x216: {  	[bflag:$0x3] =	sbarrier.arrive $0xFFFF  }
0x217: {  	_ =	shalt  }

</sc_bundles>
